<compile_context>
chip_gen: v7x
topology: tpu7x:2x2x1
jax: 0.10.2.dev20260603
libtpu: 0.0.44.dev20260713+nightly
codegen_flags: <defaults>
</compile_context>

<pallas_src>
import jax
import jax.numpy as jnp
from jax import lax
from jax.experimental import pallas as pl
from jax.experimental.pallas import tpu as pltpu
from jax.experimental.pallas import tpu_sc as plsc

_N = 50000
_D = 256
_G = 256
_L = 16
_C = 80
_CHUNKS = _N // _C
_NW = 32
_K = -(-_CHUNKS // _NW)
_DK = _D // _L
_TR = _K * _C
_PADN = _NW * _TR


def _sc_body(nf_hbm, bi_hbm, wa_hbm, wm_hbm, cb_hbm,
             partials_hbm, scores_hbm,
             rowbuf, idxbuf, scorebuf, accbuf, wabuf, wmbuf, cbbuf, sem_r):
    wid = lax.axis_index("s") * 2 + lax.axis_index("c")
    start = wid * _K
    end = jnp.minimum(start + _K, _CHUNKS)

    pltpu.sync_copy(wa_hbm, wabuf)
    pltpu.sync_copy(wm_hbm, wmbuf)
    pltpu.sync_copy(cb_hbm, cbbuf)
    pltpu.sync_copy(bi_hbm.at[pl.ds(start * _C, _TR)], idxbuf.at[pl.ds(0, _TR)])

    def _zero(i, carry):
        for k in range(_DK):
            accbuf[i, pl.ds(k * _L, _L)] = jnp.zeros((_L,), jnp.float32)
        return carry

    lax.fori_loop(0, _G, _zero, 0)

    cb_vec = cbbuf[pl.ds(0, _L)]
    b_a = cb_vec[0]
    b_m = cb_vec[1]
    mask0 = lax.iota(jnp.int32, _L) == 0

    @pl.when(start < end)
    def _prologue():
        pltpu.make_async_copy(nf_hbm.at[pl.ds(start * _C, _C), :],
                              rowbuf.at[0], sem_r).start()

    def _chunk(j, carry):
        local = j - start
        buf = lax.rem(local, 2)
        pltpu.make_async_copy(nf_hbm.at[pl.ds(0, _C), :],
                              rowbuf.at[buf], sem_r).wait()

        @pl.when(j + 1 < end)
        def _next():
            pltpu.make_async_copy(nf_hbm.at[pl.ds((j + 1) * _C, _C), :],
                                  rowbuf.at[1 - buf], sem_r).start()

        base_local = local * _C

        @plsc.parallel_loop(0, _C // _L)
        def _group(g):
            r0 = g * _L
            wa_vecs = [wabuf[pl.ds(k * _L, _L)] for k in range(_DK)]
            wm_vecs = [wmbuf[pl.ds(k * _L, _L)] for k in range(_DK)]

            @plsc.parallel_loop(0, _L, unroll=_L)
            def _row(r16):
                r = r0 + r16
                v = [rowbuf[buf, r, pl.ds(k * _L, _L)] for k in range(_DK)]
                pa = [v[k] * wa_vecs[k] for k in range(4)]
                pm = [v[k] * wm_vecs[k] for k in range(4)]
                for k in range(4, _DK):
                    t = k & 3
                    pa[t] = pa[t] + v[k] * wa_vecs[k]
                    pm[t] = pm[t] + v[k] * wm_vecs[k]
                acc_a = (pa[0] + pa[1]) + (pa[2] + pa[3])
                acc_m = (pm[0] + pm[1]) + (pm[2] + pm[3])
                sa = jnp.sum(acc_a) + b_a
                sm = jnp.sum(acc_m) + b_m
                sa_vec = jnp.full((_L,), sa, jnp.float32)
                sm_vec = jnp.full((_L,), sm, jnp.float32)
                score_vec = sa_vec / (1.0 + jnp.exp(-sm_vec))
                seg = idxbuf[pl.ds(base_local + r, _L)][0]
                for k in range(_DK):
                    plsc.addupdate(accbuf.at[seg, pl.ds(k * _L, _L)],
                                   v[k] * score_vec)
                plsc.store_scatter(
                    scorebuf,
                    [jnp.full((_L,), base_local + r, jnp.int32)],
                    score_vec, mask=mask0)

        return carry

    lax.fori_loop(start, end, _chunk, 0)
    pltpu.sync_copy(scorebuf, scores_hbm.at[pl.ds(start * _C, _TR)])
    pltpu.sync_copy(accbuf, partials_hbm.at[wid])


def _merge_body(p_ref, o_ref):
    o_ref[...] = jnp.sum(p_ref[...], axis=0)


@jax.jit
def kernel(node_feats, batch_idx, w_attn, b_attn, w_mask, b_mask):
    bi = batch_idx.astype(jnp.int32)
    bi_pad = jnp.concatenate(
        [bi, jnp.zeros((_PADN - _N,), jnp.int32)])
    wa = w_attn.reshape(_D).astype(jnp.float32)
    wm = w_mask.reshape(_D).astype(jnp.float32)
    cb = jnp.concatenate([b_attn.reshape(1).astype(jnp.float32),
                          b_mask.reshape(1).astype(jnp.float32),
                          jnp.zeros((_L - 2,), jnp.float32)])

    mesh = plsc.VectorSubcoreMesh(core_axis_name="c", subcore_axis_name="s")
    sc_call = pl.kernel(
        _sc_body,
        out_type=(jax.ShapeDtypeStruct((_NW, _G, _D), jnp.float32),
                  jax.ShapeDtypeStruct((_PADN,), jnp.float32)),
        mesh=mesh,
        compiler_params=pltpu.CompilerParams(needs_layout_passes=False),
        scratch_types=[
            pltpu.VMEM((2, _C, _D), jnp.float32),
            pltpu.VMEM((_TR + _L,), jnp.int32),
            pltpu.VMEM((_TR,), jnp.float32),
            pltpu.VMEM((_G, _D), jnp.float32),
            pltpu.VMEM((_D,), jnp.float32),
            pltpu.VMEM((_D,), jnp.float32),
            pltpu.VMEM((_L,), jnp.float32),
            pltpu.SemaphoreType.DMA,
        ],
    )
    partials, scores_pad = sc_call(node_feats, bi_pad, wa, wm, cb)

    pooled = pl.pallas_call(
        _merge_body,
        out_shape=jax.ShapeDtypeStruct((_G, _D), jnp.float32),
    )(partials)
    return pooled, scores_pad[:_N]

# --- scband reference (transcript-rebuilt; emitter-appended) ---
"""Pipeline reference for scband-attention-pooling-26233660244209 (READ-ONLY COPY).

The authoritative reference and input builder live on the scoring server;
editing this copy changes nothing except your own understanding.
"""

import jax, jax.numpy as jnp
import numpy as np

NUM_SEGMENTS = 256

def setup_inputs(seed: int = 0) -> dict:
    key = jax.random.key(seed)
    k1, k2, k3, k4, k5, k6 = jax.random.split(key, 6)
    N, D = 50000, 256
    node_feats = jax.random.normal(k1, (N, D), dtype=jnp.float32)
    batch_idx = jnp.sort(jax.random.randint(k2, (N,), 0, NUM_SEGMENTS, dtype=jnp.int64))
    # nn.Linear(node_dim, 1) weights: stored transposed for matmul convenience
    w_attn = jax.random.normal(k3, (D, 1), dtype=jnp.float32) / np.sqrt(D)
    b_attn = jax.random.normal(k4, (1,), dtype=jnp.float32) * 0.01
    w_mask = jax.random.normal(k5, (D, 1), dtype=jnp.float32) / np.sqrt(D)
    b_mask = jax.random.normal(k6, (1,), dtype=jnp.float32) * 0.01
    return {"node_feats": node_feats, "batch_idx": batch_idx,
            "w_attn": w_attn, "b_attn": b_attn,
            "w_mask": w_mask, "b_mask": b_mask}

def reference(node_feats, batch_idx, w_attn, b_attn, w_mask, b_mask):
    attn_scores = node_feats @ w_attn + b_attn            # [N, 1]
    mask_logits = node_feats @ w_mask + b_mask            # [N, 1]
    node_mask = jax.nn.sigmoid(mask_logits)               # [N, 1]
    final_scores = attn_scores * node_mask                # [N, 1]
    pooled = jax.ops.segment_sum(node_feats * final_scores, batch_idx,
                                 num_segments=NUM_SEGMENTS)  # [G, D]
    return pooled, jnp.squeeze(final_scores, axis=-1)

if __name__ == "__main__":
    import jax
    _d = setup_inputs()
    print(jax.jit(kernel)(*tuple(_d.values())))

</pallas_src>

<mosaic_0001>
#map = affine_map<(d0, d1) -> (0, 0)>
#map1 = affine_map<(d0, d1) -> (0)>
#map2 = affine_map<(d0, d1) -> (0, 0, 0)>
module attributes {stable_mosaic.version = 14 : i64} {
  func.func @_sc_body(%arg0: i32, %arg1: i32, %arg2: memref<50000x256xf32, #tpu.memory_space<hbm>>, %arg3: memref<51200xi32, #tpu.memory_space<hbm>>, %arg4: memref<256xf32, #tpu.memory_space<hbm>>, %arg5: memref<256xf32, #tpu.memory_space<hbm>>, %arg6: memref<16xf32, #tpu.memory_space<hbm>>, %arg7: memref<32x256x256xf32, #tpu.memory_space<hbm>>, %arg8: memref<51200xf32, #tpu.memory_space<hbm>>, %arg9: memref<2x80x256xf32, #tpu.memory_space<vmem>>, %arg10: memref<1616xi32, #tpu.memory_space<vmem>>, %arg11: memref<1600xf32, #tpu.memory_space<vmem>>, %arg12: memref<256x256xf32, #tpu.memory_space<vmem>>, %arg13: memref<256xf32, #tpu.memory_space<vmem>>, %arg14: memref<256xf32, #tpu.memory_space<vmem>>, %arg15: memref<16xf32, #tpu.memory_space<vmem>>, %arg16: memref<!tpu.dma_semaphore, #tpu.memory_space<semaphore_mem>>) attributes {dimension_semantics = [#tpu.dimension_semantics<core_parallel>, #tpu.dimension_semantics<subcore_parallel>], iteration_bounds = array<i64: 2, 16>, scalar_prefetch = 0 : i64, scratch_operands = 8 : i64, tpu.core_type = #tpu.core_type<sc_vector_subcore>, window_params = [{transform_indices = #map}, {transform_indices = #map1}, {transform_indices = #map1}, {transform_indices = #map1}, {transform_indices = #map1}, {transform_indices = #map2}, {transform_indices = #map1}]} {
    %mul3A = arith.constant 2 : i32
    %mul3A_0 = arith.muli %arg1, %mul3A : i32
    %add3A = arith.addi %mul3A_0, %arg0 : i32
    %mul3A_1 = arith.constant 20 : i32
    %mul3A_2 = arith.muli %add3A, %mul3A_1 : i32
    %add3A_3 = arith.constant 20 : i32
    %add3A_4 = arith.addi %mul3A_2, %add3A_3 : i32
    %min3A = arith.constant 625 : i32
    %min3A_5 = arith.minsi %add3A_4, %min3A : i32
    "tpu.region"() ({
      %run_scoped3A = tpu.sem_alloc : memref<!tpu.dma_semaphore, #tpu.memory_space<semaphore_mem>>
      tpu.enqueue_dma source(%arg4 : memref<256xf32, #tpu.memory_space<hbm>>) target(%arg13 : memref<256xf32, #tpu.memory_space<vmem>>) target_semaphore(%run_scoped3A : memref<!tpu.dma_semaphore, #tpu.memory_space<semaphore_mem>>)
      tpu.wait_dma2 semaphore(%run_scoped3A : memref<!tpu.dma_semaphore, #tpu.memory_space<semaphore_mem>>) src(%arg4 : memref<256xf32, #tpu.memory_space<hbm>>) dst(%arg13 : memref<256xf32, #tpu.memory_space<vmem>>)
      tpu.yield
    }) : () -> ()
    "tpu.region"() ({
      %run_scoped3A = tpu.sem_alloc : memref<!tpu.dma_semaphore, #tpu.memory_space<semaphore_mem>>
      tpu.enqueue_dma source(%arg5 : memref<256xf32, #tpu.memory_space<hbm>>) target(%arg14 : memref<256xf32, #tpu.memory_space<vmem>>) target_semaphore(%run_scoped3A : memref<!tpu.dma_semaphore, #tpu.memory_space<semaphore_mem>>)
      tpu.wait_dma2 semaphore(%run_scoped3A : memref<!tpu.dma_semaphore, #tpu.memory_space<semaphore_mem>>) src(%arg5 : memref<256xf32, #tpu.memory_space<hbm>>) dst(%arg14 : memref<256xf32, #tpu.memory_space<vmem>>)
      tpu.yield
    }) : () -> ()
    "tpu.region"() ({
      %run_scoped3A = tpu.sem_alloc : memref<!tpu.dma_semaphore, #tpu.memory_space<semaphore_mem>>
      tpu.enqueue_dma source(%arg6 : memref<16xf32, #tpu.memory_space<hbm>>) target(%arg15 : memref<16xf32, #tpu.memory_space<vmem>>) target_semaphore(%run_scoped3A : memref<!tpu.dma_semaphore, #tpu.memory_space<semaphore_mem>>)
      tpu.wait_dma2 semaphore(%run_scoped3A : memref<!tpu.dma_semaphore, #tpu.memory_space<semaphore_mem>>) src(%arg6 : memref<16xf32, #tpu.memory_space<hbm>>) dst(%arg15 : memref<16xf32, #tpu.memory_space<vmem>>)
      tpu.yield
    }) : () -> ()
    %mul3A_6 = arith.constant 80 : i32
    %mul3A_7 = arith.muli %mul3A_2, %mul3A_6 : i32
    "tpu.region"() ({
      %run_scoped3A = tpu.sem_alloc : memref<!tpu.dma_semaphore, #tpu.memory_space<semaphore_mem>>
      %dma_start3A = arith.constant 0 : i32
      %dma_start3A_29 = tpu.memref_slice %arg10[%dma_start3A] : memref<1616xi32, #tpu.memory_space<vmem>> -> memref<1600xi32, #tpu.memory_space<vmem>>
      %dma_start3A_30 = tpu.memref_slice %arg3[%mul3A_7] : memref<51200xi32, #tpu.memory_space<hbm>> -> memref<1600xi32, #tpu.memory_space<hbm>>
      %dma_start3A_31 = arith.constant 0 : i32
      %dma_start3A_32 = tpu.memref_slice %arg10[%dma_start3A_31] : memref<1616xi32, #tpu.memory_space<vmem>> -> memref<1600xi32, #tpu.memory_space<vmem>>
      %dma_start3A_33 = tpu.memref_slice %arg3[%mul3A_7] : memref<51200xi32, #tpu.memory_space<hbm>> -> memref<1600xi32, #tpu.memory_space<hbm>>
      tpu.enqueue_dma source(%dma_start3A_33 : memref<1600xi32, #tpu.memory_space<hbm>>) target(%dma_start3A_32 : memref<1600xi32, #tpu.memory_space<vmem>>) target_semaphore(%run_scoped3A : memref<!tpu.dma_semaphore, #tpu.memory_space<semaphore_mem>>)
      %dma_wait3A = arith.constant 0 : i32
      %dma_wait3A_34 = tpu.memref_slice %arg10[%dma_wait3A] : memref<1616xi32, #tpu.memory_space<vmem>> -> memref<1600xi32, #tpu.memory_space<vmem>>
      %dma_wait3A_35 = tpu.memref_slice %arg3[%mul3A_7] : memref<51200xi32, #tpu.memory_space<hbm>> -> memref<1600xi32, #tpu.memory_space<hbm>>
      %dma_wait3A_36 = arith.constant 0 : i32
      %dma_wait3A_37 = tpu.memref_slice %arg10[%dma_wait3A_36] : memref<1616xi32, #tpu.memory_space<vmem>> -> memref<1600xi32, #tpu.memory_space<vmem>>
      %dma_wait3A_38 = tpu.memref_slice %arg3[%mul3A_7] : memref<51200xi32, #tpu.memory_space<hbm>> -> memref<1600xi32, #tpu.memory_space<hbm>>
      tpu.wait_dma2 semaphore(%run_scoped3A : memref<!tpu.dma_semaphore, #tpu.memory_space<semaphore_mem>>) src(%dma_wait3A_38 : memref<1600xi32, #tpu.memory_space<hbm>>) dst(%dma_wait3A_37 : memref<1600xi32, #tpu.memory_space<vmem>>)
      tpu.yield
    }) : () -> ()
    %scan3A = arith.constant 0 : i32
    %scan3A_8 = arith.constant 0 : i32
    %scan3A_9 = arith.constant 256 : i32
    %scan3A_10 = arith.addi %scan3A_8, %scan3A_9 : i32
    %scan3A_11 = arith.constant 1 : i32
    scf.for %scan3A_29 = %scan3A_8 to %scan3A_10 step %scan3A_11  : i32 {
      %broadcast_in_dim3A = arith.constant 0.000000e+00 : f32
      %broadcast_in_dim3A_30 = vector.broadcast %broadcast_in_dim3A : f32 to vector<16xf32>
      %swap3A = arith.index_cast %scan3A_29 : i32 to index
      %swap3A_31 = arith.constant 0 : index
      %swap3A_32 = tpu.vector_load %arg12[%swap3A, %swap3A_31] {strides = array<i32>} : memref<256x256xf32, #tpu.memory_space<vmem>>, vector<16xf32>,
      tpu.vector_store %arg12[%swap3A, %swap3A_31], %broadcast_in_dim3A_30 {strides = array<i32>} : memref<256x256xf32, #tpu.memory_space<vmem>>, vector<16xf32>,
      %broadcast_in_dim3A_33 = arith.constant 0.000000e+00 : f32
      %broadcast_in_dim3A_34 = vector.broadcast %broadcast_in_dim3A_33 : f32 to vector<16xf32>
      %swap3A_35 = arith.index_cast %scan3A_29 : i32 to index
      %swap3A_36 = arith.constant 16 : index
      %swap3A_37 = tpu.vector_load %arg12[%swap3A_35, %swap3A_36] {strides = array<i32>} : memref<256x256xf32, #tpu.memory_space<vmem>>, vector<16xf32>,
      tpu.vector_store %arg12[%swap3A_35, %swap3A_36], %broadcast_in_dim3A_34 {strides = array<i32>} : memref<256x256xf32, #tpu.memory_space<vmem>>, vector<16xf32>,
      %broadcast_in_dim3A_38 = arith.constant 0.000000e+00 : f32
      %broadcast_in_dim3A_39 = vector.broadcast %broadcast_in_dim3A_38 : f32 to vector<16xf32>
      %swap3A_40 = arith.index_cast %scan3A_29 : i32 to index
      %swap3A_41 = arith.constant 32 : index
      %swap3A_42 = tpu.vector_load %arg12[%swap3A_40, %swap3A_41] {strides = array<i32>} : memref<256x256xf32, #tpu.memory_space<vmem>>, vector<16xf32>,
      tpu.vector_store %arg12[%swap3A_40, %swap3A_41], %broadcast_in_dim3A_39 {strides = array<i32>} : memref<256x256xf32, #tpu.memory_space<vmem>>, vector<16xf32>,
      %broadcast_in_dim3A_43 = arith.constant 0.000000e+00 : f32
      %broadcast_in_dim3A_44 = vector.broadcast %broadcast_in_dim3A_43 : f32 to vector<16xf32>
      %swap3A_45 = arith.index_cast %scan3A_29 : i32 to index
      %swap3A_46 = arith.constant 48 : index
      %swap3A_47 = tpu.vector_load %arg12[%swap3A_45, %swap3A_46] {strides = array<i32>} : memref<256x256xf32, #tpu.memory_space<vmem>>, vector<16xf32>,
      tpu.vector_store %arg12[%swap3A_45, %swap3A_46], %broadcast_in_dim3A_44 {strides = array<i32>} : memref<256x256xf32, #tpu.memory_space<vmem>>, vector<16xf32>,
      %broadcast_in_dim3A_48 = arith.constant 0.000000e+00 : f32
      %broadcast_in_dim3A_49 = vector.broadcast %broadcast_in_dim3A_48 : f32 to vector<16xf32>
      %swap3A_50 = arith.index_cast %scan3A_29 : i32 to index
      %swap3A_51 = arith.constant 64 : index
      %swap3A_52 = tpu.vector_load %arg12[%swap3A_50, %swap3A_51] {strides = array<i32>} : memref<256x256xf32, #tpu.memory_space<vmem>>, vector<16xf32>,
      tpu.vector_store %arg12[%swap3A_50, %swap3A_51], %broadcast_in_dim3A_49 {strides = array<i32>} : memref<256x256xf32, #tpu.memory_space<vmem>>, vector<16xf32>,
      %broadcast_in_dim3A_53 = arith.constant 0.000000e+00 : f32
      %broadcast_in_dim3A_54 = vector.broadcast %broadcast_in_dim3A_53 : f32 to vector<16xf32>
      %swap3A_55 = arith.index_cast %scan3A_29 : i32 to index
      %swap3A_56 = arith.constant 80 : index
      %swap3A_57 = tpu.vector_load %arg12[%swap3A_55, %swap3A_56] {strides = array<i32>} : memref<256x256xf32, #tpu.memory_space<vmem>>, vector<16xf32>,
      tpu.vector_store %arg12[%swap3A_55, %swap3A_56], %broadcast_in_dim3A_54 {strides = array<i32>} : memref<256x256xf32, #tpu.memory_space<vmem>>, vector<16xf32>,
      %broadcast_in_dim3A_58 = arith.constant 0.000000e+00 : f32
      %broadcast_in_dim3A_59 = vector.broadcast %broadcast_in_dim3A_58 : f32 to vector<16xf32>
      %swap3A_60 = arith.index_cast %scan3A_29 : i32 to index
      %swap3A_61 = arith.constant 96 : index
      %swap3A_62 = tpu.vector_load %arg12[%swap3A_60, %swap3A_61] {strides = array<i32>} : memref<256x256xf32, #tpu.memory_space<vmem>>, vector<16xf32>,
      tpu.vector_store %arg12[%swap3A_60, %swap3A_61], %broadcast_in_dim3A_59 {strides = array<i32>} : memref<256x256xf32, #tpu.memory_space<vmem>>, vector<16xf32>,
      %broadcast_in_dim3A_63 = arith.constant 0.000000e+00 : f32
      %broadcast_in_dim3A_64 = vector.broadcast %broadcast_in_dim3A_63 : f32 to vector<16xf32>
      %swap3A_65 = arith.index_cast %scan3A_29 : i32 to index
      %swap3A_66 = arith.constant 112 : index
      %swap3A_67 = tpu.vector_load %arg12[%swap3A_65, %swap3A_66] {strides = array<i32>} : memref<256x256xf32, #tpu.memory_space<vmem>>, vector<16xf32>,
      tpu.vector_store %arg12[%swap3A_65, %swap3A_66], %broadcast_in_dim3A_64 {strides = array<i32>} : memref<256x256xf32, #tpu.memory_space<vmem>>, vector<16xf32>,
      %broadcast_in_dim3A_68 = arith.constant 0.000000e+00 : f32
      %broadcast_in_dim3A_69 = vector.broadcast %broadcast_in_dim3A_68 : f32 to vector<16xf32>
      %swap3A_70 = arith.index_cast %scan3A_29 : i32 to index
      %swap3A_71 = arith.constant 128 : index
      %swap3A_72 = tpu.vector_load %arg12[%swap3A_70, %swap3A_71] {strides = array<i32>} : memref<256x256xf32, #tpu.memory_space<vmem>>, vector<16xf32>,
      tpu.vector_store %arg12[%swap3A_70, %swap3A_71], %broadcast_in_dim3A_69 {strides = array<i32>} : memref<256x256xf32, #tpu.memory_space<vmem>>, vector<16xf32>,
      %broadcast_in_dim3A_73 = arith.constant 0.000000e+00 : f32
      %broadcast_in_dim3A_74 = vector.broadcast %broadcast_in_dim3A_73 : f32 to vector<16xf32>
      %swap3A_75 = arith.index_cast %scan3A_29 : i32 to index
      %swap3A_76 = arith.constant 144 : index
      %swap3A_77 = tpu.vector_load %arg12[%swap3A_75, %swap3A_76] {strides = array<i32>} : memref<256x256xf32, #tpu.memory_space<vmem>>, vector<16xf32>,
      tpu.vector_store %arg12[%swap3A_75, %swap3A_76], %broadcast_in_dim3A_74 {strides = array<i32>} : memref<256x256xf32, #tpu.memory_space<vmem>>, vector<16xf32>,
      %broadcast_in_dim3A_78 = arith.constant 0.000000e+00 : f32
      %broadcast_in_dim3A_79 = vector.broadcast %broadcast_in_dim3A_78 : f32 to vector<16xf32>
      %swap3A_80 = arith.index_cast %scan3A_29 : i32 to index
      %swap3A_81 = arith.constant 160 : index
      %swap3A_82 = tpu.vector_load %arg12[%swap3A_80, %swap3A_81] {strides = array<i32>} : memref<256x256xf32, #tpu.memory_space<vmem>>, vector<16xf32>,
      tpu.vector_store %arg12[%swap3A_80, %swap3A_81], %broadcast_in_dim3A_79 {strides = array<i32>} : memref<256x256xf32, #tpu.memory_space<vmem>>, vector<16xf32>,
      %broadcast_in_dim3A_83 = arith.constant 0.000000e+00 : f32
      %broadcast_in_dim3A_84 = vector.broadcast %broadcast_in_dim3A_83 : f32 to vector<16xf32>
      %swap3A_85 = arith.index_cast %scan3A_29 : i32 to index
      %swap3A_86 = arith.constant 176 : index
      %swap3A_87 = tpu.vector_load %arg12[%swap3A_85, %swap3A_86] {strides = array<i32>} : memref<256x256xf32, #tpu.memory_space<vmem>>, vector<16xf32>,
      tpu.vector_store %arg12[%swap3A_85, %swap3A_86], %broadcast_in_dim3A_84 {strides = array<i32>} : memref<256x256xf32, #tpu.memory_space<vmem>>, vector<16xf32>,
      %broadcast_in_dim3A_88 = arith.constant 0.000000e+00 : f32
      %broadcast_in_dim3A_89 = vector.broadcast %broadcast_in_dim3A_88 : f32 to vector<16xf32>
      %swap3A_90 = arith.index_cast %scan3A_29 : i32 to index
      %swap3A_91 = arith.constant 192 : index
      %swap3A_92 = tpu.vector_load %arg12[%swap3A_90, %swap3A_91] {strides = array<i32>} : memref<256x256xf32, #tpu.memory_space<vmem>>, vector<16xf32>,
      tpu.vector_store %arg12[%swap3A_90, %swap3A_91], %broadcast_in_dim3A_89 {strides = array<i32>} : memref<256x256xf32, #tpu.memory_space<vmem>>, vector<16xf32>,
      %broadcast_in_dim3A_93 = arith.constant 0.000000e+00 : f32
      %broadcast_in_dim3A_94 = vector.broadcast %broadcast_in_dim3A_93 : f32 to vector<16xf32>
      %swap3A_95 = arith.index_cast %scan3A_29 : i32 to index
      %swap3A_96 = arith.constant 208 : index
      %swap3A_97 = tpu.vector_load %arg12[%swap3A_95, %swap3A_96] {strides = array<i32>} : memref<256x256xf32, #tpu.memory_space<vmem>>, vector<16xf32>,
      tpu.vector_store %arg12[%swap3A_95, %swap3A_96], %broadcast_in_dim3A_94 {strides = array<i32>} : memref<256x256xf32, #tpu.memory_space<vmem>>, vector<16xf32>,
      %broadcast_in_dim3A_98 = arith.constant 0.000000e+00 : f32
      %broadcast_in_dim3A_99 = vector.broadcast %broadcast_in_dim3A_98 : f32 to vector<16xf32>
      %swap3A_100 = arith.index_cast %scan3A_29 : i32 to index
      %swap3A_101 = arith.constant 224 : index
      %swap3A_102 = tpu.vector_load %arg12[%swap3A_100, %swap3A_101] {strides = array<i32>} : memref<256x256xf32, #tpu.memory_space<vmem>>, vector<16xf32>,
      tpu.vector_store %arg12[%swap3A_100, %swap3A_101], %broadcast_in_dim3A_99 {strides = array<i32>} : memref<256x256xf32, #tpu.memory_space<vmem>>, vector<16xf32>,
      %broadcast_in_dim3A_103 = arith.constant 0.000000e+00 : f32
      %broadcast_in_dim3A_104 = vector.broadcast %broadcast_in_dim3A_103 : f32 to vector<16xf32>
      %swap3A_105 = arith.index_cast %scan3A_29 : i32 to index
      %swap3A_106 = arith.constant 240 : index
      %swap3A_107 = tpu.vector_load %arg12[%swap3A_105, %swap3A_106] {strides = array<i32>} : memref<256x256xf32, #tpu.memory_space<vmem>>, vector<16xf32>,
      tpu.vector_store %arg12[%swap3A_105, %swap3A_106], %broadcast_in_dim3A_104 {strides = array<i32>} : memref<256x256xf32, #tpu.memory_space<vmem>>, vector<16xf32>,
    }
    %scan3A_12 = arith.constant 256 : i32
    %get3A = arith.constant 0 : index
    %get3A_13 = tpu.vector_load %arg15[%get3A] {strides = array<i32>} : memref<16xf32, #tpu.memory_space<vmem>>, vector<16xf32>,
    %slice3A = vector.extract_strided_slice %get3A_13 {offsets = [0], sizes = [1], strides = [1]} : vector<16xf32> to vector<1xf32>
    %squeeze3A = vector.extract %slice3A[0] : f32 from vector<1xf32>
    %slice3A_14 = vector.extract_strided_slice %get3A_13 {offsets = [1], sizes = [1], strides = [1]} : vector<16xf32> to vector<1xf32>
    %squeeze3A_15 = vector.extract %slice3A_14[0] : f32 from vector<1xf32>
    %iota3A = tpu.iota {dimensions = array<i32: 0>} : vector<16xi32>
    %eq3A = arith.constant 0 : i32
    %eq3A_16 = vector.broadcast %eq3A : i32 to vector<16xi32>
    %eq3A_17 = arith.cmpi eq, %iota3A, %eq3A_16 : vector<16xi32>
    %lt3A = arith.cmpi slt, %mul3A_2, %min3A_5 : i32
    %convert_element_type3A = arith.extui %lt3A : i1 to i32
    %cond3A = arith.constant 0 : i32
    %cond3A_18 = arith.cmpi ne, %convert_element_type3A, %cond3A : i32
    scf.if %cond3A_18 {
      %mul3A_29 = arith.constant 80 : i32
      %mul3A_30 = arith.muli %mul3A_2, %mul3A_29 : i32
      %dma_start3A = arith.constant 0 : i32
      %dma_start3A_31 = arith.constant 0 : i32
      %dma_start3A_32 = arith.constant 0 : i32
      %dma_start3A_33 = tpu.memref_slice %arg9[%dma_start3A, %dma_start3A_31, %dma_start3A_32] : memref<2x80x256xf32, #tpu.memory_space<vmem>> -> memref<1x80x256xf32, #tpu.memory_space<vmem>>
      %dma_start3A_34 = tpu.memref_squeeze %dma_start3A_33 : memref<1x80x256xf32, #tpu.memory_space<vmem>> -> memref<80x256xf32, #tpu.memory_space<vmem>>
      %dma_start3A_35 = arith.constant 0 : i32
      %dma_start3A_36 = tpu.memref_slice %arg2[%mul3A_30, %dma_start3A_35] : memref<50000x256xf32, #tpu.memory_space<hbm>> -> memref<80x256xf32, #tpu.memory_space<hbm>>
      %dma_start3A_37 = arith.constant 0 : i32
      %dma_start3A_38 = arith.constant 0 : i32
      %dma_start3A_39 = tpu.memref_slice %arg9[%dma_start3A, %dma_start3A_37, %dma_start3A_38] : memref<2x80x256xf32, #tpu.memory_space<vmem>> -> memref<1x80x256xf32, #tpu.memory_space<vmem>>
      %dma_start3A_40 = tpu.memref_squeeze %dma_start3A_39 : memref<1x80x256xf32, #tpu.memory_space<vmem>> -> memref<80x256xf32, #tpu.memory_space<vmem>>
      %dma_start3A_41 = arith.constant 0 : i32
      %dma_start3A_42 = tpu.memref_slice %arg2[%mul3A_30, %dma_start3A_41] : memref<50000x256xf32, #tpu.memory_space<hbm>> -> memref<80x256xf32, #tpu.memory_space<hbm>>
      tpu.enqueue_dma source(%dma_start3A_42 : memref<80x256xf32, #tpu.memory_space<hbm>>) target(%dma_start3A_40 : memref<80x256xf32, #tpu.memory_space<vmem>>) target_semaphore(%arg16 : memref<!tpu.dma_semaphore, #tpu.memory_space<semaphore_mem>>)
    } else {
    }
    %while3A = arith.constant 0 : i32
    %while3A_19 = arith.subi %min3A_5, %mul3A_2 : i32
    %while3A_20 = arith.addi %mul3A_2, %while3A_19 : i32
    %while3A_21 = arith.constant 1 : i32
    %while3A_22 = arith.divsi %while3A_19, %while3A_21 : i32
    %while3A_23 = arith.muli %while3A_22, %while3A_21 : i32
    %while3A_24 = arith.addi %mul3A_2, %while3A_23 : i32
    %while3A_25 = arith.constant 1 : i32
    scf.for %while3A_29 = %mul3A_2 to %while3A_24 step %while3A_25  : i32 {
      %sub3A = arith.subi %while3A_29, %mul3A_2 : i32
      %rem3A = arith.constant 2 : i32
      %rem3A_30 = arith.remsi %sub3A, %rem3A : i32
      %dma_wait3A = arith.constant 0 : i32
      %dma_wait3A_31 = arith.constant 0 : i32
      %dma_wait3A_32 = tpu.memref_slice %arg9[%rem3A_30, %dma_wait3A, %dma_wait3A_31] : memref<2x80x256xf32, #tpu.memory_space<vmem>> -> memref<1x80x256xf32, #tpu.memory_space<vmem>>
      %dma_wait3A_33 = tpu.memref_squeeze %dma_wait3A_32 : memref<1x80x256xf32, #tpu.memory_space<vmem>> -> memref<80x256xf32, #tpu.memory_space<vmem>>
      %dma_wait3A_34 = arith.constant 0 : i32
      %dma_wait3A_35 = arith.constant 0 : i32
      %dma_wait3A_36 = tpu.memref_slice %arg2[%dma_wait3A_34, %dma_wait3A_35] : memref<50000x256xf32, #tpu.memory_space<hbm>> -> memref<80x256xf32, #tpu.memory_space<hbm>>
      %dma_wait3A_37 = arith.constant 0 : i32
      %dma_wait3A_38 = arith.constant 0 : i32
      %dma_wait3A_39 = tpu.memref_slice %arg9[%rem3A_30, %dma_wait3A_37, %dma_wait3A_38] : memref<2x80x256xf32, #tpu.memory_space<vmem>> -> memref<1x80x256xf32, #tpu.memory_space<vmem>>
      %dma_wait3A_40 = tpu.memref_squeeze %dma_wait3A_39 : memref<1x80x256xf32, #tpu.memory_space<vmem>> -> memref<80x256xf32, #tpu.memory_space<vmem>>
      %dma_wait3A_41 = arith.constant 0 : i32
      %dma_wait3A_42 = arith.constant 0 : i32
      %dma_wait3A_43 = tpu.memref_slice %arg2[%dma_wait3A_41, %dma_wait3A_42] : memref<50000x256xf32, #tpu.memory_space<hbm>> -> memref<80x256xf32, #tpu.memory_space<hbm>>
      tpu.wait_dma2 semaphore(%arg16 : memref<!tpu.dma_semaphore, #tpu.memory_space<semaphore_mem>>) src(%dma_wait3A_43 : memref<80x256xf32, #tpu.memory_space<hbm>>) dst(%dma_wait3A_40 : memref<80x256xf32, #tpu.memory_space<vmem>>)
      %add3A_44 = arith.constant 1 : i32
      %add3A_45 = arith.addi %while3A_29, %add3A_44 : i32
      %lt3A_46 = arith.cmpi slt, %add3A_45, %min3A_5 : i32
      %convert_element_type3A_47 = arith.extui %lt3A_46 : i1 to i32
      %cond3A_48 = arith.constant 0 : i32
      %cond3A_49 = arith.cmpi ne, %convert_element_type3A_47, %cond3A_48 : i32
      scf.if %cond3A_49 {
        %add3A_54 = arith.constant 1 : i32
        %add3A_55 = arith.addi %while3A_29, %add3A_54 : i32
        %mul3A_56 = arith.constant 80 : i32
        %mul3A_57 = arith.muli %add3A_55, %mul3A_56 : i32
        %sub3A_58 = arith.constant 1 : i32
        %sub3A_59 = arith.subi %sub3A_58, %rem3A_30 : i32
        %dma_start3A = arith.constant 0 : i32
        %dma_start3A_60 = arith.constant 0 : i32
        %dma_start3A_61 = tpu.memref_slice %arg9[%sub3A_59, %dma_start3A, %dma_start3A_60] : memref<2x80x256xf32, #tpu.memory_space<vmem>> -> memref<1x80x256xf32, #tpu.memory_space<vmem>>
        %dma_start3A_62 = tpu.memref_squeeze %dma_start3A_61 : memref<1x80x256xf32, #tpu.memory_space<vmem>> -> memref<80x256xf32, #tpu.memory_space<vmem>>
        %dma_start3A_63 = arith.constant 0 : i32
        %dma_start3A_64 = tpu.memref_slice %arg2[%mul3A_57, %dma_start3A_63] : memref<50000x256xf32, #tpu.memory_space<hbm>> -> memref<80x256xf32, #tpu.memory_space<hbm>>
        %dma_start3A_65 = arith.constant 0 : i32
        %dma_start3A_66 = arith.constant 0 : i32
        %dma_start3A_67 = tpu.memref_slice %arg9[%sub3A_59, %dma_start3A_65, %dma_start3A_66] : memref<2x80x256xf32, #tpu.memory_space<vmem>> -> memref<1x80x256xf32, #tpu.memory_space<vmem>>
        %dma_start3A_68 = tpu.memref_squeeze %dma_start3A_67 : memref<1x80x256xf32, #tpu.memory_space<vmem>> -> memref<80x256xf32, #tpu.memory_space<vmem>>
        %dma_start3A_69 = arith.constant 0 : i32
        %dma_start3A_70 = tpu.memref_slice %arg2[%mul3A_57, %dma_start3A_69] : memref<50000x256xf32, #tpu.memory_space<hbm>> -> memref<80x256xf32, #tpu.memory_space<hbm>>
        tpu.enqueue_dma source(%dma_start3A_70 : memref<80x256xf32, #tpu.memory_space<hbm>>) target(%dma_start3A_68 : memref<80x256xf32, #tpu.memory_space<vmem>>) target_semaphore(%arg16 : memref<!tpu.dma_semaphore, #tpu.memory_space<semaphore_mem>>)
      } else {
      }
      %mul3A_50 = arith.constant 80 : i32
      %mul3A_51 = arith.muli %sub3A, %mul3A_50 : i32
      %parallel_loop3A = arith.constant 0 : i32
      %parallel_loop3A_52 = arith.constant 5 : i32
      %parallel_loop3A_53 = arith.constant 1 : i32
      scf.for %parallel_loop3A_54 = %parallel_loop3A to %parallel_loop3A_52 step %parallel_loop3A_53  : i32 {
        %parallel_loop3A_55 = arith.constant 16 : i32
        %parallel_loop3A_56 = arith.muli %parallel_loop3A_54, %parallel_loop3A_55 : i32
        %parallel_loop3A_57 = arith.constant 0 : index
        %parallel_loop3A_58 = tpu.vector_load %arg13[%parallel_loop3A_57] {strides = array<i32>} : memref<256xf32, #tpu.memory_space<vmem>>, vector<16xf32>,
        %parallel_loop3A_59 = arith.constant 16 : index
        %parallel_loop3A_60 = tpu.vector_load %arg13[%parallel_loop3A_59] {strides = array<i32>} : memref<256xf32, #tpu.memory_space<vmem>>, vector<16xf32>,
        %parallel_loop3A_61 = arith.constant 32 : index
        %parallel_loop3A_62 = tpu.vector_load %arg13[%parallel_loop3A_61] {strides = array<i32>} : memref<256xf32, #tpu.memory_space<vmem>>, vector<16xf32>,
        %parallel_loop3A_63 = arith.constant 48 : index
        %parallel_loop3A_64 = tpu.vector_load %arg13[%parallel_loop3A_63] {strides = array<i32>} : memref<256xf32, #tpu.memory_space<vmem>>, vector<16xf32>,
        %parallel_loop3A_65 = arith.constant 64 : index
        %parallel_loop3A_66 = tpu.vector_load %arg13[%parallel_loop3A_65] {strides = array<i32>} : memref<256xf32, #tpu.memory_space<vmem>>, vector<16xf32>,
        %parallel_loop3A_67 = arith.constant 80 : index
        %parallel_loop3A_68 = tpu.vector_load %arg13[%parallel_loop3A_67] {strides = array<i32>} : memref<256xf32, #tpu.memory_space<vmem>>, vector<16xf32>,
        %parallel_loop3A_69 = arith.constant 96 : index
        %parallel_loop3A_70 = tpu.vector_load %arg13[%parallel_loop3A_69] {strides = array<i32>} : memref<256xf32, #tpu.memory_space<vmem>>, vector<16xf32>,
        %parallel_loop3A_71 = arith.constant 112 : index
        %parallel_loop3A_72 = tpu.vector_load %arg13[%parallel_loop3A_71] {strides = array<i32>} : memref<256xf32, #tpu.memory_space<vmem>>, vector<16xf32>,
        %parallel_loop3A_73 = arith.constant 128 : index
        %parallel_loop3A_74 = tpu.vector_load %arg13[%parallel_loop3A_73] {strides = array<i32>} : memref<256xf32, #tpu.memory_space<vmem>>, vector<16xf32>,
        %parallel_loop3A_75 = arith.constant 144 : index
        %parallel_loop3A_76 = tpu.vector_load %arg13[%parallel_loop3A_75] {strides = array<i32>} : memref<256xf32, #tpu.memory_space<vmem>>, vector<16xf32>,
        %parallel_loop3A_77 = arith.constant 160 : index
        %parallel_loop3A_78 = tpu.vector_load %arg13[%parallel_loop3A_77] {strides = array<i32>} : memref<256xf32, #tpu.memory_space<vmem>>, vector<16xf32>,
        %parallel_loop3A_79 = arith.constant 176 : index
        %parallel_loop3A_80 = tpu.vector_load %arg13[%parallel_loop3A_79] {strides = array<i32>} : memref<256xf32, #tpu.memory_space<vmem>>, vector<16xf32>,
        %parallel_loop3A_81 = arith.constant 192 : index
        %parallel_loop3A_82 = tpu.vector_load %arg13[%parallel_loop3A_81] {strides = array<i32>} : memref<256xf32, #tpu.memory_space<vmem>>, vector<16xf32>,
        %parallel_loop3A_83 = arith.constant 208 : index
        %parallel_loop3A_84 = tpu.vector_load %arg13[%parallel_loop3A_83] {strides = array<i32>} : memref<256xf32, #tpu.memory_space<vmem>>, vector<16xf32>,
        %parallel_loop3A_85 = arith.constant 224 : index
        %parallel_loop3A_86 = tpu.vector_load %arg13[%parallel_loop3A_85] {strides = array<i32>} : memref<256xf32, #tpu.memory_space<vmem>>, vector<16xf32>,
        %parallel_loop3A_87 = arith.constant 240 : index
        %parallel_loop3A_88 = tpu.vector_load %arg13[%parallel_loop3A_87] {strides = array<i32>} : memref<256xf32, #tpu.memory_space<vmem>>, vector<16xf32>,
        %parallel_loop3A_89 = arith.constant 0 : index
        %parallel_loop3A_90 = tpu.vector_load %arg14[%parallel_loop3A_89] {strides = array<i32>} : memref<256xf32, #tpu.memory_space<vmem>>, vector<16xf32>,
        %parallel_loop3A_91 = arith.constant 16 : index
        %parallel_loop3A_92 = tpu.vector_load %arg14[%parallel_loop3A_91] {strides = array<i32>} : memref<256xf32, #tpu.memory_space<vmem>>, vector<16xf32>,
        %parallel_loop3A_93 = arith.constant 32 : index
        %parallel_loop3A_94 = tpu.vector_load %arg14[%parallel_loop3A_93] {strides = array<i32>} : memref<256xf32, #tpu.memory_space<vmem>>, vector<16xf32>,
        %parallel_loop3A_95 = arith.constant 48 : index
        %parallel_loop3A_96 = tpu.vector_load %arg14[%parallel_loop3A_95] {strides = array<i32>} : memref<256xf32, #tpu.memory_space<vmem>>, vector<16xf32>,
        %parallel_loop3A_97 = arith.constant 64 : index
        %parallel_loop3A_98 = tpu.vector_load %arg14[%parallel_loop3A_97] {strides = array<i32>} : memref<256xf32, #tpu.memory_space<vmem>>, vector<16xf32>,
        %parallel_loop3A_99 = arith.constant 80 : index
        %parallel_loop3A_100 = tpu.vector_load %arg14[%parallel_loop3A_99] {strides = array<i32>} : memref<256xf32, #tpu.memory_space<vmem>>, vector<16xf32>,
        %parallel_loop3A_101 = arith.constant 96 : index
        %parallel_loop3A_102 = tpu.vector_load %arg14[%parallel_loop3A_101] {strides = array<i32>} : memref<256xf32, #tpu.memory_space<vmem>>, vector<16xf32>,
        %parallel_loop3A_103 = arith.constant 112 : index
        %parallel_loop3A_104 = tpu.vector_load %arg14[%parallel_loop3A_103] {strides = array<i32>} : memref<256xf32, #tpu.memory_space<vmem>>, vector<16xf32>,
        %parallel_loop3A_105 = arith.constant 128 : index
        %parallel_loop3A_106 = tpu.vector_load %arg14[%parallel_loop3A_105] {strides = array<i32>} : memref<256xf32, #tpu.memory_space<vmem>>, vector<16xf32>,
        %parallel_loop3A_107 = arith.constant 144 : index
        %parallel_loop3A_108 = tpu.vector_load %arg14[%parallel_loop3A_107] {strides = array<i32>} : memref<256xf32, #tpu.memory_space<vmem>>, vector<16xf32>,
        %parallel_loop3A_109 = arith.constant 160 : index
        %parallel_loop3A_110 = tpu.vector_load %arg14[%parallel_loop3A_109] {strides = array<i32>} : memref<256xf32, #tpu.memory_space<vmem>>, vector<16xf32>,
        %parallel_loop3A_111 = arith.constant 176 : index
        %parallel_loop3A_112 = tpu.vector_load %arg14[%parallel_loop3A_111] {strides = array<i32>} : memref<256xf32, #tpu.memory_space<vmem>>, vector<16xf32>,
        %parallel_loop3A_113 = arith.constant 192 : index
        %parallel_loop3A_114 = tpu.vector_load %arg14[%parallel_loop3A_113] {strides = array<i32>} : memref<256xf32, #tpu.memory_space<vmem>>, vector<16xf32>,
        %parallel_loop3A_115 = arith.constant 208 : index
        %parallel_loop3A_116 = tpu.vector_load %arg14[%parallel_loop3A_115] {strides = array<i32>} : memref<256xf32, #tpu.memory_space<vmem>>, vector<16xf32>,
        %parallel_loop3A_117 = arith.constant 224 : index
        %parallel_loop3A_118 = tpu.vector_load %arg14[%parallel_loop3A_117] {strides = array<i32>} : memref<256xf32, #tpu.memory_space<vmem>>, vector<16xf32>,
        %parallel_loop3A_119 = arith.constant 240 : index
        %parallel_loop3A_120 = tpu.vector_load %arg14[%parallel_loop3A_119] {strides = array<i32>} : memref<256xf32, #tpu.memory_space<vmem>>, vector<16xf32>,
        %parallel_loop3A_121 = arith.constant 0 : i32
        %parallel_loop3A_122 = arith.constant 16 : i32
        %parallel_loop3A_123 = arith.constant 1 : i32
        scf.for %parallel_loop3A_124 = %parallel_loop3A_121 to %parallel_loop3A_122 step %parallel_loop3A_123  : i32 {
          %parallel_loop3A_125 = arith.addi %parallel_loop3A_56, %parallel_loop3A_124 : i32
          %parallel_loop3A_126 = arith.index_cast %rem3A_30 : i32 to index
          %parallel_loop3A_127 = arith.index_cast %parallel_loop3A_125 : i32 to index
          %parallel_loop3A_128 = arith.constant 0 : index
          %parallel_loop3A_129 = tpu.vector_load %arg9[%parallel_loop3A_126, %parallel_loop3A_127, %parallel_loop3A_128] {strides = array<i32>} : memref<2x80x256xf32, #tpu.memory_space<vmem>>, vector<16xf32>,
          %parallel_loop3A_130 = arith.index_cast %rem3A_30 : i32 to index
          %parallel_loop3A_131 = arith.index_cast %parallel_loop3A_125 : i32 to index
          %parallel_loop3A_132 = arith.constant 16 : index
          %parallel_loop3A_133 = tpu.vector_load %arg9[%parallel_loop3A_130, %parallel_loop3A_131, %parallel_loop3A_132] {strides = array<i32>} : memref<2x80x256xf32, #tpu.memory_space<vmem>>, vector<16xf32>,
          %parallel_loop3A_134 = arith.index_cast %rem3A_30 : i32 to index
          %parallel_loop3A_135 = arith.index_cast %parallel_loop3A_125 : i32 to index
          %parallel_loop3A_136 = arith.constant 32 : index
          %parallel_loop3A_137 = tpu.vector_load %arg9[%parallel_loop3A_134, %parallel_loop3A_135, %parallel_loop3A_136] {strides = array<i32>} : memref<2x80x256xf32, #tpu.memory_space<vmem>>, vector<16xf32>,
          %parallel_loop3A_138 = arith.index_cast %rem3A_30 : i32 to index
          %parallel_loop3A_139 = arith.index_cast %parallel_loop3A_125 : i32 to index
          %parallel_loop3A_140 = arith.constant 48 : index
          %parallel_loop3A_141 = tpu.vector_load %arg9[%parallel_loop3A_138, %parallel_loop3A_139, %parallel_loop3A_140] {strides = array<i32>} : memref<2x80x256xf32, #tpu.memory_space<vmem>>, vector<16xf32>,
          %parallel_loop3A_142 = arith.index_cast %rem3A_30 : i32 to index
          %parallel_loop3A_143 = arith.index_cast %parallel_loop3A_125 : i32 to index
          %parallel_loop3A_144 = arith.constant 64 : index
          %parallel_loop3A_145 = tpu.vector_load %arg9[%parallel_loop3A_142, %parallel_loop3A_143, %parallel_loop3A_144] {strides = array<i32>} : memref<2x80x256xf32, #tpu.memory_space<vmem>>, vector<16xf32>,
          %parallel_loop3A_146 = arith.index_cast %rem3A_30 : i32 to index
          %parallel_loop3A_147 = arith.index_cast %parallel_loop3A_125 : i32 to index
          %parallel_loop3A_148 = arith.constant 80 : index
          %parallel_loop3A_149 = tpu.vector_load %arg9[%parallel_loop3A_146, %parallel_loop3A_147, %parallel_loop3A_148] {strides = array<i32>} : memref<2x80x256xf32, #tpu.memory_space<vmem>>, vector<16xf32>,
          %parallel_loop3A_150 = arith.index_cast %rem3A_30 : i32 to index
          %parallel_loop3A_151 = arith.index_cast %parallel_loop3A_125 : i32 to index
          %parallel_loop3A_152 = arith.constant 96 : index
          %parallel_loop3A_153 = tpu.vector_load %arg9[%parallel_loop3A_150, %parallel_loop3A_151, %parallel_loop3A_152] {strides = array<i32>} : memref<2x80x256xf32, #tpu.memory_space<vmem>>, vector<16xf32>,
          %parallel_loop3A_154 = arith.index_cast %rem3A_30 : i32 to index
          %parallel_loop3A_155 = arith.index_cast %parallel_loop3A_125 : i32 to index
          %parallel_loop3A_156 = arith.constant 112 : index
          %parallel_loop3A_157 = tpu.vector_load %arg9[%parallel_loop3A_154, %parallel_loop3A_155, %parallel_loop3A_156] {strides = array<i32>} : memref<2x80x256xf32, #tpu.memory_space<vmem>>, vector<16xf32>,
          %parallel_loop3A_158 = arith.index_cast %rem3A_30 : i32 to index
          %parallel_loop3A_159 = arith.index_cast %parallel_loop3A_125 : i32 to index
          %parallel_loop3A_160 = arith.constant 128 : index
          %parallel_loop3A_161 = tpu.vector_load %arg9[%parallel_loop3A_158, %parallel_loop3A_159, %parallel_loop3A_160] {strides = array<i32>} : memref<2x80x256xf32, #tpu.memory_space<vmem>>, vector<16xf32>,
          %parallel_loop3A_162 = arith.index_cast %rem3A_30 : i32 to index
          %parallel_loop3A_163 = arith.index_cast %parallel_loop3A_125 : i32 to index
          %parallel_loop3A_164 = arith.constant 144 : index
          %parallel_loop3A_165 = tpu.vector_load %arg9[%parallel_loop3A_162, %parallel_loop3A_163, %parallel_loop3A_164] {strides = array<i32>} : memref<2x80x256xf32, #tpu.memory_space<vmem>>, vector<16xf32>,
          %parallel_loop3A_166 = arith.index_cast %rem3A_30 : i32 to index
          %parallel_loop3A_167 = arith.index_cast %parallel_loop3A_125 : i32 to index
          %parallel_loop3A_168 = arith.constant 160 : index
          %parallel_loop3A_169 = tpu.vector_load %arg9[%parallel_loop3A_166, %parallel_loop3A_167, %parallel_loop3A_168] {strides = array<i32>} : memref<2x80x256xf32, #tpu.memory_space<vmem>>, vector<16xf32>,
          %parallel_loop3A_170 = arith.index_cast %rem3A_30 : i32 to index
          %parallel_loop3A_171 = arith.index_cast %parallel_loop3A_125 : i32 to index
          %parallel_loop3A_172 = arith.constant 176 : index
          %parallel_loop3A_173 = tpu.vector_load %arg9[%parallel_loop3A_170, %parallel_loop3A_171, %parallel_loop3A_172] {strides = array<i32>} : memref<2x80x256xf32, #tpu.memory_space<vmem>>, vector<16xf32>,
          %parallel_loop3A_174 = arith.index_cast %rem3A_30 : i32 to index
          %parallel_loop3A_175 = arith.index_cast %parallel_loop3A_125 : i32 to index
          %parallel_loop3A_176 = arith.constant 192 : index
          %parallel_loop3A_177 = tpu.vector_load %arg9[%parallel_loop3A_174, %parallel_loop3A_175, %parallel_loop3A_176] {strides = array<i32>} : memref<2x80x256xf32, #tpu.memory_space<vmem>>, vector<16xf32>,
          %parallel_loop3A_178 = arith.index_cast %rem3A_30 : i32 to index
          %parallel_loop3A_179 = arith.index_cast %parallel_loop3A_125 : i32 to index
          %parallel_loop3A_180 = arith.constant 208 : index
          %parallel_loop3A_181 = tpu.vector_load %arg9[%parallel_loop3A_178, %parallel_loop3A_179, %parallel_loop3A_180] {strides = array<i32>} : memref<2x80x256xf32, #tpu.memory_space<vmem>>, vector<16xf32>,
          %parallel_loop3A_182 = arith.index_cast %rem3A_30 : i32 to index
          %parallel_loop3A_183 = arith.index_cast %parallel_loop3A_125 : i32 to index
          %parallel_loop3A_184 = arith.constant 224 : index
          %parallel_loop3A_185 = tpu.vector_load %arg9[%parallel_loop3A_182, %parallel_loop3A_183, %parallel_loop3A_184] {strides = array<i32>} : memref<2x80x256xf32, #tpu.memory_space<vmem>>, vector<16xf32>,
          %parallel_loop3A_186 = arith.index_cast %rem3A_30 : i32 to index
          %parallel_loop3A_187 = arith.index_cast %parallel_loop3A_125 : i32 to index
          %parallel_loop3A_188 = arith.constant 240 : index
          %parallel_loop3A_189 = tpu.vector_load %arg9[%parallel_loop3A_186, %parallel_loop3A_187, %parallel_loop3A_188] {strides = array<i32>} : memref<2x80x256xf32, #tpu.memory_space<vmem>>, vector<16xf32>,
          %parallel_loop3A_190 = arith.mulf %parallel_loop3A_129, %parallel_loop3A_58 : vector<16xf32>
          %parallel_loop3A_191 = arith.mulf %parallel_loop3A_133, %parallel_loop3A_60 : vector<16xf32>
          %parallel_loop3A_192 = arith.mulf %parallel_loop3A_137, %parallel_loop3A_62 : vector<16xf32>
          %parallel_loop3A_193 = arith.mulf %parallel_loop3A_141, %parallel_loop3A_64 : vector<16xf32>
          %parallel_loop3A_194 = arith.mulf %parallel_loop3A_129, %parallel_loop3A_90 : vector<16xf32>
          %parallel_loop3A_195 = arith.mulf %parallel_loop3A_133, %parallel_loop3A_92 : vector<16xf32>
          %parallel_loop3A_196 = arith.mulf %parallel_loop3A_137, %parallel_loop3A_94 : vector<16xf32>
          %parallel_loop3A_197 = arith.mulf %parallel_loop3A_141, %parallel_loop3A_96 : vector<16xf32>
          %parallel_loop3A_198 = arith.mulf %parallel_loop3A_145, %parallel_loop3A_66 : vector<16xf32>
          %parallel_loop3A_199 = arith.addf %parallel_loop3A_190, %parallel_loop3A_198 : vector<16xf32>
          %parallel_loop3A_200 = arith.mulf %parallel_loop3A_145, %parallel_loop3A_98 : vector<16xf32>
          %parallel_loop3A_201 = arith.addf %parallel_loop3A_194, %parallel_loop3A_200 : vector<16xf32>
          %parallel_loop3A_202 = arith.mulf %parallel_loop3A_149, %parallel_loop3A_68 : vector<16xf32>
          %parallel_loop3A_203 = arith.addf %parallel_loop3A_191, %parallel_loop3A_202 : vector<16xf32>
          %parallel_loop3A_204 = arith.mulf %parallel_loop3A_149, %parallel_loop3A_100 : vector<16xf32>
          %parallel_loop3A_205 = arith.addf %parallel_loop3A_195, %parallel_loop3A_204 : vector<16xf32>
          %parallel_loop3A_206 = arith.mulf %parallel_loop3A_153, %parallel_loop3A_70 : vector<16xf32>
          %parallel_loop3A_207 = arith.addf %parallel_loop3A_192, %parallel_loop3A_206 : vector<16xf32>
          %parallel_loop3A_208 = arith.mulf %parallel_loop3A_153, %parallel_loop3A_102 : vector<16xf32>
          %parallel_loop3A_209 = arith.addf %parallel_loop3A_196, %parallel_loop3A_208 : vector<16xf32>
          %parallel_loop3A_210 = arith.mulf %parallel_loop3A_157, %parallel_loop3A_72 : vector<16xf32>
          %parallel_loop3A_211 = arith.addf %parallel_loop3A_193, %parallel_loop3A_210 : vector<16xf32>
          %parallel_loop3A_212 = arith.mulf %parallel_loop3A_157, %parallel_loop3A_104 : vector<16xf32>
          %parallel_loop3A_213 = arith.addf %parallel_loop3A_197, %parallel_loop3A_212 : vector<16xf32>
          %parallel_loop3A_214 = arith.mulf %parallel_loop3A_161, %parallel_loop3A_74 : vector<16xf32>
          %parallel_loop3A_215 = arith.addf %parallel_loop3A_199, %parallel_loop3A_214 : vector<16xf32>
          %parallel_loop3A_216 = arith.mulf %parallel_loop3A_161, %parallel_loop3A_106 : vector<16xf32>
          %parallel_loop3A_217 = arith.addf %parallel_loop3A_201, %parallel_loop3A_216 : vector<16xf32>
          %parallel_loop3A_218 = arith.mulf %parallel_loop3A_165, %parallel_loop3A_76 : vector<16xf32>
          %parallel_loop3A_219 = arith.addf %parallel_loop3A_203, %parallel_loop3A_218 : vector<16xf32>
          %parallel_loop3A_220 = arith.mulf %parallel_loop3A_165, %parallel_loop3A_108 : vector<16xf32>
          %parallel_loop3A_221 = arith.addf %parallel_loop3A_205, %parallel_loop3A_220 : vector<16xf32>
          %parallel_loop3A_222 = arith.mulf %parallel_loop3A_169, %parallel_loop3A_78 : vector<16xf32>
          %parallel_loop3A_223 = arith.addf %parallel_loop3A_207, %parallel_loop3A_222 : vector<16xf32>
          %parallel_loop3A_224 = arith.mulf %parallel_loop3A_169, %parallel_loop3A_110 : vector<16xf32>
          %parallel_loop3A_225 = arith.addf %parallel_loop3A_209, %parallel_loop3A_224 : vector<16xf32>
          %parallel_loop3A_226 = arith.mulf %parallel_loop3A_173, %parallel_loop3A_80 : vector<16xf32>
          %parallel_loop3A_227 = arith.addf %parallel_loop3A_211, %parallel_loop3A_226 : vector<16xf32>
          %parallel_loop3A_228 = arith.mulf %parallel_loop3A_173, %parallel_loop3A_112 : vector<16xf32>
          %parallel_loop3A_229 = arith.addf %parallel_loop3A_213, %parallel_loop3A_228 : vector<16xf32>
          %parallel_loop3A_230 = arith.mulf %parallel_loop3A_177, %parallel_loop3A_82 : vector<16xf32>
          %parallel_loop3A_231 = arith.addf %parallel_loop3A_215, %parallel_loop3A_230 : vector<16xf32>
          %parallel_loop3A_232 = arith.mulf %parallel_loop3A_177, %parallel_loop3A_114 : vector<16xf32>
          %parallel_loop3A_233 = arith.addf %parallel_loop3A_217, %parallel_loop3A_232 : vector<16xf32>
          %parallel_loop3A_234 = arith.mulf %parallel_loop3A_181, %parallel_loop3A_84 : vector<16xf32>
          %parallel_loop3A_235 = arith.addf %parallel_loop3A_219, %parallel_loop3A_234 : vector<16xf32>
          %parallel_loop3A_236 = arith.mulf %parallel_loop3A_181, %parallel_loop3A_116 : vector<16xf32>
          %parallel_loop3A_237 = arith.addf %parallel_loop3A_221, %parallel_loop3A_236 : vector<16xf32>
          %parallel_loop3A_238 = arith.mulf %parallel_loop3A_185, %parallel_loop3A_86 : vector<16xf32>
          %parallel_loop3A_239 = arith.addf %parallel_loop3A_223, %parallel_loop3A_238 : vector<16xf32>
          %parallel_loop3A_240 = arith.mulf %parallel_loop3A_185, %parallel_loop3A_118 : vector<16xf32>
          %parallel_loop3A_241 = arith.addf %parallel_loop3A_225, %parallel_loop3A_240 : vector<16xf32>
          %parallel_loop3A_242 = arith.mulf %parallel_loop3A_189, %parallel_loop3A_88 : vector<16xf32>
          %parallel_loop3A_243 = arith.addf %parallel_loop3A_227, %parallel_loop3A_242 : vector<16xf32>
          %parallel_loop3A_244 = arith.mulf %parallel_loop3A_189, %parallel_loop3A_120 : vector<16xf32>
          %parallel_loop3A_245 = arith.addf %parallel_loop3A_229, %parallel_loop3A_244 : vector<16xf32>
          %parallel_loop3A_246 = arith.addf %parallel_loop3A_231, %parallel_loop3A_235 : vector<16xf32>
          %parallel_loop3A_247 = arith.addf %parallel_loop3A_239, %parallel_loop3A_243 : vector<16xf32>
          %parallel_loop3A_248 = arith.addf %parallel_loop3A_246, %parallel_loop3A_247 : vector<16xf32>
          %parallel_loop3A_249 = arith.addf %parallel_loop3A_233, %parallel_loop3A_237 : vector<16xf32>
          %parallel_loop3A_250 = arith.addf %parallel_loop3A_241, %parallel_loop3A_245 : vector<16xf32>
          %parallel_loop3A_251 = arith.addf %parallel_loop3A_249, %parallel_loop3A_250 : vector<16xf32>
          %parallel_loop3A_252 = arith.constant true
          %parallel_loop3A_253 = vector.broadcast %parallel_loop3A_252 : i1 to vector<16xi1>
          %parallel_loop3A_254 = tpu.scan <sum>, %parallel_loop3A_248 masked %parallel_loop3A_253 : vector<16xf32>, vector<16xi1> -> vector<16xf32>
          %parallel_loop3A_255 = vector.extract %parallel_loop3A_254[15] : f32 from vector<16xf32>
          %parallel_loop3A_256 = arith.addf %parallel_loop3A_255, %squeeze3A : f32
          %parallel_loop3A_257 = arith.constant true
          %parallel_loop3A_258 = vector.broadcast %parallel_loop3A_257 : i1 to vector<16xi1>
          %parallel_loop3A_259 = tpu.scan <sum>, %parallel_loop3A_251 masked %parallel_loop3A_258 : vector<16xf32>, vector<16xi1> -> vector<16xf32>
          %parallel_loop3A_260 = vector.extract %parallel_loop3A_259[15] : f32 from vector<16xf32>
          %parallel_loop3A_261 = arith.addf %parallel_loop3A_260, %squeeze3A_15 : f32
          %parallel_loop3A_262 = vector.broadcast %parallel_loop3A_256 : f32 to vector<16xf32>
          %parallel_loop3A_263 = vector.broadcast %parallel_loop3A_261 : f32 to vector<16xf32>
          %parallel_loop3A_264 = arith.constant 0.000000e+00 : f32
          %parallel_loop3A_265 = vector.broadcast %parallel_loop3A_264 : f32 to vector<16xf32>
          %parallel_loop3A_266 = arith.subf %parallel_loop3A_265, %parallel_loop3A_263 : vector<16xf32>
          %parallel_loop3A_267 = math.exp %parallel_loop3A_266 : vector<16xf32>
          %parallel_loop3A_268 = arith.constant 1.000000e+00 : f32
          %parallel_loop3A_269 = vector.broadcast %parallel_loop3A_268 : f32 to vector<16xf32>
          %parallel_loop3A_270 = arith.addf %parallel_loop3A_269, %parallel_loop3A_267 : vector<16xf32>
          %parallel_loop3A_271 = arith.divf %parallel_loop3A_262, %parallel_loop3A_270 : vector<16xf32>
          %parallel_loop3A_272 = arith.addi %mul3A_51, %parallel_loop3A_125 : i32
          %parallel_loop3A_273 = arith.index_cast %parallel_loop3A_272 : i32 to index
          %parallel_loop3A_274 = tpu.vector_load %arg10[%parallel_loop3A_273] {strides = array<i32>} : memref<1616xi32, #tpu.memory_space<vmem>>, vector<16xi32>,
          %parallel_loop3A_275 = vector.extract_strided_slice %parallel_loop3A_274 {offsets = [0], sizes = [1], strides = [1]} : vector<16xi32> to vector<1xi32>
          %parallel_loop3A_276 = vector.extract %parallel_loop3A_275[0] : i32 from vector<1xi32>
          %parallel_loop3A_277 = arith.mulf %parallel_loop3A_129, %parallel_loop3A_271 : vector<16xf32>
          %parallel_loop3A_278 = arith.index_cast %parallel_loop3A_276 : i32 to index
          %parallel_loop3A_279 = arith.constant 0 : index
          %parallel_loop3A_280 = tpu.vector_load %arg12[%parallel_loop3A_278, %parallel_loop3A_279] {strides = array<i32>} : memref<256x256xf32, #tpu.memory_space<vmem>>, vector<16xf32>,
          tpu.vector_store %arg12[%parallel_loop3A_278, %parallel_loop3A_279], %parallel_loop3A_277 {add = true, strides = array<i32>} : memref<256x256xf32, #tpu.memory_space<vmem>>, vector<16xf32>,
          %parallel_loop3A_281 = arith.mulf %parallel_loop3A_133, %parallel_loop3A_271 : vector<16xf32>
          %parallel_loop3A_282 = arith.index_cast %parallel_loop3A_276 : i32 to index
          %parallel_loop3A_283 = arith.constant 16 : index
          %parallel_loop3A_284 = tpu.vector_load %arg12[%parallel_loop3A_282, %parallel_loop3A_283] {strides = array<i32>} : memref<256x256xf32, #tpu.memory_space<vmem>>, vector<16xf32>,
          tpu.vector_store %arg12[%parallel_loop3A_282, %parallel_loop3A_283], %parallel_loop3A_281 {add = true, strides = array<i32>} : memref<256x256xf32, #tpu.memory_space<vmem>>, vector<16xf32>,
          %parallel_loop3A_285 = arith.mulf %parallel_loop3A_137, %parallel_loop3A_271 : vector<16xf32>
          %parallel_loop3A_286 = arith.index_cast %parallel_loop3A_276 : i32 to index
          %parallel_loop3A_287 = arith.constant 32 : index
          %parallel_loop3A_288 = tpu.vector_load %arg12[%parallel_loop3A_286, %parallel_loop3A_287] {strides = array<i32>} : memref<256x256xf32, #tpu.memory_space<vmem>>, vector<16xf32>,
          tpu.vector_store %arg12[%parallel_loop3A_286, %parallel_loop3A_287], %parallel_loop3A_285 {add = true, strides = array<i32>} : memref<256x256xf32, #tpu.memory_space<vmem>>, vector<16xf32>,
          %parallel_loop3A_289 = arith.mulf %parallel_loop3A_141, %parallel_loop3A_271 : vector<16xf32>
          %parallel_loop3A_290 = arith.index_cast %parallel_loop3A_276 : i32 to index
          %parallel_loop3A_291 = arith.constant 48 : index
          %parallel_loop3A_292 = tpu.vector_load %arg12[%parallel_loop3A_290, %parallel_loop3A_291] {strides = array<i32>} : memref<256x256xf32, #tpu.memory_space<vmem>>, vector<16xf32>,
          tpu.vector_store %arg12[%parallel_loop3A_290, %parallel_loop3A_291], %parallel_loop3A_289 {add = true, strides = array<i32>} : memref<256x256xf32, #tpu.memory_space<vmem>>, vector<16xf32>,
          %parallel_loop3A_293 = arith.mulf %parallel_loop3A_145, %parallel_loop3A_271 : vector<16xf32>
          %parallel_loop3A_294 = arith.index_cast %parallel_loop3A_276 : i32 to index
          %parallel_loop3A_295 = arith.constant 64 : index
          %parallel_loop3A_296 = tpu.vector_load %arg12[%parallel_loop3A_294, %parallel_loop3A_295] {strides = array<i32>} : memref<256x256xf32, #tpu.memory_space<vmem>>, vector<16xf32>,
          tpu.vector_store %arg12[%parallel_loop3A_294, %parallel_loop3A_295], %parallel_loop3A_293 {add = true, strides = array<i32>} : memref<256x256xf32, #tpu.memory_space<vmem>>, vector<16xf32>,
          %parallel_loop3A_297 = arith.mulf %parallel_loop3A_149, %parallel_loop3A_271 : vector<16xf32>
          %parallel_loop3A_298 = arith.index_cast %parallel_loop3A_276 : i32 to index
          %parallel_loop3A_299 = arith.constant 80 : index
          %parallel_loop3A_300 = tpu.vector_load %arg12[%parallel_loop3A_298, %parallel_loop3A_299] {strides = array<i32>} : memref<256x256xf32, #tpu.memory_space<vmem>>, vector<16xf32>,
          tpu.vector_store %arg12[%parallel_loop3A_298, %parallel_loop3A_299], %parallel_loop3A_297 {add = true, strides = array<i32>} : memref<256x256xf32, #tpu.memory_space<vmem>>, vector<16xf32>,
          %parallel_loop3A_301 = arith.mulf %parallel_loop3A_153, %parallel_loop3A_271 : vector<16xf32>
          %parallel_loop3A_302 = arith.index_cast %parallel_loop3A_276 : i32 to index
          %parallel_loop3A_303 = arith.constant 96 : index
          %parallel_loop3A_304 = tpu.vector_load %arg12[%parallel_loop3A_302, %parallel_loop3A_303] {strides = array<i32>} : memref<256x256xf32, #tpu.memory_space<vmem>>, vector<16xf32>,
          tpu.vector_store %arg12[%parallel_loop3A_302, %parallel_loop3A_303], %parallel_loop3A_301 {add = true, strides = array<i32>} : memref<256x256xf32, #tpu.memory_space<vmem>>, vector<16xf32>,
          %parallel_loop3A_305 = arith.mulf %parallel_loop3A_157, %parallel_loop3A_271 : vector<16xf32>
          %parallel_loop3A_306 = arith.index_cast %parallel_loop3A_276 : i32 to index
          %parallel_loop3A_307 = arith.constant 112 : index
          %parallel_loop3A_308 = tpu.vector_load %arg12[%parallel_loop3A_306, %parallel_loop3A_307] {strides = array<i32>} : memref<256x256xf32, #tpu.memory_space<vmem>>, vector<16xf32>,
          tpu.vector_store %arg12[%parallel_loop3A_306, %parallel_loop3A_307], %parallel_loop3A_305 {add = true, strides = array<i32>} : memref<256x256xf32, #tpu.memory_space<vmem>>, vector<16xf32>,
          %parallel_loop3A_309 = arith.mulf %parallel_loop3A_161, %parallel_loop3A_271 : vector<16xf32>
          %parallel_loop3A_310 = arith.index_cast %parallel_loop3A_276 : i32 to index
          %parallel_loop3A_311 = arith.constant 128 : index
          %parallel_loop3A_312 = tpu.vector_load %arg12[%parallel_loop3A_310, %parallel_loop3A_311] {strides = array<i32>} : memref<256x256xf32, #tpu.memory_space<vmem>>, vector<16xf32>,
          tpu.vector_store %arg12[%parallel_loop3A_310, %parallel_loop3A_311], %parallel_loop3A_309 {add = true, strides = array<i32>} : memref<256x256xf32, #tpu.memory_space<vmem>>, vector<16xf32>,
          %parallel_loop3A_313 = arith.mulf %parallel_loop3A_165, %parallel_loop3A_271 : vector<16xf32>
          %parallel_loop3A_314 = arith.index_cast %parallel_loop3A_276 : i32 to index
          %parallel_loop3A_315 = arith.constant 144 : index
          %parallel_loop3A_316 = tpu.vector_load %arg12[%parallel_loop3A_314, %parallel_loop3A_315] {strides = array<i32>} : memref<256x256xf32, #tpu.memory_space<vmem>>, vector<16xf32>,
          tpu.vector_store %arg12[%parallel_loop3A_314, %parallel_loop3A_315], %parallel_loop3A_313 {add = true, strides = array<i32>} : memref<256x256xf32, #tpu.memory_space<vmem>>, vector<16xf32>,
          %parallel_loop3A_317 = arith.mulf %parallel_loop3A_169, %parallel_loop3A_271 : vector<16xf32>
          %parallel_loop3A_318 = arith.index_cast %parallel_loop3A_276 : i32 to index
          %parallel_loop3A_319 = arith.constant 160 : index
          %parallel_loop3A_320 = tpu.vector_load %arg12[%parallel_loop3A_318, %parallel_loop3A_319] {strides = array<i32>} : memref<256x256xf32, #tpu.memory_space<vmem>>, vector<16xf32>,
          tpu.vector_store %arg12[%parallel_loop3A_318, %parallel_loop3A_319], %parallel_loop3A_317 {add = true, strides = array<i32>} : memref<256x256xf32, #tpu.memory_space<vmem>>, vector<16xf32>,
          %parallel_loop3A_321 = arith.mulf %parallel_loop3A_173, %parallel_loop3A_271 : vector<16xf32>
          %parallel_loop3A_322 = arith.index_cast %parallel_loop3A_276 : i32 to index
          %parallel_loop3A_323 = arith.constant 176 : index
          %parallel_loop3A_324 = tpu.vector_load %arg12[%parallel_loop3A_322, %parallel_loop3A_323] {strides = array<i32>} : memref<256x256xf32, #tpu.memory_space<vmem>>, vector<16xf32>,
          tpu.vector_store %arg12[%parallel_loop3A_322, %parallel_loop3A_323], %parallel_loop3A_321 {add = true, strides = array<i32>} : memref<256x256xf32, #tpu.memory_space<vmem>>, vector<16xf32>,
          %parallel_loop3A_325 = arith.mulf %parallel_loop3A_177, %parallel_loop3A_271 : vector<16xf32>
          %parallel_loop3A_326 = arith.index_cast %parallel_loop3A_276 : i32 to index
          %parallel_loop3A_327 = arith.constant 192 : index
          %parallel_loop3A_328 = tpu.vector_load %arg12[%parallel_loop3A_326, %parallel_loop3A_327] {strides = array<i32>} : memref<256x256xf32, #tpu.memory_space<vmem>>, vector<16xf32>,
          tpu.vector_store %arg12[%parallel_loop3A_326, %parallel_loop3A_327], %parallel_loop3A_325 {add = true, strides = array<i32>} : memref<256x256xf32, #tpu.memory_space<vmem>>, vector<16xf32>,
          %parallel_loop3A_329 = arith.mulf %parallel_loop3A_181, %parallel_loop3A_271 : vector<16xf32>
          %parallel_loop3A_330 = arith.index_cast %parallel_loop3A_276 : i32 to index
          %parallel_loop3A_331 = arith.constant 208 : index
          %parallel_loop3A_332 = tpu.vector_load %arg12[%parallel_loop3A_330, %parallel_loop3A_331] {strides = array<i32>} : memref<256x256xf32, #tpu.memory_space<vmem>>, vector<16xf32>,
          tpu.vector_store %arg12[%parallel_loop3A_330, %parallel_loop3A_331], %parallel_loop3A_329 {add = true, strides = array<i32>} : memref<256x256xf32, #tpu.memory_space<vmem>>, vector<16xf32>,
          %parallel_loop3A_333 = arith.mulf %parallel_loop3A_185, %parallel_loop3A_271 : vector<16xf32>
          %parallel_loop3A_334 = arith.index_cast %parallel_loop3A_276 : i32 to index
          %parallel_loop3A_335 = arith.constant 224 : index
          %parallel_loop3A_336 = tpu.vector_load %arg12[%parallel_loop3A_334, %parallel_loop3A_335] {strides = array<i32>} : memref<256x256xf32, #tpu.memory_space<vmem>>, vector<16xf32>,
          tpu.vector_store %arg12[%parallel_loop3A_334, %parallel_loop3A_335], %parallel_loop3A_333 {add = true, strides = array<i32>} : memref<256x256xf32, #tpu.memory_space<vmem>>, vector<16xf32>,
          %parallel_loop3A_337 = arith.mulf %parallel_loop3A_189, %parallel_loop3A_271 : vector<16xf32>
          %parallel_loop3A_338 = arith.index_cast %parallel_loop3A_276 : i32 to index
          %parallel_loop3A_339 = arith.constant 240 : index
          %parallel_loop3A_340 = tpu.vector_load %arg12[%parallel_loop3A_338, %parallel_loop3A_339] {strides = array<i32>} : memref<256x256xf32, #tpu.memory_space<vmem>>, vector<16xf32>,
          tpu.vector_store %arg12[%parallel_loop3A_338, %parallel_loop3A_339], %parallel_loop3A_337 {add = true, strides = array<i32>} : memref<256x256xf32, #tpu.memory_space<vmem>>, vector<16xf32>,
          %parallel_loop3A_341 = arith.addi %mul3A_51, %parallel_loop3A_125 : i32
          %parallel_loop3A_342 = vector.broadcast %parallel_loop3A_341 : i32 to vector<16xi32>
          tpu.vector_store_idx %arg11[%parallel_loop3A_342], %parallel_loop3A_271 masked %eq3A_17 : memref<1600xf32, #tpu.memory_space<vmem>>[vector<16xi32>], vector<16xf32>, vector<16xi1>
        } {sc.loop_unroll_factor = 16 : i64, sc.parallel_access}
      } {sc.loop_unroll_factor = 1 : i64, sc.parallel_access}
    }
    %while3A_26 = arith.constant 1 : i32
    scf.for %while3A_29 = %while3A_24 to %while3A_20 step %while3A_26  : i32 {
      %sub3A = arith.subi %while3A_29, %mul3A_2 : i32
      %rem3A = arith.constant 2 : i32
      %rem3A_30 = arith.remsi %sub3A, %rem3A : i32
      %dma_wait3A = arith.constant 0 : i32
      %dma_wait3A_31 = arith.constant 0 : i32
      %dma_wait3A_32 = tpu.memref_slice %arg9[%rem3A_30, %dma_wait3A, %dma_wait3A_31] : memref<2x80x256xf32, #tpu.memory_space<vmem>> -> memref<1x80x256xf32, #tpu.memory_space<vmem>>
      %dma_wait3A_33 = tpu.memref_squeeze %dma_wait3A_32 : memref<1x80x256xf32, #tpu.memory_space<vmem>> -> memref<80x256xf32, #tpu.memory_space<vmem>>
      %dma_wait3A_34 = arith.constant 0 : i32
      %dma_wait3A_35 = arith.constant 0 : i32
      %dma_wait3A_36 = tpu.memref_slice %arg2[%dma_wait3A_34, %dma_wait3A_35] : memref<50000x256xf32, #tpu.memory_space<hbm>> -> memref<80x256xf32, #tpu.memory_space<hbm>>
      %dma_wait3A_37 = arith.constant 0 : i32
      %dma_wait3A_38 = arith.constant 0 : i32
      %dma_wait3A_39 = tpu.memref_slice %arg9[%rem3A_30, %dma_wait3A_37, %dma_wait3A_38] : memref<2x80x256xf32, #tpu.memory_space<vmem>> -> memref<1x80x256xf32, #tpu.memory_space<vmem>>
      %dma_wait3A_40 = tpu.memref_squeeze %dma_wait3A_39 : memref<1x80x256xf32, #tpu.memory_space<vmem>> -> memref<80x256xf32, #tpu.memory_space<vmem>>
      %dma_wait3A_41 = arith.constant 0 : i32
      %dma_wait3A_42 = arith.constant 0 : i32
      %dma_wait3A_43 = tpu.memref_slice %arg2[%dma_wait3A_41, %dma_wait3A_42] : memref<50000x256xf32, #tpu.memory_space<hbm>> -> memref<80x256xf32, #tpu.memory_space<hbm>>
      tpu.wait_dma2 semaphore(%arg16 : memref<!tpu.dma_semaphore, #tpu.memory_space<semaphore_mem>>) src(%dma_wait3A_43 : memref<80x256xf32, #tpu.memory_space<hbm>>) dst(%dma_wait3A_40 : memref<80x256xf32, #tpu.memory_space<vmem>>)
      %add3A_44 = arith.constant 1 : i32
      %add3A_45 = arith.addi %while3A_29, %add3A_44 : i32
      %lt3A_46 = arith.cmpi slt, %add3A_45, %min3A_5 : i32
      %convert_element_type3A_47 = arith.extui %lt3A_46 : i1 to i32
      %cond3A_48 = arith.constant 0 : i32
      %cond3A_49 = arith.cmpi ne, %convert_element_type3A_47, %cond3A_48 : i32
      scf.if %cond3A_49 {
        %add3A_54 = arith.constant 1 : i32
        %add3A_55 = arith.addi %while3A_29, %add3A_54 : i32
        %mul3A_56 = arith.constant 80 : i32
        %mul3A_57 = arith.muli %add3A_55, %mul3A_56 : i32
        %sub3A_58 = arith.constant 1 : i32
        %sub3A_59 = arith.subi %sub3A_58, %rem3A_30 : i32
        %dma_start3A = arith.constant 0 : i32
        %dma_start3A_60 = arith.constant 0 : i32
        %dma_start3A_61 = tpu.memref_slice %arg9[%sub3A_59, %dma_start3A, %dma_start3A_60] : memref<2x80x256xf32, #tpu.memory_space<vmem>> -> memref<1x80x256xf32, #tpu.memory_space<vmem>>
        %dma_start3A_62 = tpu.memref_squeeze %dma_start3A_61 : memref<1x80x256xf32, #tpu.memory_space<vmem>> -> memref<80x256xf32, #tpu.memory_space<vmem>>
        %dma_start3A_63 = arith.constant 0 : i32
        %dma_start3A_64 = tpu.memref_slice %arg2[%mul3A_57, %dma_start3A_63] : memref<50000x256xf32, #tpu.memory_space<hbm>> -> memref<80x256xf32, #tpu.memory_space<hbm>>
        %dma_start3A_65 = arith.constant 0 : i32
        %dma_start3A_66 = arith.constant 0 : i32
        %dma_start3A_67 = tpu.memref_slice %arg9[%sub3A_59, %dma_start3A_65, %dma_start3A_66] : memref<2x80x256xf32, #tpu.memory_space<vmem>> -> memref<1x80x256xf32, #tpu.memory_space<vmem>>
        %dma_start3A_68 = tpu.memref_squeeze %dma_start3A_67 : memref<1x80x256xf32, #tpu.memory_space<vmem>> -> memref<80x256xf32, #tpu.memory_space<vmem>>
        %dma_start3A_69 = arith.constant 0 : i32
        %dma_start3A_70 = tpu.memref_slice %arg2[%mul3A_57, %dma_start3A_69] : memref<50000x256xf32, #tpu.memory_space<hbm>> -> memref<80x256xf32, #tpu.memory_space<hbm>>
        tpu.enqueue_dma source(%dma_start3A_70 : memref<80x256xf32, #tpu.memory_space<hbm>>) target(%dma_start3A_68 : memref<80x256xf32, #tpu.memory_space<vmem>>) target_semaphore(%arg16 : memref<!tpu.dma_semaphore, #tpu.memory_space<semaphore_mem>>)
      } else {
      }
      %mul3A_50 = arith.constant 80 : i32
      %mul3A_51 = arith.muli %sub3A, %mul3A_50 : i32
      %parallel_loop3A = arith.constant 0 : i32
      %parallel_loop3A_52 = arith.constant 5 : i32
      %parallel_loop3A_53 = arith.constant 1 : i32
      scf.for %parallel_loop3A_54 = %parallel_loop3A to %parallel_loop3A_52 step %parallel_loop3A_53  : i32 {
        %parallel_loop3A_55 = arith.constant 16 : i32
        %parallel_loop3A_56 = arith.muli %parallel_loop3A_54, %parallel_loop3A_55 : i32
        %parallel_loop3A_57 = arith.constant 0 : index
        %parallel_loop3A_58 = tpu.vector_load %arg13[%parallel_loop3A_57] {strides = array<i32>} : memref<256xf32, #tpu.memory_space<vmem>>, vector<16xf32>,
        %parallel_loop3A_59 = arith.constant 16 : index
        %parallel_loop3A_60 = tpu.vector_load %arg13[%parallel_loop3A_59] {strides = array<i32>} : memref<256xf32, #tpu.memory_space<vmem>>, vector<16xf32>,
        %parallel_loop3A_61 = arith.constant 32 : index
        %parallel_loop3A_62 = tpu.vector_load %arg13[%parallel_loop3A_61] {strides = array<i32>} : memref<256xf32, #tpu.memory_space<vmem>>, vector<16xf32>,
        %parallel_loop3A_63 = arith.constant 48 : index
        %parallel_loop3A_64 = tpu.vector_load %arg13[%parallel_loop3A_63] {strides = array<i32>} : memref<256xf32, #tpu.memory_space<vmem>>, vector<16xf32>,
        %parallel_loop3A_65 = arith.constant 64 : index
        %parallel_loop3A_66 = tpu.vector_load %arg13[%parallel_loop3A_65] {strides = array<i32>} : memref<256xf32, #tpu.memory_space<vmem>>, vector<16xf32>,
        %parallel_loop3A_67 = arith.constant 80 : index
        %parallel_loop3A_68 = tpu.vector_load %arg13[%parallel_loop3A_67] {strides = array<i32>} : memref<256xf32, #tpu.memory_space<vmem>>, vector<16xf32>,
        %parallel_loop3A_69 = arith.constant 96 : index
        %parallel_loop3A_70 = tpu.vector_load %arg13[%parallel_loop3A_69] {strides = array<i32>} : memref<256xf32, #tpu.memory_space<vmem>>, vector<16xf32>,
        %parallel_loop3A_71 = arith.constant 112 : index
        %parallel_loop3A_72 = tpu.vector_load %arg13[%parallel_loop3A_71] {strides = array<i32>} : memref<256xf32, #tpu.memory_space<vmem>>, vector<16xf32>,
        %parallel_loop3A_73 = arith.constant 128 : index
        %parallel_loop3A_74 = tpu.vector_load %arg13[%parallel_loop3A_73] {strides = array<i32>} : memref<256xf32, #tpu.memory_space<vmem>>, vector<16xf32>,
        %parallel_loop3A_75 = arith.constant 144 : index
        %parallel_loop3A_76 = tpu.vector_load %arg13[%parallel_loop3A_75] {strides = array<i32>} : memref<256xf32, #tpu.memory_space<vmem>>, vector<16xf32>,
        %parallel_loop3A_77 = arith.constant 160 : index
        %parallel_loop3A_78 = tpu.vector_load %arg13[%parallel_loop3A_77] {strides = array<i32>} : memref<256xf32, #tpu.memory_space<vmem>>, vector<16xf32>,
        %parallel_loop3A_79 = arith.constant 176 : index
        %parallel_loop3A_80 = tpu.vector_load %arg13[%parallel_loop3A_79] {strides = array<i32>} : memref<256xf32, #tpu.memory_space<vmem>>, vector<16xf32>,
        %parallel_loop3A_81 = arith.constant 192 : index
        %parallel_loop3A_82 = tpu.vector_load %arg13[%parallel_loop3A_81] {strides = array<i32>} : memref<256xf32, #tpu.memory_space<vmem>>, vector<16xf32>,
        %parallel_loop3A_83 = arith.constant 208 : index
        %parallel_loop3A_84 = tpu.vector_load %arg13[%parallel_loop3A_83] {strides = array<i32>} : memref<256xf32, #tpu.memory_space<vmem>>, vector<16xf32>,
        %parallel_loop3A_85 = arith.constant 224 : index
        %parallel_loop3A_86 = tpu.vector_load %arg13[%parallel_loop3A_85] {strides = array<i32>} : memref<256xf32, #tpu.memory_space<vmem>>, vector<16xf32>,
        %parallel_loop3A_87 = arith.constant 240 : index
        %parallel_loop3A_88 = tpu.vector_load %arg13[%parallel_loop3A_87] {strides = array<i32>} : memref<256xf32, #tpu.memory_space<vmem>>, vector<16xf32>,
        %parallel_loop3A_89 = arith.constant 0 : index
        %parallel_loop3A_90 = tpu.vector_load %arg14[%parallel_loop3A_89] {strides = array<i32>} : memref<256xf32, #tpu.memory_space<vmem>>, vector<16xf32>,
        %parallel_loop3A_91 = arith.constant 16 : index
        %parallel_loop3A_92 = tpu.vector_load %arg14[%parallel_loop3A_91] {strides = array<i32>} : memref<256xf32, #tpu.memory_space<vmem>>, vector<16xf32>,
        %parallel_loop3A_93 = arith.constant 32 : index
        %parallel_loop3A_94 = tpu.vector_load %arg14[%parallel_loop3A_93] {strides = array<i32>} : memref<256xf32, #tpu.memory_space<vmem>>, vector<16xf32>,
        %parallel_loop3A_95 = arith.constant 48 : index
        %parallel_loop3A_96 = tpu.vector_load %arg14[%parallel_loop3A_95] {strides = array<i32>} : memref<256xf32, #tpu.memory_space<vmem>>, vector<16xf32>,
        %parallel_loop3A_97 = arith.constant 64 : index
        %parallel_loop3A_98 = tpu.vector_load %arg14[%parallel_loop3A_97] {strides = array<i32>} : memref<256xf32, #tpu.memory_space<vmem>>, vector<16xf32>,
        %parallel_loop3A_99 = arith.constant 80 : index
        %parallel_loop3A_100 = tpu.vector_load %arg14[%parallel_loop3A_99] {strides = array<i32>} : memref<256xf32, #tpu.memory_space<vmem>>, vector<16xf32>,
        %parallel_loop3A_101 = arith.constant 96 : index
        %parallel_loop3A_102 = tpu.vector_load %arg14[%parallel_loop3A_101] {strides = array<i32>} : memref<256xf32, #tpu.memory_space<vmem>>, vector<16xf32>,
        %parallel_loop3A_103 = arith.constant 112 : index
        %parallel_loop3A_104 = tpu.vector_load %arg14[%parallel_loop3A_103] {strides = array<i32>} : memref<256xf32, #tpu.memory_space<vmem>>, vector<16xf32>,
        %parallel_loop3A_105 = arith.constant 128 : index
        %parallel_loop3A_106 = tpu.vector_load %arg14[%parallel_loop3A_105] {strides = array<i32>} : memref<256xf32, #tpu.memory_space<vmem>>, vector<16xf32>,
        %parallel_loop3A_107 = arith.constant 144 : index
        %parallel_loop3A_108 = tpu.vector_load %arg14[%parallel_loop3A_107] {strides = array<i32>} : memref<256xf32, #tpu.memory_space<vmem>>, vector<16xf32>,
        %parallel_loop3A_109 = arith.constant 160 : index
        %parallel_loop3A_110 = tpu.vector_load %arg14[%parallel_loop3A_109] {strides = array<i32>} : memref<256xf32, #tpu.memory_space<vmem>>, vector<16xf32>,
        %parallel_loop3A_111 = arith.constant 176 : index
        %parallel_loop3A_112 = tpu.vector_load %arg14[%parallel_loop3A_111] {strides = array<i32>} : memref<256xf32, #tpu.memory_space<vmem>>, vector<16xf32>,
        %parallel_loop3A_113 = arith.constant 192 : index
        %parallel_loop3A_114 = tpu.vector_load %arg14[%parallel_loop3A_113] {strides = array<i32>} : memref<256xf32, #tpu.memory_space<vmem>>, vector<16xf32>,
        %parallel_loop3A_115 = arith.constant 208 : index
        %parallel_loop3A_116 = tpu.vector_load %arg14[%parallel_loop3A_115] {strides = array<i32>} : memref<256xf32, #tpu.memory_space<vmem>>, vector<16xf32>,
        %parallel_loop3A_117 = arith.constant 224 : index
        %parallel_loop3A_118 = tpu.vector_load %arg14[%parallel_loop3A_117] {strides = array<i32>} : memref<256xf32, #tpu.memory_space<vmem>>, vector<16xf32>,
        %parallel_loop3A_119 = arith.constant 240 : index
        %parallel_loop3A_120 = tpu.vector_load %arg14[%parallel_loop3A_119] {strides = array<i32>} : memref<256xf32, #tpu.memory_space<vmem>>, vector<16xf32>,
        %parallel_loop3A_121 = arith.constant 0 : i32
        %parallel_loop3A_122 = arith.constant 16 : i32
        %parallel_loop3A_123 = arith.constant 1 : i32
        scf.for %parallel_loop3A_124 = %parallel_loop3A_121 to %parallel_loop3A_122 step %parallel_loop3A_123  : i32 {
          %parallel_loop3A_125 = arith.addi %parallel_loop3A_56, %parallel_loop3A_124 : i32
          %parallel_loop3A_126 = arith.index_cast %rem3A_30 : i32 to index
          %parallel_loop3A_127 = arith.index_cast %parallel_loop3A_125 : i32 to index
          %parallel_loop3A_128 = arith.constant 0 : index
          %parallel_loop3A_129 = tpu.vector_load %arg9[%parallel_loop3A_126, %parallel_loop3A_127, %parallel_loop3A_128] {strides = array<i32>} : memref<2x80x256xf32, #tpu.memory_space<vmem>>, vector<16xf32>,
          %parallel_loop3A_130 = arith.index_cast %rem3A_30 : i32 to index
          %parallel_loop3A_131 = arith.index_cast %parallel_loop3A_125 : i32 to index
          %parallel_loop3A_132 = arith.constant 16 : index
          %parallel_loop3A_133 = tpu.vector_load %arg9[%parallel_loop3A_130, %parallel_loop3A_131, %parallel_loop3A_132] {strides = array<i32>} : memref<2x80x256xf32, #tpu.memory_space<vmem>>, vector<16xf32>,
          %parallel_loop3A_134 = arith.index_cast %rem3A_30 : i32 to index
          %parallel_loop3A_135 = arith.index_cast %parallel_loop3A_125 : i32 to index
          %parallel_loop3A_136 = arith.constant 32 : index
          %parallel_loop3A_137 = tpu.vector_load %arg9[%parallel_loop3A_134, %parallel_loop3A_135, %parallel_loop3A_136] {strides = array<i32>} : memref<2x80x256xf32, #tpu.memory_space<vmem>>, vector<16xf32>,
          %parallel_loop3A_138 = arith.index_cast %rem3A_30 : i32 to index
          %parallel_loop3A_139 = arith.index_cast %parallel_loop3A_125 : i32 to index
          %parallel_loop3A_140 = arith.constant 48 : index
          %parallel_loop3A_141 = tpu.vector_load %arg9[%parallel_loop3A_138, %parallel_loop3A_139, %parallel_loop3A_140] {strides = array<i32>} : memref<2x80x256xf32, #tpu.memory_space<vmem>>, vector<16xf32>,
          %parallel_loop3A_142 = arith.index_cast %rem3A_30 : i32 to index
          %parallel_loop3A_143 = arith.index_cast %parallel_loop3A_125 : i32 to index
          %parallel_loop3A_144 = arith.constant 64 : index
          %parallel_loop3A_145 = tpu.vector_load %arg9[%parallel_loop3A_142, %parallel_loop3A_143, %parallel_loop3A_144] {strides = array<i32>} : memref<2x80x256xf32, #tpu.memory_space<vmem>>, vector<16xf32>,
          %parallel_loop3A_146 = arith.index_cast %rem3A_30 : i32 to index
          %parallel_loop3A_147 = arith.index_cast %parallel_loop3A_125 : i32 to index
          %parallel_loop3A_148 = arith.constant 80 : index
          %parallel_loop3A_149 = tpu.vector_load %arg9[%parallel_loop3A_146, %parallel_loop3A_147, %parallel_loop3A_148] {strides = array<i32>} : memref<2x80x256xf32, #tpu.memory_space<vmem>>, vector<16xf32>,
          %parallel_loop3A_150 = arith.index_cast %rem3A_30 : i32 to index
          %parallel_loop3A_151 = arith.index_cast %parallel_loop3A_125 : i32 to index
          %parallel_loop3A_152 = arith.constant 96 : index
          %parallel_loop3A_153 = tpu.vector_load %arg9[%parallel_loop3A_150, %parallel_loop3A_151, %parallel_loop3A_152] {strides = array<i32>} : memref<2x80x256xf32, #tpu.memory_space<vmem>>, vector<16xf32>,
          %parallel_loop3A_154 = arith.index_cast %rem3A_30 : i32 to index
          %parallel_loop3A_155 = arith.index_cast %parallel_loop3A_125 : i32 to index
          %parallel_loop3A_156 = arith.constant 112 : index
          %parallel_loop3A_157 = tpu.vector_load %arg9[%parallel_loop3A_154, %parallel_loop3A_155, %parallel_loop3A_156] {strides = array<i32>} : memref<2x80x256xf32, #tpu.memory_space<vmem>>, vector<16xf32>,
          %parallel_loop3A_158 = arith.index_cast %rem3A_30 : i32 to index
          %parallel_loop3A_159 = arith.index_cast %parallel_loop3A_125 : i32 to index
          %parallel_loop3A_160 = arith.constant 128 : index
          %parallel_loop3A_161 = tpu.vector_load %arg9[%parallel_loop3A_158, %parallel_loop3A_159, %parallel_loop3A_160] {strides = array<i32>} : memref<2x80x256xf32, #tpu.memory_space<vmem>>, vector<16xf32>,
          %parallel_loop3A_162 = arith.index_cast %rem3A_30 : i32 to index
          %parallel_loop3A_163 = arith.index_cast %parallel_loop3A_125 : i32 to index
          %parallel_loop3A_164 = arith.constant 144 : index
          %parallel_loop3A_165 = tpu.vector_load %arg9[%parallel_loop3A_162, %parallel_loop3A_163, %parallel_loop3A_164] {strides = array<i32>} : memref<2x80x256xf32, #tpu.memory_space<vmem>>, vector<16xf32>,
          %parallel_loop3A_166 = arith.index_cast %rem3A_30 : i32 to index
          %parallel_loop3A_167 = arith.index_cast %parallel_loop3A_125 : i32 to index
          %parallel_loop3A_168 = arith.constant 160 : index
          %parallel_loop3A_169 = tpu.vector_load %arg9[%parallel_loop3A_166, %parallel_loop3A_167, %parallel_loop3A_168] {strides = array<i32>} : memref<2x80x256xf32, #tpu.memory_space<vmem>>, vector<16xf32>,
          %parallel_loop3A_170 = arith.index_cast %rem3A_30 : i32 to index
          %parallel_loop3A_171 = arith.index_cast %parallel_loop3A_125 : i32 to index
          %parallel_loop3A_172 = arith.constant 176 : index
          %parallel_loop3A_173 = tpu.vector_load %arg9[%parallel_loop3A_170, %parallel_loop3A_171, %parallel_loop3A_172] {strides = array<i32>} : memref<2x80x256xf32, #tpu.memory_space<vmem>>, vector<16xf32>,
          %parallel_loop3A_174 = arith.index_cast %rem3A_30 : i32 to index
          %parallel_loop3A_175 = arith.index_cast %parallel_loop3A_125 : i32 to index
          %parallel_loop3A_176 = arith.constant 192 : index
          %parallel_loop3A_177 = tpu.vector_load %arg9[%parallel_loop3A_174, %parallel_loop3A_175, %parallel_loop3A_176] {strides = array<i32>} : memref<2x80x256xf32, #tpu.memory_space<vmem>>, vector<16xf32>,
          %parallel_loop3A_178 = arith.index_cast %rem3A_30 : i32 to index
          %parallel_loop3A_179 = arith.index_cast %parallel_loop3A_125 : i32 to index
          %parallel_loop3A_180 = arith.constant 208 : index
          %parallel_loop3A_181 = tpu.vector_load %arg9[%parallel_loop3A_178, %parallel_loop3A_179, %parallel_loop3A_180] {strides = array<i32>} : memref<2x80x256xf32, #tpu.memory_space<vmem>>, vector<16xf32>,
          %parallel_loop3A_182 = arith.index_cast %rem3A_30 : i32 to index
          %parallel_loop3A_183 = arith.index_cast %parallel_loop3A_125 : i32 to index
          %parallel_loop3A_184 = arith.constant 224 : index
          %parallel_loop3A_185 = tpu.vector_load %arg9[%parallel_loop3A_182, %parallel_loop3A_183, %parallel_loop3A_184] {strides = array<i32>} : memref<2x80x256xf32, #tpu.memory_space<vmem>>, vector<16xf32>,
          %parallel_loop3A_186 = arith.index_cast %rem3A_30 : i32 to index
          %parallel_loop3A_187 = arith.index_cast %parallel_loop3A_125 : i32 to index
          %parallel_loop3A_188 = arith.constant 240 : index
          %parallel_loop3A_189 = tpu.vector_load %arg9[%parallel_loop3A_186, %parallel_loop3A_187, %parallel_loop3A_188] {strides = array<i32>} : memref<2x80x256xf32, #tpu.memory_space<vmem>>, vector<16xf32>,
          %parallel_loop3A_190 = arith.mulf %parallel_loop3A_129, %parallel_loop3A_58 : vector<16xf32>
          %parallel_loop3A_191 = arith.mulf %parallel_loop3A_133, %parallel_loop3A_60 : vector<16xf32>
          %parallel_loop3A_192 = arith.mulf %parallel_loop3A_137, %parallel_loop3A_62 : vector<16xf32>
          %parallel_loop3A_193 = arith.mulf %parallel_loop3A_141, %parallel_loop3A_64 : vector<16xf32>
          %parallel_loop3A_194 = arith.mulf %parallel_loop3A_129, %parallel_loop3A_90 : vector<16xf32>
          %parallel_loop3A_195 = arith.mulf %parallel_loop3A_133, %parallel_loop3A_92 : vector<16xf32>
          %parallel_loop3A_196 = arith.mulf %parallel_loop3A_137, %parallel_loop3A_94 : vector<16xf32>
          %parallel_loop3A_197 = arith.mulf %parallel_loop3A_141, %parallel_loop3A_96 : vector<16xf32>
          %parallel_loop3A_198 = arith.mulf %parallel_loop3A_145, %parallel_loop3A_66 : vector<16xf32>
          %parallel_loop3A_199 = arith.addf %parallel_loop3A_190, %parallel_loop3A_198 : vector<16xf32>
          %parallel_loop3A_200 = arith.mulf %parallel_loop3A_145, %parallel_loop3A_98 : vector<16xf32>
          %parallel_loop3A_201 = arith.addf %parallel_loop3A_194, %parallel_loop3A_200 : vector<16xf32>
          %parallel_loop3A_202 = arith.mulf %parallel_loop3A_149, %parallel_loop3A_68 : vector<16xf32>
          %parallel_loop3A_203 = arith.addf %parallel_loop3A_191, %parallel_loop3A_202 : vector<16xf32>
          %parallel_loop3A_204 = arith.mulf %parallel_loop3A_149, %parallel_loop3A_100 : vector<16xf32>
          %parallel_loop3A_205 = arith.addf %parallel_loop3A_195, %parallel_loop3A_204 : vector<16xf32>
          %parallel_loop3A_206 = arith.mulf %parallel_loop3A_153, %parallel_loop3A_70 : vector<16xf32>
          %parallel_loop3A_207 = arith.addf %parallel_loop3A_192, %parallel_loop3A_206 : vector<16xf32>
          %parallel_loop3A_208 = arith.mulf %parallel_loop3A_153, %parallel_loop3A_102 : vector<16xf32>
          %parallel_loop3A_209 = arith.addf %parallel_loop3A_196, %parallel_loop3A_208 : vector<16xf32>
          %parallel_loop3A_210 = arith.mulf %parallel_loop3A_157, %parallel_loop3A_72 : vector<16xf32>
          %parallel_loop3A_211 = arith.addf %parallel_loop3A_193, %parallel_loop3A_210 : vector<16xf32>
          %parallel_loop3A_212 = arith.mulf %parallel_loop3A_157, %parallel_loop3A_104 : vector<16xf32>
          %parallel_loop3A_213 = arith.addf %parallel_loop3A_197, %parallel_loop3A_212 : vector<16xf32>
          %parallel_loop3A_214 = arith.mulf %parallel_loop3A_161, %parallel_loop3A_74 : vector<16xf32>
          %parallel_loop3A_215 = arith.addf %parallel_loop3A_199, %parallel_loop3A_214 : vector<16xf32>
          %parallel_loop3A_216 = arith.mulf %parallel_loop3A_161, %parallel_loop3A_106 : vector<16xf32>
          %parallel_loop3A_217 = arith.addf %parallel_loop3A_201, %parallel_loop3A_216 : vector<16xf32>
          %parallel_loop3A_218 = arith.mulf %parallel_loop3A_165, %parallel_loop3A_76 : vector<16xf32>
          %parallel_loop3A_219 = arith.addf %parallel_loop3A_203, %parallel_loop3A_218 : vector<16xf32>
          %parallel_loop3A_220 = arith.mulf %parallel_loop3A_165, %parallel_loop3A_108 : vector<16xf32>
          %parallel_loop3A_221 = arith.addf %parallel_loop3A_205, %parallel_loop3A_220 : vector<16xf32>
          %parallel_loop3A_222 = arith.mulf %parallel_loop3A_169, %parallel_loop3A_78 : vector<16xf32>
          %parallel_loop3A_223 = arith.addf %parallel_loop3A_207, %parallel_loop3A_222 : vector<16xf32>
          %parallel_loop3A_224 = arith.mulf %parallel_loop3A_169, %parallel_loop3A_110 : vector<16xf32>
          %parallel_loop3A_225 = arith.addf %parallel_loop3A_209, %parallel_loop3A_224 : vector<16xf32>
          %parallel_loop3A_226 = arith.mulf %parallel_loop3A_173, %parallel_loop3A_80 : vector<16xf32>
          %parallel_loop3A_227 = arith.addf %parallel_loop3A_211, %parallel_loop3A_226 : vector<16xf32>
          %parallel_loop3A_228 = arith.mulf %parallel_loop3A_173, %parallel_loop3A_112 : vector<16xf32>
          %parallel_loop3A_229 = arith.addf %parallel_loop3A_213, %parallel_loop3A_228 : vector<16xf32>
          %parallel_loop3A_230 = arith.mulf %parallel_loop3A_177, %parallel_loop3A_82 : vector<16xf32>
          %parallel_loop3A_231 = arith.addf %parallel_loop3A_215, %parallel_loop3A_230 : vector<16xf32>
          %parallel_loop3A_232 = arith.mulf %parallel_loop3A_177, %parallel_loop3A_114 : vector<16xf32>
          %parallel_loop3A_233 = arith.addf %parallel_loop3A_217, %parallel_loop3A_232 : vector<16xf32>
          %parallel_loop3A_234 = arith.mulf %parallel_loop3A_181, %parallel_loop3A_84 : vector<16xf32>
          %parallel_loop3A_235 = arith.addf %parallel_loop3A_219, %parallel_loop3A_234 : vector<16xf32>
          %parallel_loop3A_236 = arith.mulf %parallel_loop3A_181, %parallel_loop3A_116 : vector<16xf32>
          %parallel_loop3A_237 = arith.addf %parallel_loop3A_221, %parallel_loop3A_236 : vector<16xf32>
          %parallel_loop3A_238 = arith.mulf %parallel_loop3A_185, %parallel_loop3A_86 : vector<16xf32>
          %parallel_loop3A_239 = arith.addf %parallel_loop3A_223, %parallel_loop3A_238 : vector<16xf32>
          %parallel_loop3A_240 = arith.mulf %parallel_loop3A_185, %parallel_loop3A_118 : vector<16xf32>
          %parallel_loop3A_241 = arith.addf %parallel_loop3A_225, %parallel_loop3A_240 : vector<16xf32>
          %parallel_loop3A_242 = arith.mulf %parallel_loop3A_189, %parallel_loop3A_88 : vector<16xf32>
          %parallel_loop3A_243 = arith.addf %parallel_loop3A_227, %parallel_loop3A_242 : vector<16xf32>
          %parallel_loop3A_244 = arith.mulf %parallel_loop3A_189, %parallel_loop3A_120 : vector<16xf32>
          %parallel_loop3A_245 = arith.addf %parallel_loop3A_229, %parallel_loop3A_244 : vector<16xf32>
          %parallel_loop3A_246 = arith.addf %parallel_loop3A_231, %parallel_loop3A_235 : vector<16xf32>
          %parallel_loop3A_247 = arith.addf %parallel_loop3A_239, %parallel_loop3A_243 : vector<16xf32>
          %parallel_loop3A_248 = arith.addf %parallel_loop3A_246, %parallel_loop3A_247 : vector<16xf32>
          %parallel_loop3A_249 = arith.addf %parallel_loop3A_233, %parallel_loop3A_237 : vector<16xf32>
          %parallel_loop3A_250 = arith.addf %parallel_loop3A_241, %parallel_loop3A_245 : vector<16xf32>
          %parallel_loop3A_251 = arith.addf %parallel_loop3A_249, %parallel_loop3A_250 : vector<16xf32>
          %parallel_loop3A_252 = arith.constant true
          %parallel_loop3A_253 = vector.broadcast %parallel_loop3A_252 : i1 to vector<16xi1>
          %parallel_loop3A_254 = tpu.scan <sum>, %parallel_loop3A_248 masked %parallel_loop3A_253 : vector<16xf32>, vector<16xi1> -> vector<16xf32>
          %parallel_loop3A_255 = vector.extract %parallel_loop3A_254[15] : f32 from vector<16xf32>
          %parallel_loop3A_256 = arith.addf %parallel_loop3A_255, %squeeze3A : f32
          %parallel_loop3A_257 = arith.constant true
          %parallel_loop3A_258 = vector.broadcast %parallel_loop3A_257 : i1 to vector<16xi1>
          %parallel_loop3A_259 = tpu.scan <sum>, %parallel_loop3A_251 masked %parallel_loop3A_258 : vector<16xf32>, vector<16xi1> -> vector<16xf32>
          %parallel_loop3A_260 = vector.extract %parallel_loop3A_259[15] : f32 from vector<16xf32>
          %parallel_loop3A_261 = arith.addf %parallel_loop3A_260, %squeeze3A_15 : f32
          %parallel_loop3A_262 = vector.broadcast %parallel_loop3A_256 : f32 to vector<16xf32>
          %parallel_loop3A_263 = vector.broadcast %parallel_loop3A_261 : f32 to vector<16xf32>
          %parallel_loop3A_264 = arith.constant 0.000000e+00 : f32
          %parallel_loop3A_265 = vector.broadcast %parallel_loop3A_264 : f32 to vector<16xf32>
          %parallel_loop3A_266 = arith.subf %parallel_loop3A_265, %parallel_loop3A_263 : vector<16xf32>
          %parallel_loop3A_267 = math.exp %parallel_loop3A_266 : vector<16xf32>
          %parallel_loop3A_268 = arith.constant 1.000000e+00 : f32
          %parallel_loop3A_269 = vector.broadcast %parallel_loop3A_268 : f32 to vector<16xf32>
          %parallel_loop3A_270 = arith.addf %parallel_loop3A_269, %parallel_loop3A_267 : vector<16xf32>
          %parallel_loop3A_271 = arith.divf %parallel_loop3A_262, %parallel_loop3A_270 : vector<16xf32>
          %parallel_loop3A_272 = arith.addi %mul3A_51, %parallel_loop3A_125 : i32
          %parallel_loop3A_273 = arith.index_cast %parallel_loop3A_272 : i32 to index
          %parallel_loop3A_274 = tpu.vector_load %arg10[%parallel_loop3A_273] {strides = array<i32>} : memref<1616xi32, #tpu.memory_space<vmem>>, vector<16xi32>,
          %parallel_loop3A_275 = vector.extract_strided_slice %parallel_loop3A_274 {offsets = [0], sizes = [1], strides = [1]} : vector<16xi32> to vector<1xi32>
          %parallel_loop3A_276 = vector.extract %parallel_loop3A_275[0] : i32 from vector<1xi32>
          %parallel_loop3A_277 = arith.mulf %parallel_loop3A_129, %parallel_loop3A_271 : vector<16xf32>
          %parallel_loop3A_278 = arith.index_cast %parallel_loop3A_276 : i32 to index
          %parallel_loop3A_279 = arith.constant 0 : index
          %parallel_loop3A_280 = tpu.vector_load %arg12[%parallel_loop3A_278, %parallel_loop3A_279] {strides = array<i32>} : memref<256x256xf32, #tpu.memory_space<vmem>>, vector<16xf32>,
          tpu.vector_store %arg12[%parallel_loop3A_278, %parallel_loop3A_279], %parallel_loop3A_277 {add = true, strides = array<i32>} : memref<256x256xf32, #tpu.memory_space<vmem>>, vector<16xf32>,
          %parallel_loop3A_281 = arith.mulf %parallel_loop3A_133, %parallel_loop3A_271 : vector<16xf32>
          %parallel_loop3A_282 = arith.index_cast %parallel_loop3A_276 : i32 to index
          %parallel_loop3A_283 = arith.constant 16 : index
          %parallel_loop3A_284 = tpu.vector_load %arg12[%parallel_loop3A_282, %parallel_loop3A_283] {strides = array<i32>} : memref<256x256xf32, #tpu.memory_space<vmem>>, vector<16xf32>,
          tpu.vector_store %arg12[%parallel_loop3A_282, %parallel_loop3A_283], %parallel_loop3A_281 {add = true, strides = array<i32>} : memref<256x256xf32, #tpu.memory_space<vmem>>, vector<16xf32>,
          %parallel_loop3A_285 = arith.mulf %parallel_loop3A_137, %parallel_loop3A_271 : vector<16xf32>
          %parallel_loop3A_286 = arith.index_cast %parallel_loop3A_276 : i32 to index
          %parallel_loop3A_287 = arith.constant 32 : index
          %parallel_loop3A_288 = tpu.vector_load %arg12[%parallel_loop3A_286, %parallel_loop3A_287] {strides = array<i32>} : memref<256x256xf32, #tpu.memory_space<vmem>>, vector<16xf32>,
          tpu.vector_store %arg12[%parallel_loop3A_286, %parallel_loop3A_287], %parallel_loop3A_285 {add = true, strides = array<i32>} : memref<256x256xf32, #tpu.memory_space<vmem>>, vector<16xf32>,
          %parallel_loop3A_289 = arith.mulf %parallel_loop3A_141, %parallel_loop3A_271 : vector<16xf32>
          %parallel_loop3A_290 = arith.index_cast %parallel_loop3A_276 : i32 to index
          %parallel_loop3A_291 = arith.constant 48 : index
          %parallel_loop3A_292 = tpu.vector_load %arg12[%parallel_loop3A_290, %parallel_loop3A_291] {strides = array<i32>} : memref<256x256xf32, #tpu.memory_space<vmem>>, vector<16xf32>,
          tpu.vector_store %arg12[%parallel_loop3A_290, %parallel_loop3A_291], %parallel_loop3A_289 {add = true, strides = array<i32>} : memref<256x256xf32, #tpu.memory_space<vmem>>, vector<16xf32>,
          %parallel_loop3A_293 = arith.mulf %parallel_loop3A_145, %parallel_loop3A_271 : vector<16xf32>
          %parallel_loop3A_294 = arith.index_cast %parallel_loop3A_276 : i32 to index
          %parallel_loop3A_295 = arith.constant 64 : index
          %parallel_loop3A_296 = tpu.vector_load %arg12[%parallel_loop3A_294, %parallel_loop3A_295] {strides = array<i32>} : memref<256x256xf32, #tpu.memory_space<vmem>>, vector<16xf32>,
          tpu.vector_store %arg12[%parallel_loop3A_294, %parallel_loop3A_295], %parallel_loop3A_293 {add = true, strides = array<i32>} : memref<256x256xf32, #tpu.memory_space<vmem>>, vector<16xf32>,
          %parallel_loop3A_297 = arith.mulf %parallel_loop3A_149, %parallel_loop3A_271 : vector<16xf32>
          %parallel_loop3A_298 = arith.index_cast %parallel_loop3A_276 : i32 to index
          %parallel_loop3A_299 = arith.constant 80 : index
          %parallel_loop3A_300 = tpu.vector_load %arg12[%parallel_loop3A_298, %parallel_loop3A_299] {strides = array<i32>} : memref<256x256xf32, #tpu.memory_space<vmem>>, vector<16xf32>,
          tpu.vector_store %arg12[%parallel_loop3A_298, %parallel_loop3A_299], %parallel_loop3A_297 {add = true, strides = array<i32>} : memref<256x256xf32, #tpu.memory_space<vmem>>, vector<16xf32>,
          %parallel_loop3A_301 = arith.mulf %parallel_loop3A_153, %parallel_loop3A_271 : vector<16xf32>
          %parallel_loop3A_302 = arith.index_cast %parallel_loop3A_276 : i32 to index
          %parallel_loop3A_303 = arith.constant 96 : index
          %parallel_loop3A_304 = tpu.vector_load %arg12[%parallel_loop3A_302, %parallel_loop3A_303] {strides = array<i32>} : memref<256x256xf32, #tpu.memory_space<vmem>>, vector<16xf32>,
          tpu.vector_store %arg12[%parallel_loop3A_302, %parallel_loop3A_303], %parallel_loop3A_301 {add = true, strides = array<i32>} : memref<256x256xf32, #tpu.memory_space<vmem>>, vector<16xf32>,
          %parallel_loop3A_305 = arith.mulf %parallel_loop3A_157, %parallel_loop3A_271 : vector<16xf32>
          %parallel_loop3A_306 = arith.index_cast %parallel_loop3A_276 : i32 to index
          %parallel_loop3A_307 = arith.constant 112 : index
          %parallel_loop3A_308 = tpu.vector_load %arg12[%parallel_loop3A_306, %parallel_loop3A_307] {strides = array<i32>} : memref<256x256xf32, #tpu.memory_space<vmem>>, vector<16xf32>,
          tpu.vector_store %arg12[%parallel_loop3A_306, %parallel_loop3A_307], %parallel_loop3A_305 {add = true, strides = array<i32>} : memref<256x256xf32, #tpu.memory_space<vmem>>, vector<16xf32>,
          %parallel_loop3A_309 = arith.mulf %parallel_loop3A_161, %parallel_loop3A_271 : vector<16xf32>
          %parallel_loop3A_310 = arith.index_cast %parallel_loop3A_276 : i32 to index
          %parallel_loop3A_311 = arith.constant 128 : index
          %parallel_loop3A_312 = tpu.vector_load %arg12[%parallel_loop3A_310, %parallel_loop3A_311] {strides = array<i32>} : memref<256x256xf32, #tpu.memory_space<vmem>>, vector<16xf32>,
          tpu.vector_store %arg12[%parallel_loop3A_310, %parallel_loop3A_311], %parallel_loop3A_309 {add = true, strides = array<i32>} : memref<256x256xf32, #tpu.memory_space<vmem>>, vector<16xf32>,
          %parallel_loop3A_313 = arith.mulf %parallel_loop3A_165, %parallel_loop3A_271 : vector<16xf32>
          %parallel_loop3A_314 = arith.index_cast %parallel_loop3A_276 : i32 to index
          %parallel_loop3A_315 = arith.constant 144 : index
          %parallel_loop3A_316 = tpu.vector_load %arg12[%parallel_loop3A_314, %parallel_loop3A_315] {strides = array<i32>} : memref<256x256xf32, #tpu.memory_space<vmem>>, vector<16xf32>,
          tpu.vector_store %arg12[%parallel_loop3A_314, %parallel_loop3A_315], %parallel_loop3A_313 {add = true, strides = array<i32>} : memref<256x256xf32, #tpu.memory_space<vmem>>, vector<16xf32>,
          %parallel_loop3A_317 = arith.mulf %parallel_loop3A_169, %parallel_loop3A_271 : vector<16xf32>
          %parallel_loop3A_318 = arith.index_cast %parallel_loop3A_276 : i32 to index
          %parallel_loop3A_319 = arith.constant 160 : index
          %parallel_loop3A_320 = tpu.vector_load %arg12[%parallel_loop3A_318, %parallel_loop3A_319] {strides = array<i32>} : memref<256x256xf32, #tpu.memory_space<vmem>>, vector<16xf32>,
          tpu.vector_store %arg12[%parallel_loop3A_318, %parallel_loop3A_319], %parallel_loop3A_317 {add = true, strides = array<i32>} : memref<256x256xf32, #tpu.memory_space<vmem>>, vector<16xf32>,
          %parallel_loop3A_321 = arith.mulf %parallel_loop3A_173, %parallel_loop3A_271 : vector<16xf32>
          %parallel_loop3A_322 = arith.index_cast %parallel_loop3A_276 : i32 to index
          %parallel_loop3A_323 = arith.constant 176 : index
          %parallel_loop3A_324 = tpu.vector_load %arg12[%parallel_loop3A_322, %parallel_loop3A_323] {strides = array<i32>} : memref<256x256xf32, #tpu.memory_space<vmem>>, vector<16xf32>,
          tpu.vector_store %arg12[%parallel_loop3A_322, %parallel_loop3A_323], %parallel_loop3A_321 {add = true, strides = array<i32>} : memref<256x256xf32, #tpu.memory_space<vmem>>, vector<16xf32>,
          %parallel_loop3A_325 = arith.mulf %parallel_loop3A_177, %parallel_loop3A_271 : vector<16xf32>
          %parallel_loop3A_326 = arith.index_cast %parallel_loop3A_276 : i32 to index
          %parallel_loop3A_327 = arith.constant 192 : index
          %parallel_loop3A_328 = tpu.vector_load %arg12[%parallel_loop3A_326, %parallel_loop3A_327] {strides = array<i32>} : memref<256x256xf32, #tpu.memory_space<vmem>>, vector<16xf32>,
          tpu.vector_store %arg12[%parallel_loop3A_326, %parallel_loop3A_327], %parallel_loop3A_325 {add = true, strides = array<i32>} : memref<256x256xf32, #tpu.memory_space<vmem>>, vector<16xf32>,
          %parallel_loop3A_329 = arith.mulf %parallel_loop3A_181, %parallel_loop3A_271 : vector<16xf32>
          %parallel_loop3A_330 = arith.index_cast %parallel_loop3A_276 : i32 to index
          %parallel_loop3A_331 = arith.constant 208 : index
          %parallel_loop3A_332 = tpu.vector_load %arg12[%parallel_loop3A_330, %parallel_loop3A_331] {strides = array<i32>} : memref<256x256xf32, #tpu.memory_space<vmem>>, vector<16xf32>,
          tpu.vector_store %arg12[%parallel_loop3A_330, %parallel_loop3A_331], %parallel_loop3A_329 {add = true, strides = array<i32>} : memref<256x256xf32, #tpu.memory_space<vmem>>, vector<16xf32>,
          %parallel_loop3A_333 = arith.mulf %parallel_loop3A_185, %parallel_loop3A_271 : vector<16xf32>
          %parallel_loop3A_334 = arith.index_cast %parallel_loop3A_276 : i32 to index
          %parallel_loop3A_335 = arith.constant 224 : index
          %parallel_loop3A_336 = tpu.vector_load %arg12[%parallel_loop3A_334, %parallel_loop3A_335] {strides = array<i32>} : memref<256x256xf32, #tpu.memory_space<vmem>>, vector<16xf32>,
          tpu.vector_store %arg12[%parallel_loop3A_334, %parallel_loop3A_335], %parallel_loop3A_333 {add = true, strides = array<i32>} : memref<256x256xf32, #tpu.memory_space<vmem>>, vector<16xf32>,
          %parallel_loop3A_337 = arith.mulf %parallel_loop3A_189, %parallel_loop3A_271 : vector<16xf32>
          %parallel_loop3A_338 = arith.index_cast %parallel_loop3A_276 : i32 to index
          %parallel_loop3A_339 = arith.constant 240 : index
          %parallel_loop3A_340 = tpu.vector_load %arg12[%parallel_loop3A_338, %parallel_loop3A_339] {strides = array<i32>} : memref<256x256xf32, #tpu.memory_space<vmem>>, vector<16xf32>,
          tpu.vector_store %arg12[%parallel_loop3A_338, %parallel_loop3A_339], %parallel_loop3A_337 {add = true, strides = array<i32>} : memref<256x256xf32, #tpu.memory_space<vmem>>, vector<16xf32>,
          %parallel_loop3A_341 = arith.addi %mul3A_51, %parallel_loop3A_125 : i32
          %parallel_loop3A_342 = vector.broadcast %parallel_loop3A_341 : i32 to vector<16xi32>
          tpu.vector_store_idx %arg11[%parallel_loop3A_342], %parallel_loop3A_271 masked %eq3A_17 : memref<1600xf32, #tpu.memory_space<vmem>>[vector<16xi32>], vector<16xf32>, vector<16xi1>
        } {sc.loop_unroll_factor = 16 : i64, sc.parallel_access}
      } {sc.loop_unroll_factor = 1 : i64, sc.parallel_access}
    }
    %mul3A_27 = arith.constant 80 : i32
    %mul3A_28 = arith.muli %mul3A_2, %mul3A_27 : i32
    "tpu.region"() ({
      %run_scoped3A = tpu.sem_alloc : memref<!tpu.dma_semaphore, #tpu.memory_space<semaphore_mem>>
      %dma_start3A = tpu.memref_slice %arg8[%mul3A_28] : memref<51200xf32, #tpu.memory_space<hbm>> -> memref<1600xf32, #tpu.memory_space<hbm>>
      %dma_start3A_29 = tpu.memref_slice %arg8[%mul3A_28] : memref<51200xf32, #tpu.memory_space<hbm>> -> memref<1600xf32, #tpu.memory_space<hbm>>
      tpu.enqueue_dma source(%arg11 : memref<1600xf32, #tpu.memory_space<vmem>>) target(%dma_start3A_29 : memref<1600xf32, #tpu.memory_space<hbm>>) target_semaphore(%run_scoped3A : memref<!tpu.dma_semaphore, #tpu.memory_space<semaphore_mem>>)
      %dma_wait3A = tpu.memref_slice %arg8[%mul3A_28] : memref<51200xf32, #tpu.memory_space<hbm>> -> memref<1600xf32, #tpu.memory_space<hbm>>
      %dma_wait3A_30 = tpu.memref_slice %arg8[%mul3A_28] : memref<51200xf32, #tpu.memory_space<hbm>> -> memref<1600xf32, #tpu.memory_space<hbm>>
      tpu.wait_dma2 semaphore(%run_scoped3A : memref<!tpu.dma_semaphore, #tpu.memory_space<semaphore_mem>>) src(%arg11 : memref<1600xf32, #tpu.memory_space<vmem>>) dst(%dma_wait3A_30 : memref<1600xf32, #tpu.memory_space<hbm>>)
      tpu.yield
    }) : () -> ()
    "tpu.region"() ({
      %run_scoped3A = tpu.sem_alloc : memref<!tpu.dma_semaphore, #tpu.memory_space<semaphore_mem>>
      %dma_start3A = arith.constant 0 : i32
      %dma_start3A_29 = arith.constant 0 : i32
      %dma_start3A_30 = tpu.memref_slice %arg7[%add3A, %dma_start3A, %dma_start3A_29] : memref<32x256x256xf32, #tpu.memory_space<hbm>> -> memref<1x256x256xf32, #tpu.memory_space<hbm>>
      %dma_start3A_31 = tpu.memref_squeeze %dma_start3A_30 : memref<1x256x256xf32, #tpu.memory_space<hbm>> -> memref<256x256xf32, #tpu.memory_space<hbm>>
      %dma_start3A_32 = arith.constant 0 : i32
      %dma_start3A_33 = arith.constant 0 : i32
      %dma_start3A_34 = tpu.memref_slice %arg7[%add3A, %dma_start3A_32, %dma_start3A_33] : memref<32x256x256xf32, #tpu.memory_space<hbm>> -> memref<1x256x256xf32, #tpu.memory_space<hbm>>
      %dma_start3A_35 = tpu.memref_squeeze %dma_start3A_34 : memref<1x256x256xf32, #tpu.memory_space<hbm>> -> memref<256x256xf32, #tpu.memory_space<hbm>>
      tpu.enqueue_dma source(%arg12 : memref<256x256xf32, #tpu.memory_space<vmem>>) target(%dma_start3A_35 : memref<256x256xf32, #tpu.memory_space<hbm>>) target_semaphore(%run_scoped3A : memref<!tpu.dma_semaphore, #tpu.memory_space<semaphore_mem>>)
      %dma_wait3A = arith.constant 0 : i32
      %dma_wait3A_36 = arith.constant 0 : i32
      %dma_wait3A_37 = tpu.memref_slice %arg7[%add3A, %dma_wait3A, %dma_wait3A_36] : memref<32x256x256xf32, #tpu.memory_space<hbm>> -> memref<1x256x256xf32, #tpu.memory_space<hbm>>
      %dma_wait3A_38 = tpu.memref_squeeze %dma_wait3A_37 : memref<1x256x256xf32, #tpu.memory_space<hbm>> -> memref<256x256xf32, #tpu.memory_space<hbm>>
      %dma_wait3A_39 = arith.constant 0 : i32
      %dma_wait3A_40 = arith.constant 0 : i32
      %dma_wait3A_41 = tpu.memref_slice %arg7[%add3A, %dma_wait3A_39, %dma_wait3A_40] : memref<32x256x256xf32, #tpu.memory_space<hbm>> -> memref<1x256x256xf32, #tpu.memory_space<hbm>>
      %dma_wait3A_42 = tpu.memref_squeeze %dma_wait3A_41 : memref<1x256x256xf32, #tpu.memory_space<hbm>> -> memref<256x256xf32, #tpu.memory_space<hbm>>
      tpu.wait_dma2 semaphore(%run_scoped3A : memref<!tpu.dma_semaphore, #tpu.memory_space<semaphore_mem>>) src(%arg12 : memref<256x256xf32, #tpu.memory_space<vmem>>) dst(%dma_wait3A_42 : memref<256x256xf32, #tpu.memory_space<hbm>>)
      tpu.yield
    }) : () -> ()
    return
  }
}

module attributes {stable_mosaic.version = 14 : i64} {
  func.func @_merge_body(%arg0: memref<32x256x256xf32, #tpu.memory_space<vmem>>, %arg1: memref<256x256xf32, #tpu.memory_space<vmem>>) attributes {dimension_semantics = [], scalar_prefetch = 0 : i64, scratch_operands = 0 : i64, tpu.core_type = #tpu.core_type<tc>} {
    %get3A = arith.constant 0 : index
    %get3A_0 = arith.constant 0 : index
    %get3A_1 = arith.constant 0 : index
    %get3A_2 = vector.load %arg0[%get3A, %get3A_0, %get3A_1] : memref<32x256x256xf32, #tpu.memory_space<vmem>>, vector<32x256x256xf32>
    %reduce_sum3A = arith.constant dense<0.000000e+00> : vector<256x256xf32>
    %reduce_sum3A_3 = vector.multi_reduction <add>, %get3A_2, %reduce_sum3A [0] : vector<32x256x256xf32> to vector<256x256xf32>
    %swap3A = arith.constant 0 : index
    %swap3A_4 = arith.constant 0 : index
    %swap3A_5 = vector.load %arg1[%swap3A, %swap3A_4] : memref<256x256xf32, #tpu.memory_space<vmem>>, vector<256x256xf32>
    tpu.vector_store %arg1[%swap3A, %swap3A_4], %reduce_sum3A_3 {strides = array<i32>} : memref<256x256xf32, #tpu.memory_space<vmem>>, vector<256x256xf32>,
    return
  }
}

</mosaic_0001>

<sc_bundles>
// kernel: kernel.4.cloned.1.call-start
scs
__scs_entry_jumppad:
0x0: {  	(pc) =	sbr.rel $0x88, $3  }
0x1: {  	(tag) =	ssettag $0x0;
	lr =	simm.s32 $0x1  }
0x2: {  	[smem:$0x3F9B] =	sst lr;
	_ =	strace $0xD0000000  }
0x3: {  	_ = 	snop  }
0x4: {  	_ = 	snop  }
0x5: {  	_ = 	snop  }
0x6: {  	_ = 	snop  }
0x7: {  	_ = 	snop  }
__scs_overlays_trampoline_lowered:
0x8: {  	[smem:$0x3FAA] =	sst s0  }
0x9: {  	[smem:$0x3FAB] =	sst s1  }
0xa: {  	[smem:$0x3FAC] =	sst s2  }
0xb: {  	[smem:$0x3FAD] =	sst s3  }
0xc: {  	[smem:$0x3FAE] =	sst s4  }
0xd: {  	[smem:$0x3FAF] =	sst s5  }
0xe: {  	[smem:$0x3FB0] =	sst s6  }
0xf: {  	[smem:$0x3FB1] =	sst s7  }
0x10: {  	[smem:$0x3FB2] =	sst s8  }
0x11: {  	[smem:$0x3FB3] =	sst s9;
	s0 =	simm.s32 @!p0 $0x0  }
0x12: {  	s1 =	sld [smem:$0x3F99];
	s0 =	simm.s32 @p0 $0x1  }
0x13: {  	[smem:$0x3FB4] =	sst s0;
	s0 =	simm.s32 @!p1 $0x0  }
0x14: {  	s2 =	sld [smem:$0x3F98];
	s0 =	simm.s32 @p1 $0x1  }
0x15: {  	[smem:$0x3FB5] =	sst s0;
	s0 =	simm.s32 @!p2 $0x0  }
0x16: {  	s3 =	sld [smem:$0x3FDB];
	s0 =	simm.s32 @p2 $0x1  }
0x17: {  	s4 =	simm.s32 $0x1BF5;
	[smem:$0x3FB7] =	sst s0  }
0x18: {  	s0 =	sld [smem:$0x3F9A];
	_ =	swait.ge [sflag:s4], $0x0  }
0x19: {  	s7 =	sld [smem:$0x3F9B]  }
0x1a: {  	s8 =	sadd.s32 $0xFFFFE003, lr  }
0x1b: {  	s9 =	sadd.s32 $0xFFFFFEF7, lr;
	s5 =	simm.s32 $0xFFFFFFFF;
	p2 =	slt.u32 s8, $0xFFFFF086  }
0x1c: {  	p1 =	slt.u32 s9, $0xF7A;
	s5 =	simm.s32 @!p2 $0x0  }
0x1d: {  	s5 =	simm.s32 @p1 $0x1;
	p0 =	seq.s32 s7, s2  }
0x1e: {  	s7 =	smul.u32 @!p0 $0xF7A, s2;
	p2 =	seq.s32 @!p0 s5, $0x0  }
0x1f: {  	s9 =	smul.u32 $0xF7A, s1;
	s8 =	simm.s32 @!p0 $0x1BF5;
	p2 =	por !p2, p0  }
0x20: {  	[sflag:s8] =	ssyncset.s32 @!p0 $0xFFFFF086;
	s6 =	sadd.s32 @!p0 s3, s7;
	s7 =	simm.s32 @!p0 $0x108  }
0x21: {  	s3 =	sadd.s32 s3, s9;
	s6 =	sadd.s32 @!p0 $0x88, s6;
	s7 =	simm.s32 @p2 $0x1082  }
0x22: {  	[simem:s7], [sflag:s8] =	dma.local @!p0 [hbm:s6], $0xF7A  }
0x23: {  	s9 =	sor.u32 $0xD0000000, s2;
	s6 =	simm.s32 $0x108;
	_ =	swait.ge @!p0 [sflag:s8], $0x0  }
0x24: {  	s3 =	sadd.s32 $0x88, s3;
	s6 =	simm.s32 @!p1 $0x1082;
	[sflag:s4] =	ssyncset.s32 $0xFFFFF086  }
0x25: {  	[simem:s6], [sflag:s4] =	dma.local [hbm:s3], $0xF7A  }
0x26: {  	[smem:$0x3F9B] =	sst s1;
	(tag) =	ssettag s2;
	_ =	strace s9  }
0x27: {  	s1 =	sld [smem:$0x3FAB]  }
0x28: {  	s2 =	sld [smem:$0x3FAC]  }
0x29: {  	s4 =	sld [smem:$0x3FAE]  }
0x2a: {  	p0 =	seq.s32 s5, $0x0;
	s5 =	sld [smem:$0x3FAF]  }
0x2b: {  	s6 =	sld [smem:$0x3FB0]  }
0x2c: {  	s7 =	sld [smem:$0x3FB1]  }
0x2d: {  	s3 =	simm.s32 $0x108;
	s8 =	sld [smem:$0x3FB2]  }
0x2e: {  	s3 =	simm.s32 @!p0 $0x1082;
	s9 =	sld [smem:$0x3FB3]  }
0x2f: {  	lr =	sadd.s32 s0, s3;
	s0 =	sld [smem:$0x3FAA]  }
0x30: {  	s3 =	sld [smem:$0x3FAD]  }
0x31: {  	[smem:$0x3FB6] =	sst s10  }
0x32: {  	s10 =	sld [smem:$0x3FB4];
	_ =	sdelay $0x3  }
0x33: {  	p0 =	seq.s32 s10, $0x1;
	s10 =	sld [smem:$0x3FB6];
	_ =	sdelay $0x3  }
0x34: {  	[smem:$0x3FB6] =	sst s10  }
0x35: {  	s10 =	sld [smem:$0x3FB5];
	_ =	sdelay $0x3  }
0x36: {  	p1 =	seq.s32 s10, $0x1;
	s10 =	sld [smem:$0x3FB6];
	_ =	sdelay $0x3  }
0x37: {  	[smem:$0x3FB6] =	sst s10  }
0x38: {  	s10 =	sld [smem:$0x3FB7]  }
0x39: {  	_ = 	snop;
	(pc) =	sbr.ind lr, $3  }
0x3a: {  	_ = 	snop  }
0x3b: {  	_ = 	snop  }
0x3c: {  	p2 =	seq.s32 s10, $0x1;
	s10 =	sld [smem:$0x3FB6]  }
0x3d: {  	_ =	shalt  }
0x3e: {  	_ =	shalt  }
0x3f: {  	_ =	shalt  }
0x40: {  	_ =	shalt  }
0x41: {  	_ =	shalt  }
0x42: {  	_ =	shalt  }
0x43: {  	_ =	shalt  }
0x44: {  	_ =	shalt  }
0x45: {  	_ =	shalt  }
0x46: {  	_ =	shalt  }
0x47: {  	_ =	shalt  }
0x48: {  	_ =	shalt  }
0x49: {  	_ =	shalt  }
0x4a: {  	_ =	shalt  }
0x4b: {  	_ =	shalt  }
0x4c: {  	_ =	shalt  }
0x4d: {  	_ =	shalt  }
0x4e: {  	_ =	shalt  }
0x4f: {  	_ =	shalt  }
0x50: {  	_ =	shalt  }
0x51: {  	_ =	shalt  }
0x52: {  	_ =	shalt  }
0x53: {  	_ =	shalt  }
0x54: {  	_ =	shalt  }
0x55: {  	_ =	shalt  }
0x56: {  	_ =	shalt  }
0x57: {  	_ =	shalt  }
0x58: {  	_ =	shalt  }
0x59: {  	_ =	shalt  }
0x5a: {  	_ =	shalt  }
0x5b: {  	_ =	shalt  }
0x5c: {  	_ =	shalt  }
0x5d: {  	_ =	shalt  }
0x5e: {  	_ =	shalt  }
0x5f: {  	_ =	shalt  }
0x60: {  	_ =	shalt  }
0x61: {  	_ =	shalt  }
0x62: {  	_ =	shalt  }
0x63: {  	_ =	shalt  }
0x64: {  	_ =	shalt  }
0x65: {  	_ =	shalt  }
0x66: {  	_ =	shalt  }
0x67: {  	_ =	shalt  }
0x68: {  	_ =	shalt  }
0x69: {  	_ =	shalt  }
0x6a: {  	_ =	shalt  }
0x6b: {  	_ =	shalt  }
0x6c: {  	_ =	shalt  }
0x6d: {  	_ =	shalt  }
0x6e: {  	_ =	shalt  }
0x6f: {  	_ =	shalt  }
0x70: {  	_ =	shalt  }
0x71: {  	_ =	shalt  }
0x72: {  	_ =	shalt  }
0x73: {  	_ =	shalt  }
0x74: {  	_ =	shalt  }
0x75: {  	_ =	shalt  }
0x76: {  	_ =	shalt  }
0x77: {  	_ =	shalt  }
0x78: {  	_ =	shalt  }
0x79: {  	_ =	shalt  }
0x7a: {  	_ =	shalt  }
0x7b: {  	_ =	shalt  }
0x7c: {  	_ =	shalt  }
0x7d: {  	_ =	shalt  }
0x7e: {  	_ =	shalt  }
0x7f: {  	_ =	shalt  }
0x80: {  	_ =	shalt  }
0x81: {  	_ =	shalt  }
0x82: {  	_ =	shalt  }
0x83: {  	_ =	shalt  }
0x84: {  	_ =	shalt  }
0x85: {  	_ =	shalt  }
0x86: {  	_ =	shalt  }
0x87: {  	_ =	shalt  }
.Lfunc_end0:
.L_simem_size_0:
called_computation_lowered:
.L_overlay_start_0:
0x88: {  	s2 =	sld [smem:$0x3FD9]  }
0x89: {  	s3 =	sld [smem:$0x3FFE];
	_ =	sdelay $0x1  }
0x8a: {  	s1 =	srdreg.scid  }
0x8b: {  	s0 =	sand.u32 $0x1, s1  }
0x8c: {  	s14 =	sshll.u32 s0, $0xA;
	s2 =	sadd.s32 s3, s2  }
0x8d: {  	s2 =	sadd.s32 s2, s14  }
0x8e: {  	[smem:$0x3FC2] =	sst s2  }
0x8f: {  	_ = 	snop  }
0x90: {  	s2 =	sld [smem:$0x3FD0]  }
0x91: {  	s15 =	sld [smem:$0x3FC9]  }
0x92: {  	s4 =	sld [smem:$0x3FC7]  }
0x93: {  	s6 =	simm.s32 $0xA;
	s7 =	simm.s32 $0x10;
	s5 =	sld [smem:$0x3FC5]  }
0x94: {  	[smem:s7], [sflag:s6] =	dma.local [hbm:s2], $0x1  }
0x95: {  	_ =	swait.eq [sflag:s6], $0x1  }
0x96: {  	[sflag:s6] =	ssyncset.done $0x0  }
0x97: {  	s16 =	sld [smem:$0x10];
	[sflag:s6] =	ssyncadd.s32 $0xFFFFFFFF  }
0x98: {  	s17 =	sld [smem:$0x11];
	(tm) =	ssettm $0x1  }
0x99: {  	s18 =	sld [smem:$0x3FFB];
	_ =	sdelay $0x3  }
0x9a: {  	_ =	strace s18  }
0x9b: {  	s7 =	sld [smem:$0x3FFC];
	_ =	sdelay $0x3  }
0x9c: {  	_ =	strace s7  }
0x9d: {  	s7 =	sld [smem:$0x3FFD];
	_ =	sdelay $0x3  }
0x9e: {  	_ =	strace s7  }
0x9f: {  	_ =	strace $0x8FFFFFFF  }
0xa0: {  	s19 =	sld [smem:$0x3FDB];
	_ =	sdelay $0x1  }
0xa1: {  	s8 =	simm.s32 $_scs_section_size  }
0xa2: {  	s9 =	simm.s32 $_size__tile_overlayer_lowered;
	s10 =	simm.s32 $_tile_overlayer_lowered  }
0xa3: {  	s22 =	simm.s32 $0x1BFF;
	s21 =	sshll.u32 s10, $0x1;
	s7 =	sadd.s32 s8, s19  }
0xa4: {  	s11 =	simm.s32 $0x0;
	s20 =	sshll.u32 s9, $0x1;
	s9 =	sadd.s32 s21, s7  }
0xa5: {  	[timem:s11], [sflag:s22] =	dma.local [hbm:s9], s20  }
0xa6: {  	_ =	swait.ge [sflag:s22], s20  }
0xa7: {  	s8 =	ssub.s32 $0x0, s20;
	[sflag:s22] =	ssyncset.done $0x0  }
0xa8: {  	[sflag:s22] =	ssyncadd.s32 s8;
	_ =	sdelay $0x1  }
0xa9: {  	s23 =	simm.s32 $0x1B8B  }
0xaa: {  	_ =	swait.ge [sflag:s23], $0x1  }
0xab: {  	[sflag:s23] =	ssyncset.done $0x0  }
0xac: {  	s25 =	simm.s32 $0x1B8E;
	s24 =	sld [smem:$0x3FFE];
	[sflag:s23] =	ssyncadd.s32 $0xFFFFFFFF  }
0xad: {  	s26 =	simm.s32 $execute0_lowered;
	[smem:$0x3FD2] =	sst s25  }
0xae: {  	s9 =	sshll.u32 s26, $0x1;
	_ =	strace $0x80000046;
	[dreg:$0x1] =	wrdreg $0xFFFFFFFF  }
0xaf: {  	s28 =	simm.s32 $_size_execute0_lowered;
	s7 =	sadd.s32 s7, s9;
	[dreg:$0x0] =	wrdreg $0x0  }
0xb0: {  	s9 =	sshll.u32 s28, $0x1;
	[dreg:$0x2] =	wrdreg s7  }
0xb1: {  	[dreg:$0x3] =	wrdreg s9  }
0xb2: {  	[dreg:$0x4] =	wrdreg $0xC0  }
0xb3: {  	_ =	task [dreg:s11], $0x5FFFF  }
0xb4: {  	[dreg:$0x1] =	wrdreg $0xFFFFFFFF  }
0xb5: {  	[dreg:$0x0] =	wrdreg $0x60  }
0xb6: {  	[dreg:$0x2] =	wrdreg s15  }
0xb7: {  	[dreg:$0x3] =	wrdreg s16  }
0xb8: {  	[dreg:$0x4] =	wrdreg s4  }
0xb9: {  	[dreg:$0x5] =	wrdreg s5  }
0xba: {  	[dreg:$0x6] =	wrdreg s17  }
0xbb: {  	[dreg:$0x7] =	wrdreg s24  }
0xbc: {  	[dreg:$0x8] =	wrdreg $0x9  }
0xbd: {  	_ =	task.clear_ibuf [dreg:s11], $0x9FFFF;
	_ =	strace $0x90000046  }
0xbe: {  	s29 =	simm.s32 $0x9;
	_ =	strace $0x80000048  }
0xbf: {  	_ =	swait.ge [sflag:s29], $0x1  }
0xc0: {  	[sflag:s29] =	ssyncadd.s32 $0xFFFFFFFF  }
0xc1: {  	_ =	strace $0x90000048  }
0xc2: {  	_ =	sfence  }
0xc3: {  	s30 =	sld [smem:$0x0];
	_ =	sdelay $0x2  }
0xc4: {  	s31 =	sshll.u32 s1, $0xD;
	s1 =	sshrl.u32 s1, $0x2  }
0xc5: {  	s3 =	sand.u32 $0x4000, s31;
	s1 =	sadd.s32 s1, s30  }
0xc6: {  	s0 =	sor.u32 s3, s0;
	s1 =	sshll.u32 s1, $0x11  }
0xc7: {  	s0 =	sor.u32 s1, s0  }
0xc8: {  	s0 =	sadd.s32 $0x8F2B, s0  }
0xc9: {  	[sflag:s0] =	ssyncadd.remote.s32 $0x1  }
0xca: {  	_ =	sfence.sel $0xFFFF  }
0xcb: {  	[dreg:$0x0] =	wrdreg $0xFFFFFFFF;
	(pc) =	sbr.abs _section_cstart, $3  }
0xcc: {  	[dreg:$0x1] =	wrdreg $0xFFFFFFFF  }
0xcd: {  	_ =	task.clear_ibuf [dreg:s11], $0x2FFFF;
	_ =	strace $0x9FFFFFFF  }
0xce: {  	(tm) =	ssettm $0x7FFFFFFF  }
0xcf: {  	_ =	shalt  }
tec
execute0_lowered:
.L_overlay_start_1:
0x0: {  	(tag) =	ssettag $0x1  }
0x1: {  	s1 =	rddreg [dreg:$0x0]  }
0x2: {  	s0 =	rddreg [dreg:$0x1]  }
0x3: {  	s2 =	rddreg [dreg:$0x5]  }
0x4: {  	s3 =	srdreg.scid;
	s4 =	stileid.u32  }
0x5: {  	s6 =	simm.s32 $0x0;
	s3 =	sand.u32 $0x1, s3;
	s4 =	sshll.u32 s4, $0x1  }
0x6: {  	s15 =	simm.s32 $0x2;
	s19 =	simm.s32 $0x1;
	s4 =	sor.u32 s3, s4  }
0x7: {  	s20 =	simm.s32 $0xA680;
	[smem:$0x7FF] =	sst s6;
	s7 =	smul.u32 $0x14, s4  }
0x8: {  	_ =	strace $0x80000047;
	s3 =	ssub.s32 $0x2, s3;
	s9 =	smul.u32 $0xC8, s4  }
0x9: {  	s5 =	sshll.u32 s4, $0xD;
	s8 =	sshrl.u32 s3, $0x1;
	s4 =	smul.u32 $0xC800, s4  }
0xa: {  	s5 =	sadd.s32 s5, s2;
	s3 =	ssub.s32 s3, s8;
	s0 =	sadd.s32 s0, s9  }
.Ltmp0:
0xb: {  	s28 =	sadd.s32 s1, s4;
	[dreg:$0x7] =	wrdreg s0;
	(pc) =	sbr.rel .LBB2_1-.Ltmp0, $4  }
0xc: {  	s10 =	smin.u32 s7, $0x25D;
	s30 =	sadd.s32 $0xA00, s5;
	[dreg:$0x8] =	wrdreg s28  }
0xd: {  	s2 =	sadd.s32 s9, s2;
	s31 =	smax.u32 s3, $0x1;
	[dreg:$0xa] =	wrdreg s30  }
0xe: {  	s8 =	sadd.s32 $0x14, s10;
	s29 =	sadd.s32 $0x40A00, s2;
	[dreg:$0xb] =	wrdreg s31  }
0xf: {  	v0 =	vimm.f32 $0.0e+00;
	s22 =	simm.s32 $0x0;
	[dreg:$0x9] =	wrdreg s29;
	p0 =	sge.u32 s7, s8  }
.LBB2_8:
0x10: {  	s0 =	rddreg [dreg:$0x9]  }
0x11: {  	[hbm4b:s0+s6] =	stream.linear.scatter [tilespmem:s20], [sflag:$0x2], $0x640, $0x38;
	[tilespmem:$0x1AF80] =	vst v63  }
0x12: {  	_ =	swait.ge [sflag:s15], $0x640  }
0x13: {  	[sflag:s15] =	ssyncset.done $0x0  }
0x14: {  	s2 =	simm.s32 $0xAD00;
	s30 =	rddreg [dreg:$0xa];
	[sflag:s15] =	ssyncadd.s32 $0xFFFFF9C0  }
0x15: {  	[hbm4b:s30+s6] =	stream.linear.scatter [tilespmem:s2], [sflag:$0x2], $0x10000, $0x38;
	[tilespmem:$0x1AF80] =	vst v63  }
0x16: {  	_ =	swait.ge [sflag:s15], $0x10000  }
0x17: {  	s22 =	sadd.s32 $0x1, s22;
	s31 =	rddreg [dreg:$0xb]  }
0x18: {  	p1 =	sne.s32 s22, s31  }
.Ltmp1:
0x19: {  	_ = 	snop;
	(pc) =	sbr.rel @!p1 .LBB2_9-.Ltmp1, $3  }
0x1a: {  	_ =	sdelay $0x1  }
0x1b: {  	[sflag:s15] =	ssyncset.done $0x0  }
0x1c: {  	v0 =	vimm.f32 $0.0e+00;
	[sflag:s15] =	ssyncadd.s32 $0xFFFF0000  }
.LBB2_1:
0x1d: {  	s0 =	rddreg [dreg:$0x2];
	s2 =	simm.s32 $0x1AD00  }
0x1e: {  	[tilespmem:s2], [sflag:$0x2] =	stream.linear.gather [hbm4b:s0+s6], $0x100, $0x38;
	[tilespmem:$0x1AF80] =	vst v63  }
0x1f: {  	_ =	swait.ge [sflag:s15], $0x100  }
0x20: {  	[sflag:s15] =	ssyncset.done $0x0  }
0x21: {  	[sflag:s15] =	ssyncadd.s32 $0xFFFFFF00  }
0x22: {  	s24 =	simm.s32 $0x1AE00;
	s23 =	rddreg [dreg:$0x3]  }
0x23: {  	[tilespmem:s24], [sflag:$0x2] =	stream.linear.gather [hbm4b:s23+s6], $0x100, $0x38;
	[tilespmem:$0x1AF80] =	vst v63  }
0x24: {  	_ =	swait.ge [sflag:s15], $0x100  }
0x25: {  	[sflag:s15] =	ssyncset.done $0x0  }
0x26: {  	[sflag:s15] =	ssyncadd.s32 $0xFFFFFF00  }
0x27: {  	s26 =	simm.s32 $0x1AF00;
	s25 =	rddreg [dreg:$0x4]  }
0x28: {  	[tilespmem:s26], [sflag:$0x2] =	stream.linear.gather [hbm4b:s25+s6], $0x80, $0x38;
	[tilespmem:$0x1AF80] =	vst v63  }
0x29: {  	_ =	swait.ge [sflag:s15], $0x80  }
0x2a: {  	[sflag:s15] =	ssyncset.done $0x0  }
0x2b: {  	s29 =	simm.s32 $0xA000;
	s28 =	rddreg [dreg:$0x7];
	[sflag:s15] =	ssyncadd.s32 $0xFFFFFF80  }
0x2c: {  	[tilespmem:s29], [sflag:$0x2] =	stream.linear.gather [hbm4b:s28+s6], $0x640, $0x38;
	[tilespmem:$0x1AF80] =	vst v63  }
0x2d: {  	_ =	swait.ge [sflag:s15], $0x640  }
0x2e: {  	s30 =	sand.u32 $0xF800, s6;
	s31 =	sand.u32 $0x380, s6;
	[sflag:s15] =	ssyncset.done $0x0  }
0x2f: {  	s0 =	sor.u32 s31, s30;
	[sflag:s15] =	ssyncadd.s32 $0xFFFFF9C0  }
0x30: {  	[tilespmem:s0+$0xB170] =	vst v0  }
0x31: {  	[tilespmem:s0+$0xAD00] =	vst v0  }
0x32: {  	[tilespmem:s0+$0xAD10] =	vst v0  }
0x33: {  	[tilespmem:s0+$0xAD20] =	vst v0  }
0x34: {  	[tilespmem:s0+$0xAD30] =	vst v0  }
0x35: {  	[tilespmem:s0+$0xAD40] =	vst v0  }
0x36: {  	[tilespmem:s0+$0xAD50] =	vst v0  }
0x37: {  	[tilespmem:s0+$0xAD60] =	vst v0  }
0x38: {  	[tilespmem:s0+$0xAD70] =	vst v0  }
0x39: {  	[tilespmem:s0+$0xB100] =	vst v0  }
0x3a: {  	[tilespmem:s0+$0xB110] =	vst v0  }
0x3b: {  	[tilespmem:s0+$0xB120] =	vst v0  }
0x3c: {  	[tilespmem:s0+$0xB130] =	vst v0  }
0x3d: {  	s3 =	simm.s32 $0x100;
	s2 =	simm.s32 $0x80;
	[tilespmem:s0+$0xB140] =	vst v0  }
0x3e: {  	s4 =	sand.u32 $0xF800, s3;
	s3 =	simm.s32 $0x200;
	s5 =	sand.u32 $0x380, s2;
	[tilespmem:s0+$0xB150] =	vst v0  }
.LBB2_2:
0x3f: {  	p1 =	sne.s32 s3, $0xFF00;
	[tilespmem:s0+$0xB160] =	vst v0;
	s0 =	sor.u32 s5, s4  }
0x40: {  	[tilespmem:s0+$0xB170] =	vst v0  }
0x41: {  	[tilespmem:s0+$0xAD00] =	vst v0  }
0x42: {  	[tilespmem:s0+$0xAD10] =	vst v0  }
0x43: {  	[tilespmem:s0+$0xAD20] =	vst v0  }
0x44: {  	[tilespmem:s0+$0xAD30] =	vst v0  }
0x45: {  	[tilespmem:s0+$0xAD40] =	vst v0  }
0x46: {  	[tilespmem:s0+$0xAD50] =	vst v0  }
0x47: {  	[tilespmem:s0+$0xAD60] =	vst v0  }
0x48: {  	[tilespmem:s0+$0xAD70] =	vst v0  }
0x49: {  	[tilespmem:s0+$0xB100] =	vst v0  }
.Ltmp2:
0x4a: {  	[tilespmem:s0+$0xB110] =	vst v0;
	(pc) =	sbr.rel @p1 .LBB2_2-.Ltmp2, $4  }
0x4b: {  	[tilespmem:s0+$0xB120] =	vst v0  }
0x4c: {  	[tilespmem:s0+$0xB130] =	vst v0  }
0x4d: {  	s2 =	sadd.s32 $0x80, s2;
	[tilespmem:s0+$0xB140] =	vst v0  }
0x4e: {  	s4 =	sand.u32 $0xF800, s3;
	s3 =	sadd.s32 $0x100, s3;
	s5 =	sand.u32 $0x380, s2;
	[tilespmem:s0+$0xB150] =	vst v0  }
0x4f: {  	s2 =	sor.u32 s5, s4;
	[tilespmem:s0+$0xB160] =	vst v0  }
0x50: {  	[tilespmem:s2+$0xB170] =	vst v0  }
0x51: {  	[tilespmem:s2+$0xAD00] =	vst v0  }
0x52: {  	[tilespmem:s2+$0xAD10] =	vst v0  }
0x53: {  	[tilespmem:s2+$0xAD20] =	vst v0  }
0x54: {  	[tilespmem:s2+$0xAD30] =	vst v0  }
0x55: {  	[tilespmem:s2+$0xAD40] =	vst v0  }
0x56: {  	[tilespmem:s2+$0xAD50] =	vst v0  }
0x57: {  	[tilespmem:s2+$0xAD60] =	vst v0  }
0x58: {  	[tilespmem:s2+$0xAD70] =	vst v0  }
0x59: {  	[tilespmem:s2+$0xB100] =	vst v0  }
0x5a: {  	[tilespmem:s2+$0xB110] =	vst v0  }
0x5b: {  	[tilespmem:s2+$0xB120] =	vst v0  }
0x5c: {  	[tilespmem:s2+$0xB130] =	vst v0  }
0x5d: {  	[tilespmem:s2+$0xB140] =	vst v0  }
0x5e: {  	[tilespmem:s2+$0xB150] =	vst v0  }
0x5f: {  	[tilespmem:s2+$0xB160] =	vst v0  }
0x60: {  	v0 =	vld [tilespmem:$0x1AF00];
	_ =	sdelay $0x4  }
0x61: {  	(v2sf) =	vpush v0, $0x0  }
0x62: {  	(v2sf) =	vpush v0, $0x1;
	_ =	sdelay $0xa  }
.Ltmp3:
0x63: {  	_ = 	snop;
	(pc) =	sbr.rel @p0 .LBB2_8-.Ltmp3, $3  }
0x64: {  	_ =	sdelay $0x1  }
0x65: {  	s23 =	spop (v2sf)  }
0x66: {  	s24 =	spop (v2sf)  }
0x67: {  	s0 =	rddreg [dreg:$0x8];
	s25 =	smov.u32 s7  }
0x68: {  	[tilespmem:s6], [sflag:$0x1] =	stream.linear.gather [hbm4b:s0+s6], $0x5000, $0x38;
	[tilespmem:$0x1AF80] =	vst v63  }
.LBB2_6:
0x69: {  	s0 =	ssub.s32 s25, s7;
	s2 =	sand.u32 $0x1, s25;
	s25 =	sadd.s32 $0x1, s25  }
0x6a: {  	p1 =	sge.u32 s25, s8;
	s26 =	smul.u32 $0x50, s0  }
0x6b: {  	s4 =	smul.u32 @!p1 $0xA00, s25  }
0x6c: {  	_ =	swait.ge [sflag:s19], $0x5000;
	s3 =	sxor.u32 @!p1 $0x1, s2;
	s2 =	smul.u32 $0x14000, s2  }
0x6d: {  	[sflag:s19] =	ssyncset.done $0x0;
	s3 =	smul.u32 @!p1 $0x14000, s3  }
0x6e: {  	s28 =	simm.s32 $0x0;
	[sflag:s19] =	ssyncadd.s32 $0xFFFFB000;
	s5 =	simm.s32 @!p1 $0x0;
	v0 =	vmov s26  }
0x6f: {  	s4 =	sadd.s32 @!p1 s1, s4;
	s31 =	sshrl.u32 s2, $0x2;
	[tilespmem:$0x1FFF0] =	vst v0;
	s3 =	sshrl.u32 @!p1 s3, $0x2  }
0x70: {  	v1 =	vmov s31;
	[tilespmem:s3], [sflag:$0x1] =	stream.linear.gather @!p1 [hbm4b:s4+s5], $0x5000, $0x38;
	[tilespmem:$0x1AF80] =	vst v63  }
.LBB2_7:
0x71: {  	v42 =	vld [tilespmem:$0x1AD00]  }
0x72: {  	v33 =	vld [tilespmem:$0x1AD10]  }
0x73: {  	v32 =	vld [tilespmem:$0x1AD20]  }
0x74: {  	v22 =	vld [tilespmem:$0x1AD30]  }
0x75: {  	v50 =	vld [tilespmem:$0x1AD40]  }
0x76: {  	v51 =	vld [tilespmem:$0x1AD50]  }
0x77: {  	v44 =	vld [tilespmem:$0x1AD60]  }
0x78: {  	v52 =	vld [tilespmem:$0x1AD70]  }
0x79: {  	v48 =	vld [tilespmem:$0x1AD80]  }
0x7a: {  	v15 =	vld [tilespmem:$0x1AD90]  }
0x7b: {  	v53 =	vld [tilespmem:$0x1ADA0]  }
0x7c: {  	v46 =	vld [tilespmem:$0x1ADB0]  }
0x7d: {  	v41 =	vld [tilespmem:$0x1ADC0]  }
0x7e: {  	v38 =	vld [tilespmem:$0x1ADD0]  }
0x7f: {  	v37 =	vld [tilespmem:$0x1ADE0]  }
0x80: {  	v36 =	vld [tilespmem:$0x1ADF0]  }
0x81: {  	v40 =	vld [tilespmem:$0x1AE00]  }
0x82: {  	v35 =	vld [tilespmem:$0x1AE10]  }
0x83: {  	v8 =	vld [tilespmem:$0x1AE20]  }
0x84: {  	v10 =	vld [tilespmem:$0x1AE30]  }
0x85: {  	v47 =	vld [tilespmem:$0x1AE40]  }
0x86: {  	v45 =	vld [tilespmem:$0x1AE50]  }
0x87: {  	v25 =	vld [tilespmem:$0x1AE60]  }
0x88: {  	v21 =	vld [tilespmem:$0x1AE70]  }
0x89: {  	v43 =	vld [tilespmem:$0x1AE80]  }
0x8a: {  	v19 =	vld [tilespmem:$0x1AE90];
	s0 =	sshll.u32 s28, $0xC  }
0x8b: {  	v16 =	vld [tilespmem:$0x1AEB0];
	s31 =	sand.u32 $0x3FFFF000, s0  }
0x8c: {  	v59 =	vld.idx.msk [tilespmem:v1+s31+$0x0 ss:$0x1], $0xffff  }
0x8d: {  	v14 =	vld.idx.msk [tilespmem:v1+s31+$0x10 ss:$0x1], $0xffff  }
0x8e: {  	v24 =	vld.idx.msk [tilespmem:v1+s31+$0x20 ss:$0x1], $0xffff  }
0x8f: {  	v23 =	vld.idx.msk [tilespmem:v1+s31+$0x30 ss:$0x1], $0xffff  }
0x90: {  	v31 =	vld.idx.msk [tilespmem:v1+s31+$0x40 ss:$0x1], $0xffff  }
0x91: {  	v29 =	vld.idx.msk [tilespmem:v1+s31+$0x50 ss:$0x1], $0xffff  }
0x92: {  	v27 =	vld.idx.msk [tilespmem:v1+s31+$0x60 ss:$0x1], $0xffff;
	v0 =	vmul.f32 v59, v42  }
0x93: {  	v28 =	vld.idx.msk [tilespmem:v1+s31+$0x70 ss:$0x1], $0xffff;
	v2 =	vmul.f32 v14, v33;
	v3 =	vmul.f32 v24, v32  }
0x94: {  	v30 =	vld.idx.msk [tilespmem:v1+s31+$0x400 ss:$0x1], $0xffff;
	[tilespmem:$0x1F0D0] =	vst v14;
	v4 =	vmul.f32 v23, v22;
	v5 =	vmul.f32 v59, v40  }
0x95: {  	v26 =	vld.idx.msk [tilespmem:v1+s31+$0x410 ss:$0x1], $0xffff;
	[tilespmem:$0x1F0F0] =	vst v23;
	v6 =	vmul.f32 v14, v35;
	v7 =	vmul.f32 v24, v8  }
0x96: {  	v63 =	vld.idx.msk [tilespmem:v1+s31+$0x440 ss:$0x1], $0xffff;
	[tilespmem:$0x1F100] =	vst v31;
	v55 =	vmul.f32 v31, v50;
	v9 =	vmul.f32 v23, v10  }
0x97: {  	v49 =	vld.idx.msk [tilespmem:v1+s31+$0x450 ss:$0x1], $0xffff;
	[tilespmem:$0x1F110] =	vst v29;
	v56 =	vmul.f32 v31, v47;
	v57 =	vmul.f32 v29, v51  }
0x98: {  	v20 =	vld.idx.msk [tilespmem:v1+s31+$0x460 ss:$0x1], $0xffff;
	[tilespmem:$0x1F120] =	vst v27;
	v11 =	vmul.f32 v29, v45;
	v58 =	vmul.f32 v27, v44  }
0x99: {  	v61 =	vld.idx.msk [tilespmem:v1+s31+$0x430 ss:$0x1], $0xffff;
	[tilespmem:$0x1F140] =	vst v30;
	v12 =	vmul.f32 v27, v25;
	v60 =	vmul.f32 v28, v52  }
0x9a: {  	v23 =	vmov v10;
	v31 =	vld.idx.msk [tilespmem:v1+s31+$0x420 ss:$0x1], $0xffff;
	[tilespmem:$0x1F130] =	vst v28;
	v62 =	vmul.f32 v28, v21;
	v34 =	vmul.f32 v30, v48  }
0x9b: {  	v18 =	vld [tilespmem:$0x1AEA0];
	[tilespmem:$0x1F180] =	vst v63;
	v39 =	vmul.f32 v30, v43;
	v54 =	vmul.f32 v26, v15;
	v0 =	vadd.f32 v55, v0  }
0x9c: {  	v13 =	vld [tilespmem:$0x1AEC0];
	[tilespmem:$0x1F150] =	vst v26;
	v27 =	vmul.f32 v49, v38;
	v5 =	vadd.f32 v56, v5;
	v2 =	vadd.f32 v57, v2  }
0x9d: {  	v17 =	vld [tilespmem:$0x1AEE0];
	v30 =	vmovc v19;
	v29 =	vmul.f32 v20, v37;
	v6 =	vadd.f32 v11, v6;
	v3 =	vadd.f32 v58, v3  }
0x9e: {  	v14 =	vld [tilespmem:$0x1AED0];
	[tilespmem:$0x1F170] =	vst v61;
	v7 =	vadd.f32 v12, v7;
	v4 =	vadd.f32 v60, v4;
	v55 =	vmul.f32 v26, v19  }
0x9f: {  	v10 =	vld.idx.msk [tilespmem:v1+s31+$0x120 ss:$0x1], $0xffff;
	v9 =	vadd.f32 v62, v9;
	v60 =	vmul.f32 v61, v46;
	v61 =	vmul.f32 v61, v16  }
0xa0: {  	v57 =	vld.idx.msk [tilespmem:v1+s31+$0x470 ss:$0x1], $0xffff;
	v62 =	vmul.f32 v63, v41;
	v0 =	vadd.f32 v34, v0;
	v5 =	vadd.f32 v39, v5  }
0xa1: {  	[tilespmem:$0x1F190] =	vst v49;
	v19 =	vld [tilespmem:$0x1AEF0];
	v63 =	vmul.f32 v63, v13;
	v2 =	vadd.f32 v54, v2;
	v6 =	vadd.f32 v55, v6  }
0xa2: {  	v26 =	vld.idx.msk [tilespmem:v1+s31+$0x4B0 ss:$0x1], $0xffff;
	v4 =	vadd.f32 v60, v4;
	v39 =	vmov v38;
	v38 =	vmul.f32 v20, v17;
	[tilespmem:$0x1F160] =	vst v31  }
0xa3: {  	v56 =	vmul.f32 v31, v53;
	v58 =	vmul.f32 v31, v18;
	v31 =	vmovc v16;
	v16 =	vadd.f32 v61, v9  }
0xa4: {  	v55 =	vld.idx.msk [tilespmem:v1+s31+$0x80 ss:$0x1], $0xffff;
	v28 =	vmul.f32 v49, v14;
	v0 =	vadd.f32 v62, v0;
	v5 =	vadd.f32 v63, v5  }
0xa5: {  	v60 =	vld.idx.msk [tilespmem:v1+s31+$0xA0 ss:$0x1], $0xffff;
	v2 =	vadd.f32 v27, v2;
	v3 =	vadd.f32 v56, v3;
	v34 =	vmul.f32 v57, v36  }
0xa6: {  	v61 =	vld.idx.msk [tilespmem:v1+s31+$0xE0 ss:$0x1], $0xffff;
	v7 =	vadd.f32 v58, v7;
	v6 =	vadd.f32 v28, v6;
	v49 =	vmul.f32 v57, v19  }
0xa7: {  	[tilespmem:$0x1F1B0] =	vst v57;
	v57 =	vld.idx.msk [tilespmem:v1+s31+$0xC0 ss:$0x1], $0xffff;
	v3 =	vadd.f32 v29, v3;
	v4 =	vadd.f32 v34, v4  }
0xa8: {  	[tilespmem:$0x1F0E0] =	vst v24;
	v24 =	vmov v8;
	v58 =	vld.idx.msk [tilespmem:v1+s31+$0xD0 ss:$0x1], $0xffff;
	v7 =	vadd.f32 v38, v7;
	v8 =	vadd.f32 v49, v16  }
0xa9: {  	v62 =	vld.idx.msk [tilespmem:v1+s31+$0xB0 ss:$0x1], $0xffff;
	v0 =	vadd.f32 v2, v0;
	v2 =	vadd.f32 v4, v3  }
0xaa: {  	[tilespmem:$0x1F1A0] =	vst v20;
	v56 =	vld.idx.msk [tilespmem:v1+s31+$0x90 ss:$0x1], $0xffff;
	v3 =	vadd.f32 v6, v5;
	v54 =	vadd.f32 v8, v7  }
0xab: {  	v63 =	vld.idx.msk [tilespmem:v1+s31+$0xF0 ss:$0x1], $0xffff;
	[tilespmem:$0x1F1C0] =	vst v55;
	v0 =	vadd.f32 v2, v0  }
0xac: {  	[tilespmem:$0x1F1E0] =	vst v60;
	v4 =	vmul.f32 v55, v40;
	v27 =	vmul.f32 v57, v50;
	v2 =	vadd.f32 v54, v3  }
0xad: {  	v38 =	vld.idx.msk [tilespmem:v1+s31+$0x480 ss:$0x1], $0xffff;
	[tilespmem:$0x1F220] =	vst v61;
	v6 =	vmul.f32 v57, v47;
	v28 =	vmul.f32 v58, v51;
	(xrf2) =	vadd.scan.msk.f32 $0xffff, v0  }
0xae: {  	v12 =	vld.idx.msk [tilespmem:v1+s31+$0x170 ss:$0x1], $0xffff;
	[tilespmem:$0x1F200] =	vst v57;
	v29 =	vmul.f32 v58, v45;
	v57 =	vmul.f32 v61, v25;
	(xrf2) =	vadd.scan.msk.f32 $0xffff, v2  }
0xaf: {  	v16 =	vld.idx.msk [tilespmem:v1+s31+$0x4A0 ss:$0x1], $0xffff;
	[tilespmem:$0x1F210] =	vst v58;
	v58 =	vmul.f32 v62, v22;
	v3 =	vmul.f32 v56, v33  }
0xb0: {  	v34 =	vld.idx.msk [tilespmem:v1+s31+$0x490 ss:$0x1], $0xffff;
	v49 =	vmov v60;
	[tilespmem:$0x1F1F0] =	vst v62;
	v54 =	vmul.f32 v60, v32;
	v60 =	vmul.f32 v63, v52  }
0xb1: {  	[tilespmem:$0x1F230] =	vst v63;
	v4 =	vadd.f32 v6, v4;
	v0 =	vmul.f32 v55, v42;
	v55 =	vmul.f32 v61, v44  }
0xb2: {  	[tilespmem:$0x1F240] =	vst v38;
	v3 =	vadd.f32 v28, v3;
	v61 =	vmul.f32 v62, v23;
	v62 =	vmul.f32 v63, v21  }
0xb3: {  	v7 =	vadd.f32 v60, v58;
	v63 =	vmul.f32 v38, v48;
	v38 =	vmul.f32 v38, v43;
	v58 =	vld.idx.msk [tilespmem:v1+s31+$0x4F0 ss:$0x1], $0xffff  }
0xb4: {  	v20 =	vmovc v17;
	v60 =	vmul.f32 v16, v18;
	v0 =	vadd.f32 v27, v0;
	v6 =	vadd.f32 v55, v54  }
0xb5: {  	v27 =	vld.idx.msk [tilespmem:v1+s31+$0x4C0 ss:$0x1], $0xffff;
	v8 =	vadd.f32 v62, v61;
	v54 =	vmul.f32 v34, v15;
	v61 =	vmul.f32 v26, v46  }
0xb6: {  	[tilespmem:$0x1F270] =	vst v26;
	v4 =	vadd.f32 v38, v4;
	v62 =	vmul.f32 v26, v31;
	v0 =	vadd.f32 v63, v0  }
0xb7: {  	[tilespmem:$0x1F330] =	vst v12;
	v55 =	vmul.f32 v34, v30;
	v3 =	vadd.f32 v54, v3;
	v7 =	vadd.f32 v61, v7;
	v2, _, _ =	vpop (xrf2)  }
0xb8: {  	v11 =	vld.idx.msk [tilespmem:v1+s31+$0x160 ss:$0x1], $0xffff;
	[tilespmem:$0x1F1D0] =	vst v56;
	v8 =	vadd.f32 v62, v8;
	v54 =	vmul.f32 v58, v36;
	(v2sf) =	vpush v2, $0xF;
	v2, _, _ =	vpop (xrf2)  }
0xb9: {  	[tilespmem:$0x1F250] =	vst v34;
	v61 =	vld.idx.msk [tilespmem:v1+s31+$0x150 ss:$0x1], $0xffff;
	(v2sf) =	vpush v2, $0xF;
	v2 =	vmul.f32 v56, v35;
	v56 =	vmul.f32 v49, v24  }
0xba: {  	[tilespmem:$0x1F260] =	vst v16;
	v63 =	vmul.f32 v27, v41;
	v26 =	vmul.f32 v27, v13;
	v49 =	vmov v48;
	v48 =	vld.idx.msk [tilespmem:v1+s31+$0x4D0 ss:$0x1], $0xffff  }
0xbb: {  	v7 =	vadd.f32 v54, v7;
	v5 =	vadd.f32 v57, v56;
	v56 =	vld.idx.msk [tilespmem:v1+s31+$0x4E0 ss:$0x1], $0xffff;
	v57 =	vmul.f32 v16, v53  }
0xbc: {  	v17 =	vmov v13;
	[tilespmem:$0x1F2B0] =	vst v58;
	v0 =	vadd.f32 v63, v0;
	v63 =	vld.idx.msk [tilespmem:v1+s31+$0x130 ss:$0x1], $0xffff;
	v2 =	vadd.f32 v29, v2  }
0xbd: {  	v4 =	vadd.f32 v26, v4;
	v6 =	vadd.f32 v57, v6;
	v57 =	vmul.f32 v58, v19;
	v58 =	vld.idx.msk [tilespmem:v1+s31+$0x140 ss:$0x1], $0xffff  }
0xbe: {  	v34 =	vmov v30;
	[tilespmem:$0x1F280] =	vst v27;
	v2 =	vadd.f32 v55, v2;
	v5 =	vadd.f32 v60, v5;
	v55 =	vld.idx.msk [tilespmem:v1+s31+$0x100 ss:$0x1], $0xffff  }
0xbf: {  	v38 =	vmov v31;
	v60 =	vld.idx.msk [tilespmem:v1+s31+$0x110 ss:$0x1], $0xffff;
	[tilespmem:$0x1F290] =	vst v48;
	v27 =	vmul.f32 v48, v39;
	v31 =	vmul.f32 v48, v14  }
0xc0: {  	v8 =	vadd.f32 v57, v8;
	[tilespmem:$0x1F2A0] =	vst v56;
	v48 =	vmul.f32 v56, v37;
	v56 =	vmul.f32 v56, v20  }
0xc1: {  	[tilespmem:$0x1F310] =	vst v61;
	v26 =	vld.idx.msk [tilespmem:v1+s31+$0x510 ss:$0x1], $0xffff;
	v16 =	vmov v14;
	v3 =	vadd.f32 v27, v3;
	v2 =	vadd.f32 v31, v2  }
0xc2: {  	[tilespmem:$0x1F2F0] =	vst v63;
	v6 =	vadd.f32 v48, v6;
	v5 =	vadd.f32 v56, v5;
	v30 =	vmul.f32 v58, v50  }
0xc3: {  	v14 =	vld.idx.msk [tilespmem:v1+s31+$0x500 ss:$0x1], $0xffff;
	v0 =	vadd.f32 v3, v0;
	v31 =	vmul.f32 v55, v40;
	v54 =	vmul.f32 v58, v47  }
0xc4: {  	v27 =	vld.idx.msk [tilespmem:v1+s31+$0x570 ss:$0x1], $0xffff;
	v2 =	vadd.f32 v2, v4;
	v56 =	vmul.f32 v61, v51;
	v57 =	vmul.f32 v60, v35  }
0xc5: {  	[tilespmem:$0x1F300] =	vst v58;
	v58 =	vmul.f32 v61, v45;
	v61 =	vmul.f32 v11, v44;
	v3 =	vadd.f32 v7, v6  }
0xc6: {  	[tilespmem:$0x1F2C0] =	vst v55;
	v62 =	vadd.f32 v8, v5;
	v4 =	vadd.f32 v54, v31;
	v31 =	vmul.f32 v11, v25  }
0xc7: {  	v48 =	vmovc v47;
	v6 =	vadd.f32 v58, v57;
	v47 =	vmul.f32 v63, v22;
	v54 =	vmul.f32 v12, v52  }
0xc8: {  	[tilespmem:$0x1F2D0] =	vst v60;
	v63 =	vmul.f32 v63, v23;
	v12 =	vmul.f32 v12, v21;
	v0 =	vadd.f32 v3, v0  }
0xc9: {  	v3 =	vmul.f32 v55, v42;
	v2 =	vadd.f32 v62, v2;
	v55 =	vmul.f32 v60, v33;
	v62 =	vld.idx.msk [tilespmem:v1+s31+$0x520 ss:$0x1], $0xffff  }
0xca: {  	v57 =	vmul.f32 v14, v43;
	v60 =	vmul.f32 v10, v32;
	v9 =	vadd.f32 v54, v47;
	v47 =	vld.idx.msk [tilespmem:v1+s31+$0x540 ss:$0x1], $0xffff  }
0xcb: {  	v3 =	vadd.f32 v30, v3;
	v5 =	vadd.f32 v56, v55;
	v30 =	vmul.f32 v10, v24;
	v55 =	vld.idx.msk [tilespmem:v1+s31+$0x530 ss:$0x1], $0xffff  }
0xcc: {  	[tilespmem:$0x1F2E0] =	vst v10;
	v58 =	vmul.f32 v26, v15;
	v4 =	vadd.f32 v57, v4;
	v7 =	vadd.f32 v61, v60  }
0xcd: {  	v56 =	vmul.f32 v14, v49;
	v10 =	vadd.f32 v12, v63;
	v8 =	vadd.f32 v31, v30;
	v30 =	vld.idx.msk [tilespmem:v1+s31+$0x550 ss:$0x1], $0xffff  }
0xce: {  	v60 =	vmul.f32 v26, v34;
	v31 =	vld.idx.msk [tilespmem:v1+s31+$0x560 ss:$0x1], $0xffff;
	v61 =	vmov v62;
	[tilespmem:$0x1F360] =	vst v62;
	v62 =	vmul.f32 v62, v53  }
0xcf: {  	v3 =	vadd.f32 v56, v3;
	v56 =	vmul.f32 v47, v17;
	v63 =	vmul.f32 v61, v18  }
0xd0: {  	[tilespmem:$0x1F350] =	vst v26;
	v5 =	vadd.f32 v58, v5;
	v61 =	vmul.f32 v27, v36;
	v26 =	vmul.f32 v55, v46  }
0xd1: {  	v6 =	vadd.f32 v60, v6;
	[tilespmem:$0x1F370] =	vst v55;
	v54 =	vmul.f32 v55, v38;
	v55 =	vmul.f32 v47, v41  }
0xd2: {  	v7 =	vadd.f32 v62, v7;
	v4 =	vadd.f32 v56, v4;
	v57 =	vmul.f32 v30, v39  }
0xd3: {  	v9 =	vadd.f32 v26, v9;
	v3 =	vadd.f32 v55, v3;
	v60 =	vmul.f32 v31, v37;
	v55 =	vld [tilespmem:$0x1FFF0]  }
0xd4: {  	v8 =	vadd.f32 v63, v8;
	v5 =	vadd.f32 v57, v5  }
0xd5: {  	v7 =	vadd.f32 v60, v7;
	v9 =	vadd.f32 v61, v9  }
0xd6: {  	(xrf2) =	vadd.scan.msk.f32 $0xffff, v0;
	v10 =	vadd.f32 v54, v10;
	v58 =	vmul.f32 v30, v16;
	v62 =	vmul.f32 v31, v20  }
0xd7: {  	(xrf2) =	vadd.scan.msk.f32 $0xffff, v2;
	v63 =	vmul.f32 v27, v19;
	v2 =	vadd.f32 v5, v3;
	v3 =	vadd.f32 v9, v7  }
0xd8: {  	v12 =	vld.idx.msk [tilespmem:v1+s31+$0x1B0 ss:$0x1], $0xffff;
	v6 =	vadd.f32 v58, v6;
	v0 =	vadd.f32 v62, v8  }
0xd9: {  	[tilespmem:$0x1F340] =	vst v14;
	v56 =	vld.idx.msk [tilespmem:v1+s31+$0x1C0 ss:$0x1], $0xffff;
	v14 =	vadd.f32 v63, v10;
	v2 =	vadd.f32 v3, v2  }
0xda: {  	s29 =	sshll.u32 s28, $0x4;
	[tilespmem:$0x1F3B0] =	vst v27;
	v27 =	vld.idx.msk [tilespmem:v1+s31+$0x5A0 ss:$0x1], $0xffff  }
0xdb: {  	s3 =	spop (v2sf);
	v4 =	vadd.f32 v6, v4;
	v0 =	vadd.f32 v14, v0;
	(xrf2) =	vadd.scan.msk.f32 $0xffff, v2;
	v2 =	vld.idx.msk [tilespmem:v55+s29+$0xA000 ss:$0x1], $0xffff  }
0xdc: {  	s17 =	spop (v2sf);
	v54 =	vld.idx.msk [tilespmem:v1+s31+$0x1A0 ss:$0x1], $0xffff  }
0xdd: {  	s0 =	sadd.f32 s17, s24;
	v58 =	vld.idx.msk [tilespmem:v1+s31+$0x1E0 ss:$0x1], $0xffff;
	v0 =	vadd.f32 v0, v4  }
0xde: {  	v26 =	vld.idx.msk [tilespmem:v1+s31+$0x180 ss:$0x1], $0xffff  }
0xdf: {  	[tilespmem:$0x1F390] =	vst v30;
	v8 =	vld.idx.msk [tilespmem:v1+s31+$0x190 ss:$0x1], $0xffff;
	(xrf2) =	vadd.scan.msk.f32 $0xffff, v0;
	v0 =	vmov s0  }
0xe0: {  	[tilespmem:$0x1F3A0] =	vst v31;
	v57 =	vld.idx.msk [tilespmem:v1+s31+$0x1D0 ss:$0x1], $0xffff;
	v60 =	vmul.f32 v56, v50;
	v0 =	vsub.f32 $0.0e+00, v0;
	(v2sf) =	vpush v2, $0x0;
	v2, _, _ =	vpop (xrf2)  }
0xe1: {  	[tilespmem:$0x1F400] =	vst v56;
	v62 =	vmul.f32 v56, v48;
	v4 =	vmul.f32 v54, v32;
	v3 =	vld.idx.msk [tilespmem:v55+s29+$0xA001 ss:$0x1], $0xffff;
	(v2sf) =	vpush v2, $0xF;
	v2, _, _ =	vpop (xrf2)  }
0xe2: {  	v61 =	vld.idx.msk [tilespmem:v1+s31+$0x1F0 ss:$0x1], $0xffff;
	[tilespmem:$0x1F3E0] =	vst v54;
	v56 =	vmul.f32 v58, v44;
	v0 =	vmul.f32 $1.442695020e+00, v0;
	(v2sf) =	vpush v2, $0xF  }
0xe3: {  	v29 =	vmov v33;
	v54 =	vmul.f32 v54, v24;
	[tilespmem:$0x1F420] =	vst v58;
	v58 =	vmul.f32 v58, v25  }
0xe4: {  	v31 =	vmovc v42;
	v30 =	vmovc v40;
	v5 =	vmul.f32 v12, v22;
	v4 =	vadd.f32 v56, v4;
	v0 =	vbroadcast v0, $0x0  }
0xe5: {  	v63 =	vld.idx.msk [tilespmem:v1+s31+$0x580 ss:$0x1], $0xffff;
	v7 =	vadd.f32 v58, v54;
	v58 =	vmul.f32 v27, v53;
	v2 =	vmul.f32 v26, v42  }
0xe6: {  	[tilespmem:$0x1F460] =	vst v27;
	(v2sf) =	vpush v3, $0x0;
	v3 =	vmul.f32 v8, v33;
	v33 =	vmovc v48;
	v48 =	vmul.f32 v57, v51  }
0xe7: {  	v4 =	vadd.f32 v58, v4;
	v42 =	vmovc v50;
	v2 =	vadd.f32 v60, v2;
	v60 =	vmul.f32 v61, v52  }
0xe8: {  	v28 =	vld.idx.msk [tilespmem:v1+s31+$0x5B0 ss:$0x1], $0xffff;
	[tilespmem:$0x1F3C0] =	vst v26;
	v50 =	vmul.f32 v8, v35;
	(erf) = vpow2.f32 v0;
	v0, _, _ =	vpop (xrf2);
	v3 =	vadd.f32 v48, v3  }
0xe9: {  	[tilespmem:$0x1F430] =	vst v61;
	v54 =	vld.idx.msk [tilespmem:v1+s31+$0x5C0 ss:$0x1], $0xffff;
	v61 =	vmul.f32 v61, v21;
	(v2sf) =	vpush v0, $0xF;
	v0, _, _ =	vpop (xrf2);
	v5 =	vadd.f32 v60, v5  }
0xea: {  	v14 =	vld.idx.msk [tilespmem:v1+s31+$0x5D0 ss:$0x1], $0xffff;
	[tilespmem:$0x1F3D0] =	vst v8;
	v60 =	vmul.f32 v27, v18;
	(v2sf) =	vpush v0, $0xF;
	v0 =	vmul.f32 v26, v40  }
0xeb: {  	[tilespmem:$0x1F410] =	vst v57;
	v40 =	vmov v51;
	v26 =	vld.idx.msk [tilespmem:v1+s31+$0x590 ss:$0x1], $0xffff;
	v51 =	vmul.f32 v57, v45;
	v57 =	vmul.f32 v12, v23  }
0xec: {  	v27 =	vld.idx.msk [tilespmem:v1+s31+$0x5F0 ss:$0x1], $0xffff;
	v7 =	vadd.f32 v60, v7;
	v0 =	vadd.f32 v62, v0;
	v62 =	vmul.f32 v63, v49  }
0xed: {  	[tilespmem:$0x1F440] =	vst v63;
	v6 =	vadd.f32 v51, v50;
	v63 =	vmul.f32 v63, v43;
	v8 =	vadd.f32 v61, v57  }
0xee: {  	v61 =	vmul.f32 v28, v46;
	v51 =	vmul.f32 v54, v17;
	v2 =	vadd.f32 v62, v2  }
0xef: {  	v0 =	vadd.f32 v63, v0;
	v62 =	vmul.f32 v28, v38;
	v63 =	vmul.f32 v54, v41;
	s5 =	spop (v2sf)  }
0xf0: {  	[tilespmem:$0x1F450] =	vst v26;
	v56 =	vmul.f32 v26, v15;
	v57 =	vmul.f32 v26, v34;
	v26 =	vld.idx.msk [tilespmem:v1+s31+$0x5E0 ss:$0x1], $0xffff;
	s2 =	spop (v2sf)  }
0xf1: {  	v5 =	vadd.f32 v61, v5;
	v60 =	vmul.f32 v27, v36;
	v8 =	vadd.f32 v62, v8;
	s18 =	spop (v2sf)  }
0xf2: {  	[tilespmem:$0x1F480] =	vst v54;
	v54 =	vmul.f32 v14, v39;
	v2 =	vadd.f32 v63, v2;
	v0 =	vadd.f32 v51, v0;
	s0 =	sadd.f32 s18, s24  }
0xf3: {  	v63 =	vmul.f32 v27, v19;
	v5 =	vadd.f32 v60, v5;
	v3 =	vadd.f32 v56, v3  }
0xf4: {  	[tilespmem:$0x1F470] =	vst v28;
	v6 =	vadd.f32 v57, v6;
	v57 =	vmul.f32 v14, v16;
	v28 =	vmov s0  }
0xf5: {  	v8 =	vadd.f32 v63, v8;
	v58 =	vmul.f32 v26, v37;
	v56 =	vsub.f32 $0.0e+00, v28  }
0xf6: {  	v3 =	vadd.f32 v54, v3;
	v6 =	vadd.f32 v57, v6  }
0xf7: {  	v61 =	vpop (erf);
	v62 =	vmul.f32 v26, v20;
	v4 =	vadd.f32 v58, v4;
	v9 =	vmul.f32 $1.442695020e+00, v56  }
0xf8: {  	[tilespmem:$0x1F4A0] =	vst v26;
	v26 =	vadd.f32 $1.000000000e+00, v61;
	v2 =	vadd.f32 v3, v2  }
0xf9: {  	v7 =	vadd.f32 v62, v7;
	v3 =	vadd.f32 v5, v4;
	v9 =	vbroadcast v9, $0x0  }
0xfa: {  	v13 =	vld.idx.msk [tilespmem:v1+s31+$0x260 ss:$0x1], $0xffff;
	v0 =	vadd.f32 v6, v0;
	s4 =	spop (v2sf);
	(erf) = vrcp.f32 v26  }
0xfb: {  	[tilespmem:$0x1F4B0] =	vst v27;
	v57 =	vld.idx.msk [tilespmem:v1+s31+$0x250 ss:$0x1], $0xffff;
	v27 =	vadd.f32 v8, v7;
	s21 =	spop (v2sf);
	v2 =	vadd.f32 v3, v2;
	(erf) = vpow2.f32 v9  }
0xfc: {  	v6 =	vld.idx.msk [tilespmem:v1+s31+$0x200 ss:$0x1], $0xffff;
	s9 =	spop (v2sf)  }
0xfd: {  	v0 =	vadd.f32 v27, v0;
	s9 =	sadd.f32 s9, s24;
	(xrf2) =	vadd.scan.msk.f32 $0xffff, v2;
	v2 =	vld.idx.msk [tilespmem:v55+s29+$0xA002 ss:$0x1], $0xffff  }
0xfe: {  	v8 =	vld.idx.msk [tilespmem:v1+s31+$0x210 ss:$0x1], $0xffff  }
0xff: {  	v3 =	vld.idx.msk [tilespmem:v1+s31+$0x240 ss:$0x1], $0xffff;
	(xrf2) =	vadd.scan.msk.f32 $0xffff, v0;
	v0 =	vmov s9  }
0x100: {  	v26 =	vld.idx.msk [tilespmem:v1+s31+$0x230 ss:$0x1], $0xffff;
	v0 =	vsub.f32 $0.0e+00, v0;
	_ =	sdelay $0x1  }
0x101: {  	[tilespmem:$0x1F320] =	vst v11;
	v63 =	vld.idx.msk [tilespmem:v1+s31+$0x270 ss:$0x1], $0xffff;
	v0 =	vmul.f32 $1.442695020e+00, v0;
	(v2sf) =	vpush v2, $0x0;
	v2 =	vmul.f32 v6, v31  }
0x102: {  	[tilespmem:$0x1F490] =	vst v14;
	v7 =	vmul.f32 v57, v40;
	v56 =	vld.idx.msk [tilespmem:v1+s31+$0x220 ss:$0x1], $0xffff;
	v58 =	vmul.f32 v8, v29;
	v14 =	vpop (erf)  }
0x103: {  	[tilespmem:$0x1F3F0] =	vst v12;
	v61 =	vld.idx.msk [tilespmem:v1+s31+$0x610 ss:$0x1], $0xffff;
	v12 =	vmul.f32 v3, v42;
	v0 =	vbroadcast v0, $0x0;
	v54 =	vpop (erf)  }
0x104: {  	[tilespmem:$0x1F520] =	vst v13;
	v62 =	vld.idx.msk [tilespmem:v1+s31+$0x600 ss:$0x1], $0xffff;
	v9 =	vmul.f32 v26, v22;
	v27 =	vmul.f32 v3, v33;
	v4 =	vadd.f32 $1.000000000e+00, v54  }
0x105: {  	v10 =	vadd.f32 v7, v58;
	v58 =	vmul.f32 v13, v44;
	v12 =	vadd.f32 v12, v2;
	v2 =	vmovc v57  }
0x106: {  	v50 =	vmov v53;
	[tilespmem:$0x1F510] =	vst v57;
	v57 =	vmul.f32 v2, v45;
	(erf) = vrcp.f32 v4  }
0x107: {  	[tilespmem:$0x1F500] =	vst v3;
	v3 =	vmov v56;
	v2 =	vmul.f32 v63, v52;
	(erf) = vpow2.f32 v0;
	v0, _, _ =	vpop (xrf2)  }
0x108: {  	[tilespmem:$0x1F4E0] =	vst v56;
	v54 =	vmul.f32 v56, v32;
	v56 =	vmul.f32 v8, v35;
	(v2sf) =	vpush v0, $0xF;
	v0, _, _ =	vpop (xrf2)  }
0x109: {  	v60 =	vld.idx.msk [tilespmem:v1+s31+$0x620 ss:$0x1], $0xffff;
	[tilespmem:$0x1F4C0] =	vst v6;
	v9 =	vadd.f32 v2, v9;
	(v2sf) =	vpush v0, $0xF;
	v0 =	vmul.f32 v6, v30  }
0x10a: {  	[tilespmem:$0x1F4D0] =	vst v8;
	v2 =	vmul.f32 v62, v43;
	v8 =	vadd.f32 v57, v56;
	v4 =	vmul.f32 v61, v15  }
0x10b: {  	v57 =	vld.idx.msk [tilespmem:v1+s31+$0x640 ss:$0x1], $0xffff;
	v11 =	vadd.f32 v27, v0;
	v27 =	vmul.f32 v3, v24;
	v0 =	vmul.f32 v13, v25  }
0x10c: {  	v13 =	vadd.f32 v58, v54;
	v58 =	vld.idx.msk [tilespmem:v1+s31+$0x630 ss:$0x1], $0xffff;
	v54 =	vmul.f32 v26, v23;
	v3 =	vmul.f32 v62, v49  }
0x10d: {  	v56 =	vld.idx.msk [tilespmem:v1+s31+$0x650 ss:$0x1], $0xffff;
	v7 =	vadd.f32 v0, v27;
	v0 =	vmul.f32 v63, v21;
	v27 =	vmul.f32 v61, v34  }
0x10e: {  	v10 =	vadd.f32 v4, v10;
	v11 =	vadd.f32 v2, v11;
	v2 =	vmul.f32 v60, v53;
	v53 =	vld.idx.msk [tilespmem:v1+s31+$0x670 ss:$0x1], $0xffff  }
0x10f: {  	v5 =	vadd.f32 v3, v12;
	v6 =	vadd.f32 v0, v54;
	v54 =	vld.idx.msk [tilespmem:v1+s31+$0x660 ss:$0x1], $0xffff;
	v0 =	vmul.f32 v60, v18  }
0x110: {  	[tilespmem:$0x1F380] =	vst v47;
	v12 =	vadd.f32 v27, v8;
	v4 =	vadd.f32 v2, v13;
	v2 =	vmul.f32 v57, v41  }
0x111: {  	v3 =	vmul.f32 v58, v46;
	v27 =	vmovc v18;
	v18 =	vmul.f32 v58, v38;
	v7 =	vadd.f32 v0, v7  }
0x112: {  	v47 =	vmovc v17;
	v0 =	vmul.f32 v57, v17;
	v2 =	vadd.f32 v2, v5;
	v17 =	vmul.f32 v56, v39  }
0x113: {  	v3 =	vadd.f32 v3, v9;
	v6 =	vadd.f32 v18, v6;
	v18 =	vmul.f32 v56, v16  }
0x114: {  	v28 =	vmovc v16;
	v5 =	vadd.f32 v17, v10;
	v17 =	vmul.f32 v53, v36;
	v16 =	vmul.f32 v54, v37  }
0x115: {  	v9 =	vadd.f32 v0, v11  }
0x116: {  	v3 =	vadd.f32 v17, v3;
	v4 =	vadd.f32 v16, v4  }
0x117: {  	v48 =	vmovc v20;
	s11 =	spop (v2sf);
	v11 =	vadd.f32 v18, v12;
	v18 =	vmul.f32 v54, v20;
	v20 =	vmul.f32 v53, v19  }
0x118: {  	v51 =	vmov v19;
	v2 =	vadd.f32 v5, v2;
	v19 =	vld [tilespmem:$0x1F0E0];
	s12 =	spop (v2sf);
	v3 =	vadd.f32 v3, v4  }
0x119: {  	s3 =	sadd.f32 s3, s23;
	v6 =	vadd.f32 v20, v6;
	v20 =	vadd.f32 v11, v9;
	v9 =	vld [tilespmem:$0x1F110];
	s10 =	spop (v2sf)  }
0x11a: {  	s10 =	sadd.f32 s10, s24;
	v2 =	vadd.f32 v3, v2;
	_ =	sdelay $0x1  }
0x11b: {  	[tilespmem:$0x1F4F0] =	vst v26;
	v26 =	vmovc v15;
	v15 =	vld [tilespmem:$0x1F140];
	v0 =	vmul.f32 s3, v14;
	(xrf2) =	vadd.scan.msk.f32 $0xffff, v2;
	v2 =	vmov s10  }
0x11c: {  	s30 =	sshll.u32 s5, $0x8;
	s5 =	sshll.u32 s5, $0x7;
	v13 =	vld.idx.msk [tilespmem:v1+s31+$0x2B0 ss:$0x1], $0xffff;
	v2 =	vsub.f32 $0.0e+00, v2  }
0x11d: {  	s5 =	sand.u32 $0x380, s5;
	s3 =	sand.u32 $0xFFFFF800, s30;
	v10 =	vld.idx.msk [tilespmem:v55+s29+$0xA003 ss:$0x1], $0xffff;
	v4 =	vmul.f32 v0, v19;
	v19 =	vpop (erf);
	v5 =	vmul.f32 v0, v9  }
0x11e: {  	v14 =	vld [tilespmem:$0x1F130];
	s5 =	sor.u32 s5, s3;
	v11 =	vpop (erf);
	v2 =	vmul.f32 $1.442695020e+00, v2  }
0x11f: {  	[tilespmem:s5+$0xAD50] =	vst.add.f32.msk $0xffff, v5;
	v5 =	vadd.f32 $1.000000000e+00, v11  }
0x120: {  	[tilespmem:$0x1F940] =	vst v32;
	v17 =	vld [tilespmem:$0x1F0D0];
	v2 =	vbroadcast v2, $0x0  }
0x121: {  	[tilespmem:$0x1F580] =	vst v35;
	v12 =	vld.idx.msk [tilespmem:v1+s31+$0x280 ss:$0x1], $0xffff;
	(erf) = vrcp.f32 v5  }
0x122: {  	[tilespmem:$0x1F5A0] =	vst v22;
	v16 =	vmul.f32 v0, v59;
	v7 =	vadd.f32 v18, v7;
	(erf) = vpow2.f32 v2;
	v2 =	vld [tilespmem:$0x1F120]  }
0x123: {  	[tilespmem:$0x1F5B0] =	vst v21;
	v59 =	vld [tilespmem:$0x1F0F0]  }
0x124: {  	[tilespmem:s5+$0xAD00] =	vst.add.f32.msk $0xffff, v16;
	v6 =	vadd.f32 v6, v7  }
0x125: {  	[tilespmem:$0x1F590] =	vst v24;
	v3 =	vld [tilespmem:$0x1F100]  }
0x126: {  	[tilespmem:$0x1F5C0] =	vst v49;
	v18 =	vmul.f32 v0, v17;
	v8 =	vadd.f32 v6, v20;
	v20 =	vld.idx.msk [tilespmem:v1+s31+$0x2A0 ss:$0x1], $0xffff  }
0x127: {  	[tilespmem:$0x1F570] =	vst v29;
	v6 =	vmul.f32 v0, v15;
	v15 =	vld.idx.msk [tilespmem:v1+s31+$0x2F0 ss:$0x1], $0xffff;
	v2 =	vmul.f32 v0, v2  }
0x128: {  	[tilespmem:s5+$0xAD10] =	vst.add.f32.msk $0xffff, v18  }
0x129: {  	(xrf2) =	vadd.scan.msk.f32 $0xffff, v8;
	[tilespmem:s5+$0xAD60] =	vst.add.f32.msk $0xffff, v2  }
0x12a: {  	[tilespmem:$0x1F530] =	vst v31;
	v2 =	vld [tilespmem:$0x1F150]  }
0x12b: {  	[tilespmem:s5+$0xAD20] =	vst.add.f32.msk $0xffff, v4;
	v3 =	vmul.f32 v0, v3  }
0x12c: {  	[tilespmem:$0x1F550] =	vst v30;
	v18 =	vld.idx.msk [tilespmem:v1+s31+$0x290 ss:$0x1], $0xffff  }
0x12d: {  	[tilespmem:s5+$0xAD40] =	vst.add.f32.msk $0xffff, v3  }
0x12e: {  	[tilespmem:$0x1F540] =	vst v42;
	v3 =	vld.idx.msk [tilespmem:v1+s31+$0x2C0 ss:$0x1], $0xffff  }
0x12f: {  	[tilespmem:$0x1F560] =	vst v33;
	v7 =	vmul.f32 v0, v59;
	v59 =	vmul.f32 v0, v2;
	v2 =	vld [tilespmem:$0x1F160]  }
0x130: {  	[tilespmem:$0x1F610] =	vst v13;
	v9 =	vmul.f32 v12, v31;
	v5 =	vmul.f32 v0, v14;
	v14 =	vld.idx.msk [tilespmem:v1+s31+$0x2D0 ss:$0x1], $0xffff  }
0x131: {  	(v2sf) =	vpush v10, $0x0;
	[tilespmem:$0x1F5E0] =	vst v12;
	v8 =	vld.idx.msk [tilespmem:v1+s31+$0x2E0 ss:$0x1], $0xffff;
	v11 =	vmul.f32 v13, v22;
	v10 =	vmul.f32 v18, v29  }
0x132: {  	[tilespmem:s5+$0xAD30] =	vst.add.f32.msk $0xffff, v7;
	v29 =	vmul.f32 v12, v30;
	v22 =	vmul.f32 v18, v35;
	v16, _, _ =	vpop (xrf2)  }
0x133: {  	[tilespmem:s5+$0xAD70] =	vst.add.f32.msk $0xffff, v5;
	v42 =	vmul.f32 v3, v42;
	v30 =	vmul.f32 v3, v33;
	(v2sf) =	vpush v16, $0xF;
	v31, _, _ =	vpop (xrf2)  }
0x134: {  	[tilespmem:$0x1F600] =	vst v20;
	v5 =	vmul.f32 v20, v32;
	(v2sf) =	vpush v31, $0xF;
	v17 =	vmul.f32 v0, v2;
	v2 =	vld.idx.msk [tilespmem:v1+s31+$0x680 ss:$0x1], $0xffff  }
0x135: {  	[tilespmem:$0x1F5F0] =	vst v18;
	v31 =	vmul.f32 v14, v40;
	v7 =	vadd.f32 v30, v29;
	v29 =	vmul.f32 v14, v45  }
0x136: {  	[tilespmem:$0x1F620] =	vst v3;
	v33 =	vmov v40;
	v40 =	vmul.f32 v20, v24;
	v20 =	vmul.f32 v8, v44  }
0x137: {  	v16 =	vadd.f32 v42, v9;
	v30 =	vmul.f32 v15, v52;
	v42 =	vmovc v45;
	v18 =	vadd.f32 v31, v10  }
0x138: {  	v10 =	vadd.f32 v29, v22;
	v29 =	vmul.f32 v8, v25;
	v5 =	vadd.f32 v20, v5;
	[tilespmem:$0x1F630] =	vst v14  }
0x139: {  	v45 =	vmovc v25;
	v25 =	vmov v52;
	[tilespmem:$0x1F660] =	vst v2;
	v52 =	vmul.f32 v2, v49;
	v20 =	vmul.f32 v2, v43;
	v2 =	vld [tilespmem:$0x1F180];
	_ =	sdelay $0x1  }
0x13a: {  	[tilespmem:s5+$0xB100] =	vst.add.f32.msk $0xffff, v6  }
0x13b: {  	v3 =	vld.idx.msk [tilespmem:v1+s31+$0x690 ss:$0x1], $0xffff  }
0x13c: {  	v35 =	vld [tilespmem:$0x1F170]  }
0x13d: {  	v31 =	vmul.f32 v15, v21;
	v21 =	vmul.f32 v0, v2;
	v2 =	vld [tilespmem:$0x1F190]  }
0x13e: {  	v9 =	vmov v13;
	v4 =	vld.idx.msk [tilespmem:v1+s31+$0x6A0 ss:$0x1], $0xffff  }
0x13f: {  	v22 =	vmul.f32 v9, v23;
	[tilespmem:$0x1F650] =	vst v15;
	v9 =	vld.idx.msk [tilespmem:v1+s31+$0x6B0 ss:$0x1], $0xffff  }
0x140: {  	[tilespmem:s5+$0xB120] =	vst.add.f32.msk $0xffff, v17  }
0x141: {  	v17 =	vadd.f32 v29, v40;
	v40 =	vmul.f32 v0, v35;
	v15 =	vadd.f32 v20, v7;
	v7 =	vld.idx.msk [tilespmem:v1+s31+$0x6C0 ss:$0x1], $0xffff  }
0x142: {  	v24 =	vmovc v23;
	v6 =	vadd.f32 v31, v22;
	v23 =	vmul.f32 v3, v34;
	v31 =	vmul.f32 v0, v2;
	v2 =	vld [tilespmem:$0x1F1A0]  }
0x143: {  	v35 =	vmul.f32 v4, v50;
	[tilespmem:s5+$0xB130] =	vst.add.f32.msk $0xffff, v40  }
0x144: {  	s2 =	sadd.f32 s2, s23;
	[tilespmem:$0x1F640] =	vst v8;
	v49 =	vmul.f32 v4, v27;
	v8 =	vadd.f32 v23, v10;
	v10 =	vld.idx.msk [tilespmem:v1+s31+$0x6D0 ss:$0x1], $0xffff  }
0x145: {  	v20 =	vadd.f32 v35, v5;
	v5 =	vld.idx.msk [tilespmem:v1+s31+$0x6E0 ss:$0x1], $0xffff  }
0x146: {  	[tilespmem:$0x1F670] =	vst v3;
	v22 =	vmul.f32 v3, v26;
	v3 =	vmul.f32 s2, v19;
	v19 =	vadd.f32 v49, v17;
	v17 =	vld.idx.msk [tilespmem:v1+s31+$0x6F0 ss:$0x1], $0xffff  }
0x147: {  	v29 =	vmov v26;
	v26 =	vmul.f32 v0, v2;
	v2 =	vld [tilespmem:$0x1F1B0]  }
0x148: {  	v23 =	vmov v41;
	v40 =	vmul.f32 v7, v41;
	v41 =	vld [tilespmem:$0x1F1E0]  }
0x149: {  	[tilespmem:s5+$0xB150] =	vst.add.f32.msk $0xffff, v31  }
0x14a: {  	v32 =	vmov v44;
	v44 =	vmov v43;
	v16 =	vadd.f32 v52, v16;
	v31 =	vld [tilespmem:$0x1F1D0]  }
0x14b: {  	v11 =	vadd.f32 v30, v11;
	v43 =	vmovc v27;
	v27 =	vld [tilespmem:$0x1F1C0];
	v30 =	vmul.f32 v9, v38;
	v18 =	vadd.f32 v22, v18  }
0x14c: {  	[tilespmem:$0x1F690] =	vst v9;
	v52 =	vmul.f32 v0, v2;
	v2 =	vmul.f32 v9, v46;
	v9 =	vadd.f32 v40, v16;
	v16 =	vld [tilespmem:$0x1F200]  }
0x14d: {  	[tilespmem:$0x1F680] =	vst v4;
	v4 =	vadd.f32 v30, v6;
	v49 =	vld [tilespmem:$0x1F1F0];
	v22 =	vmul.f32 v10, v28;
	v6 =	vmul.f32 v3, v41  }
0x14e: {  	v41 =	vmov v28;
	v28 =	vmul.f32 v5, v37;
	[tilespmem:s5+$0xB170] =	vst.add.f32.msk $0xffff, v52;
	v52 =	vmul.f32 v10, v39  }
0x14f: {  	v35 =	vmovc v38;
	v38 =	vmul.f32 v3, v31;
	v31 =	vmul.f32 v17, v36;
	v2 =	vadd.f32 v2, v11  }
0x150: {  	s13 =	sshll.u32 s4, $0x8;
	s4 =	sshll.u32 s4, $0x7;
	[tilespmem:s5+$0xB110] =	vst.add.f32.msk $0xffff, v59;
	v59 =	vmul.f32 v3, v27;
	v27 =	vadd.f32 v52, v18  }
0x151: {  	s4 =	sand.u32 $0x380, s4;
	s2 =	sand.u32 $0xFFFFF800, s13;
	[tilespmem:s5+$0xB140] =	vst.add.f32.msk $0xffff, v21;
	v2 =	vadd.f32 v31, v2;
	v21 =	vmul.f32 v3, v16;
	v16 =	vadd.f32 v28, v20  }
0x152: {  	s2 =	sor.u32 s4, s2;
	v13 =	vmul.f32 v3, v49  }
0x153: {  	[tilespmem:s2+$0xAD00] =	vst.add.f32.msk $0xffff, v59;
	v9 =	vadd.f32 v27, v9;
	v2 =	vadd.f32 v2, v16  }
0x154: {  	[tilespmem:s2+$0xAD30] =	vst.add.f32.msk $0xffff, v13  }
0x155: {  	[tilespmem:s2+$0xAD20] =	vst.add.f32.msk $0xffff, v6;
	v2 =	vadd.f32 v2, v9  }
0x156: {  	[tilespmem:s5+$0xB160] =	vst.add.f32.msk $0xffff, v26  }
0x157: {  	(xrf2) =	vadd.scan.msk.f32 $0xffff, v2;
	v2 =	vld [tilespmem:$0x1F280]  }
0x158: {  	v26 =	vmov v47;
	v47 =	vmul.f32 v7, v47;
	[tilespmem:s2+$0xAD10] =	vst.add.f32.msk $0xffff, v38  }
0x159: {  	v49 =	vmul.f32 v5, v48;
	v40 =	vmov v37;
	v37 =	vmov v48;
	v48 =	vld [tilespmem:$0x1F270]  }
0x15a: {  	v12 =	vadd.f32 v47, v15;
	v47 =	vadd.f32 v22, v8;
	v22 =	vld [tilespmem:$0x1F240]  }
0x15b: {  	v30 =	vmov v39;
	v39 =	vld [tilespmem:$0x1F260]  }
0x15c: {  	[tilespmem:$0x1F6D0] =	vst v17;
	v52 =	vmul.f32 v17, v51;
	v17 =	vld [tilespmem:$0x1F210];
	v2 =	vmul.f32 v3, v2  }
0x15d: {  	v20 =	vld [tilespmem:$0x1F220]  }
0x15e: {  	[tilespmem:s2+$0xB140] =	vst.add.f32.msk $0xffff, v2  }
0x15f: {  	v2 =	vld [tilespmem:$0x1F2A0]  }
0x160: {  	v27 =	vld [tilespmem:$0x1F250]  }
0x161: {  	[tilespmem:$0x1F6A0] =	vst v7;
	v4 =	vadd.f32 v52, v4;
	v7 =	vmul.f32 v3, v22;
	v52 =	vld [tilespmem:$0x1F290]  }
0x162: {  	[tilespmem:s2+$0xAD40] =	vst.add.f32.msk $0xffff, v21  }
0x163: {  	[tilespmem:s2+$0xB100] =	vst.add.f32.msk $0xffff, v7;
	v7 =	vmul.f32 v3, v39  }
0x164: {  	v19 =	vadd.f32 v49, v19;
	v21 =	vld [tilespmem:$0x1F230];
	v2 =	vmul.f32 v3, v2  }
0x165: {  	s30 =	sadd.s32 s26, s29;
	[tilespmem:s2+$0xB120] =	vst.add.f32.msk $0xffff, v7  }
0x166: {  	s14 =	sadd.s32 $0x1, s30;
	v6 =	vadd.f32 v47, v12;
	v4 =	vadd.f32 v4, v19;
	v18 =	vmul.f32 v3, v17;
	[tilespmem:s2+$0xB160] =	vst.add.f32.msk $0xffff, v2  }
0x167: {  	[tilespmem:$0x1F6C0] =	vst v5;
	v49 =	vmov s14;
	v38 =	vmov v36;
	v8 =	vmul.f32 v3, v20;
	v2 =	vld [tilespmem:$0x1F2B0]  }
0x168: {  	v36 =	vmovc v51;
	v51 =	vand.u32 $0xFFFFFFF1, v49;
	v4 =	vadd.f32 v4, v6;
	v6 =	vmul.f32 v3, v48;
	[tilespmem:s2+$0xAD50] =	vst.add.f32.msk $0xffff, v18  }
0x169: {  	v59 =	vbroadcast v51, $0x0;
	v5 =	vmul.f32 v3, v21;
	[tilespmem:s2+$0xAD60] =	vst.add.f32.msk $0xffff, v8  }
0x16a: {  	[tilespmem:s2+$0xB130] =	vst.add.f32.msk $0xffff, v6;
	(xrf2) =	vadd.scan.msk.f32 $0xffff, v4;
	v4 =	vmul.f32 v3, v52  }
0x16b: {  	[tilespmem:s2+$0xAD70] =	vst.add.f32.msk $0xffff, v5;
	v5 =	vmul.f32 v3, v27  }
0x16c: {  	[tilespmem:s2+$0xB150] =	vst.add.f32.msk $0xffff, v4;
	v2 =	vmul.f32 v3, v2  }
0x16d: {  	[tilespmem:s2+$0xB110] =	vst.add.f32.msk $0xffff, v5  }
0x16e: {  	[tilespmem:s2+$0xB170] =	vst.add.f32.msk $0xffff, v2  }
0x16f: {  	[tilespmem:v59+s20+$0x0] =	vst.idx.msk $0x1, v3;
	v3 =	vld [tilespmem:$0x1F2D0]  }
0x170: {  	s0 =	sadd.f32 s21, s23;
	v28 =	vmov s30  }
0x171: {  	v31 =	vand.u32 $0xFFFFFFF0, v28;
	v9 =	vpop (erf)  }
0x172: {  	v47 =	vbroadcast v31, $0x0;
	v4 =	vmul.f32 s0, v9  }
0x173: {  	s17 =	sshll.u32 s11, $0x8;
	s5 =	sshll.u32 s11, $0x7  }
0x174: {  	s18 =	sand.u32 $0xFFFFF800, s17;
	s5 =	sand.u32 $0x380, s5;
	v3 =	vmul.f32 v4, v3  }
0x175: {  	s2 =	sor.u32 s5, s18  }
0x176: {  	[tilespmem:s2+$0xAD10] =	vst.add.f32.msk $0xffff, v3  }
0x177: {  	v3 =	vld [tilespmem:$0x1F2F0]  }
0x178: {  	[tilespmem:v47+s20+$0x0] =	vst.idx.msk $0x1, v0;
	v0 =	vld.idx.msk [tilespmem:v55+s29+$0xA004 ss:$0x1], $0xffff;
	_ =	sdelay $0x3  }
0x179: {  	v3 =	vmul.f32 v4, v3  }
0x17a: {  	s16 =	spop (v2sf);
	(v2sf) =	vpush v0, $0x0;
	v0 =	vld [tilespmem:$0x1F300]  }
0x17b: {  	[tilespmem:s2+$0xAD30] =	vst.add.f32.msk $0xffff, v3  }
0x17c: {  	v3 =	vld [tilespmem:$0x1F310];
	_ =	sdelay $0x2  }
0x17d: {  	v0 =	vmul.f32 v4, v0;
	_ =	sdelay $0x1  }
0x17e: {  	[tilespmem:s2+$0xAD40] =	vst.add.f32.msk $0xffff, v0;
	v3 =	vmul.f32 v4, v3  }
0x17f: {  	v0 =	vld [tilespmem:$0x1F320]  }
0x180: {  	[tilespmem:s2+$0xAD50] =	vst.add.f32.msk $0xffff, v3  }
0x181: {  	v3 =	vld [tilespmem:$0x1F330];
	_ =	sdelay $0x2  }
0x182: {  	v0 =	vmul.f32 v4, v0;
	_ =	sdelay $0x1  }
0x183: {  	[tilespmem:s2+$0xAD60] =	vst.add.f32.msk $0xffff, v0;
	v3 =	vmul.f32 v4, v3  }
0x184: {  	v0 =	vld [tilespmem:$0x1F340]  }
0x185: {  	[tilespmem:s2+$0xAD70] =	vst.add.f32.msk $0xffff, v3  }
0x186: {  	v3 =	vld [tilespmem:$0x1F350];
	_ =	sdelay $0x2  }
0x187: {  	v2 =	vld [tilespmem:$0x1F2C0];
	v0 =	vmul.f32 v4, v0;
	_ =	sdelay $0x1  }
0x188: {  	[tilespmem:s2+$0xB100] =	vst.add.f32.msk $0xffff, v0;
	v3 =	vmul.f32 v4, v3  }
0x189: {  	v0 =	vld [tilespmem:$0x1F360]  }
0x18a: {  	[tilespmem:s2+$0xB110] =	vst.add.f32.msk $0xffff, v3  }
0x18b: {  	v2 =	vmul.f32 v4, v2;
	v3 =	vld [tilespmem:$0x1F370];
	_ =	sdelay $0x1  }
0x18c: {  	[tilespmem:s2+$0xAD00] =	vst.add.f32.msk $0xffff, v2  }
0x18d: {  	v2 =	vld [tilespmem:$0x1F2E0];
	v0 =	vmul.f32 v4, v0;
	_ =	sdelay $0x1  }
0x18e: {  	s0 =	spop (v2sf);
	[tilespmem:s2+$0xB120] =	vst.add.f32.msk $0xffff, v0;
	v3 =	vmul.f32 v4, v3  }
0x18f: {  	s21 =	spop (v2sf);
	v0 =	vld [tilespmem:$0x1F380]  }
0x190: {  	s10 =	sadd.f32 s21, s24;
	[tilespmem:s2+$0xB130] =	vst.add.f32.msk $0xffff, v3  }
0x191: {  	v2 =	vmul.f32 v4, v2;
	v3 =	vld [tilespmem:$0x1F390]  }
0x192: {  	v11 =	vmov s10  }
0x193: {  	[tilespmem:s2+$0xAD20] =	vst.add.f32.msk $0xffff, v2;
	v2 =	vsub.f32 $0.0e+00, v11  }
0x194: {  	v0 =	vmul.f32 v4, v0  }
0x195: {  	[tilespmem:$0x1F6B0] =	vst v10;
	v10 =	vpop (erf);
	v2 =	vmul.f32 $1.442695020e+00, v2  }
0x196: {  	v5 =	vadd.f32 $1.000000000e+00, v10;
	[tilespmem:s2+$0xB140] =	vst.add.f32.msk $0xffff, v0;
	v3 =	vmul.f32 v4, v3  }
0x197: {  	v2 =	vbroadcast v2, $0x0;
	v0 =	vld [tilespmem:$0x1F3A0]  }
0x198: {  	s11 =	sadd.s32 $0x2, s30;
	(erf) = vrcp.f32 v5;
	[tilespmem:s2+$0xB150] =	vst.add.f32.msk $0xffff, v3  }
0x199: {  	(erf) = vpow2.f32 v2;
	v2 =	vmov s11;
	v3 =	vld [tilespmem:$0x1F3B0]  }
0x19a: {  	v2 =	vand.u32 $0xFFFFFFF2, v2  }
0x19b: {  	v2 =	vbroadcast v2, $0x0;
	_ =	sdelay $0x1  }
0x19c: {  	v0 =	vmul.f32 v4, v0  }
0x19d: {  	v3 =	vmul.f32 v4, v3  }
0x19e: {  	[tilespmem:s2+$0xB160] =	vst.add.f32.msk $0xffff, v0  }
0x19f: {  	[tilespmem:s2+$0xB170] =	vst.add.f32.msk $0xffff, v3  }
0x1a0: {  	[tilespmem:v2+s20+$0x0] =	vst.idx.msk $0x1, v4;
	v2 =	vld [tilespmem:$0x1F3D0]  }
0x1a1: {  	s3 =	sadd.f32 s12, s23  }
0x1a2: {  	v14 =	vpop (erf)  }
0x1a3: {  	v5 =	vmul.f32 s3, v14  }
0x1a4: {  	s12 =	sshll.u32 s16, $0x8;
	s4 =	sshll.u32 s16, $0x7  }
0x1a5: {  	s13 =	sand.u32 $0xFFFFF800, s12;
	s14 =	sand.u32 $0x380, s4;
	v2 =	vmul.f32 v5, v2  }
0x1a6: {  	s2 =	sor.u32 s14, s13  }
0x1a7: {  	[tilespmem:s2+$0xAD10] =	vst.add.f32.msk $0xffff, v2  }
0x1a8: {  	v2 =	vld [tilespmem:$0x1F3F0];
	_ =	sdelay $0x4  }
0x1a9: {  	v0 =	vld [tilespmem:$0x1F3C0];
	v2 =	vmul.f32 v5, v2;
	_ =	sdelay $0x1  }
0x1aa: {  	[tilespmem:s2+$0xAD30] =	vst.add.f32.msk $0xffff, v2  }
0x1ab: {  	v2 =	vld [tilespmem:$0x1F410];
	_ =	sdelay $0x1  }
0x1ac: {  	v0 =	vmul.f32 v5, v0;
	_ =	sdelay $0x1  }
0x1ad: {  	[tilespmem:s2+$0xAD00] =	vst.add.f32.msk $0xffff, v0  }
0x1ae: {  	v0 =	vld [tilespmem:$0x1F3E0];
	v2 =	vmul.f32 v5, v2;
	_ =	sdelay $0x1  }
0x1af: {  	[tilespmem:s2+$0xAD50] =	vst.add.f32.msk $0xffff, v2  }
0x1b0: {  	v2 =	vld [tilespmem:$0x1F430];
	_ =	sdelay $0x1  }
0x1b1: {  	v0 =	vmul.f32 v5, v0;
	_ =	sdelay $0x1  }
0x1b2: {  	[tilespmem:s2+$0xAD20] =	vst.add.f32.msk $0xffff, v0  }
0x1b3: {  	v0 =	vld [tilespmem:$0x1F400];
	v2 =	vmul.f32 v5, v2;
	_ =	sdelay $0x1  }
0x1b4: {  	v12, _, _ =	vpop (xrf2);
	[tilespmem:s2+$0xAD70] =	vst.add.f32.msk $0xffff, v2  }
0x1b5: {  	(v2sf) =	vpush v12, $0xF;
	v13, _, _ =	vpop (xrf2);
	v2 =	vld [tilespmem:$0x1F450]  }
0x1b6: {  	(v2sf) =	vpush v13, $0xF  }
0x1b7: {  	v0 =	vmul.f32 v5, v0;
	_ =	sdelay $0x1  }
0x1b8: {  	[tilespmem:s2+$0xAD40] =	vst.add.f32.msk $0xffff, v0  }
0x1b9: {  	v0 =	vld [tilespmem:$0x1F420];
	v2 =	vmul.f32 v5, v2;
	_ =	sdelay $0x1  }
0x1ba: {  	[tilespmem:s2+$0xB110] =	vst.add.f32.msk $0xffff, v2  }
0x1bb: {  	v2 =	vld [tilespmem:$0x1F470];
	_ =	sdelay $0x1  }
0x1bc: {  	v0 =	vmul.f32 v5, v0;
	_ =	sdelay $0x1  }
0x1bd: {  	[tilespmem:s2+$0xAD60] =	vst.add.f32.msk $0xffff, v0  }
0x1be: {  	v0 =	vld [tilespmem:$0x1F440];
	v2 =	vmul.f32 v5, v2  }
0x1bf: {  	s16 =	spop (v2sf)  }
0x1c0: {  	s3 =	spop (v2sf);
	[tilespmem:s2+$0xB130] =	vst.add.f32.msk $0xffff, v2  }
0x1c1: {  	s17 =	spop (v2sf);
	v3 =	vpop (erf);
	v2 =	vld [tilespmem:$0x1F490]  }
0x1c2: {  	s5 =	sadd.f32 s17, s24;
	v3 =	vadd.f32 $1.000000000e+00, v3  }
0x1c3: {  	v0 =	vmul.f32 v5, v0  }
0x1c4: {  	(erf) = vrcp.f32 v3;
	v3 =	vmov s5  }
0x1c5: {  	v3 =	vsub.f32 $0.0e+00, v3;
	[tilespmem:s2+$0xB100] =	vst.add.f32.msk $0xffff, v0  }
0x1c6: {  	v0 =	vld [tilespmem:$0x1F460];
	v2 =	vmul.f32 v5, v2  }
0x1c7: {  	v16 =	vld [tilespmem:$0x1F480];
	v3 =	vmul.f32 $1.442695020e+00, v3  }
0x1c8: {  	[tilespmem:s2+$0xB150] =	vst.add.f32.msk $0xffff, v2  }
0x1c9: {  	v3 =	vbroadcast v3, $0x0;
	v2 =	vld [tilespmem:$0x1F4B0]  }
0x1ca: {  	s18 =	sadd.s32 $0x3, s30  }
0x1cb: {  	v15 =	vmov s18;
	(erf) = vpow2.f32 v3;
	v3 =	vld [tilespmem:$0x1F4A0];
	v0 =	vmul.f32 v5, v0  }
0x1cc: {  	v4 =	vand.u32 $0xFFFFFFF3, v15  }
0x1cd: {  	v6 =	vmul.f32 v5, v16;
	[tilespmem:s2+$0xB120] =	vst.add.f32.msk $0xffff, v0;
	v0 =	vbroadcast v4, $0x0  }
0x1ce: {  	v2 =	vmul.f32 v5, v2  }
0x1cf: {  	[tilespmem:s2+$0xB140] =	vst.add.f32.msk $0xffff, v6  }
0x1d0: {  	v3 =	vmul.f32 v5, v3;
	[tilespmem:s2+$0xB170] =	vst.add.f32.msk $0xffff, v2  }
0x1d1: {  	v2 =	vld [tilespmem:$0x1F4C0]  }
0x1d2: {  	s0 =	sadd.f32 s0, s23;
	[tilespmem:s2+$0xB160] =	vst.add.f32.msk $0xffff, v3  }
0x1d3: {  	v17 =	vpop (erf);
	[tilespmem:v0+s20+$0x0] =	vst.idx.msk $0x1, v5;
	v0 =	vld [tilespmem:$0x1F4D0]  }
0x1d4: {  	v4 =	vmul.f32 s0, v17  }
0x1d5: {  	s21 =	sshll.u32 s16, $0x8;
	s4 =	sshll.u32 s16, $0x7  }
0x1d6: {  	v49 =	vld [tilespmem:$0x1F570];
	s5 =	sand.u32 $0x380, s4;
	s0 =	sand.u32 $0xFFFFF800, s21;
	v2 =	vmul.f32 v4, v2  }
0x1d7: {  	v19 =	vld.idx.msk [tilespmem:v1+s31+$0x310 ss:$0x1], $0xffff;
	s0 =	sor.u32 s5, s0  }
0x1d8: {  	v0 =	vmul.f32 v4, v0;
	[tilespmem:s0+$0xAD00] =	vst.add.f32.msk $0xffff, v2  }
0x1d9: {  	v2 =	vld [tilespmem:$0x1F4E0]  }
0x1da: {  	[tilespmem:s0+$0xAD10] =	vst.add.f32.msk $0xffff, v0  }
0x1db: {  	v0 =	vld [tilespmem:$0x1F4F0]  }
0x1dc: {  	v20 =	vld.idx.msk [tilespmem:v1+s31+$0x350 ss:$0x1], $0xffff  }
0x1dd: {  	v48 =	vld [tilespmem:$0x1F580]  }
0x1de: {  	v18 =	vld.idx.msk [tilespmem:v1+s31+$0x300 ss:$0x1], $0xffff;
	v2 =	vmul.f32 v4, v2  }
0x1df: {  	v21 =	vld.idx.msk [tilespmem:v1+s31+$0x320 ss:$0x1], $0xffff  }
0x1e0: {  	v0 =	vmul.f32 v4, v0;
	[tilespmem:s0+$0xAD20] =	vst.add.f32.msk $0xffff, v2  }
0x1e1: {  	v2 =	vld [tilespmem:$0x1F500]  }
0x1e2: {  	[tilespmem:s0+$0xAD30] =	vst.add.f32.msk $0xffff, v0  }
0x1e3: {  	v0 =	vld [tilespmem:$0x1F510]  }
0x1e4: {  	v8 =	vld.idx.msk [tilespmem:v1+s31+$0x370 ss:$0x1], $0xffff  }
0x1e5: {  	v52 =	vld [tilespmem:$0x1F940]  }
0x1e6: {  	v14 =	vld.idx.msk [tilespmem:v1+s31+$0x330 ss:$0x1], $0xffff;
	v2 =	vmul.f32 v4, v2  }
0x1e7: {  	v16 =	vld.idx.msk [tilespmem:v1+s31+$0x770 ss:$0x1], $0xffff  }
0x1e8: {  	v0 =	vmul.f32 v4, v0;
	[tilespmem:s0+$0xAD40] =	vst.add.f32.msk $0xffff, v2  }
0x1e9: {  	v2 =	vld [tilespmem:$0x1F520]  }
0x1ea: {  	[tilespmem:s0+$0xAD50] =	vst.add.f32.msk $0xffff, v0;
	v0 =	vmul.f32 v4, v63  }
0x1eb: {  	v17 =	vld.idx.msk [tilespmem:v1+s31+$0x700 ss:$0x1], $0xffff  }
0x1ec: {  	[tilespmem:s0+$0xAD70] =	vst.add.f32.msk $0xffff, v0;
	v0 =	vmul.f32 v4, v61  }
0x1ed: {  	v3 =	vpop (erf);
	v63 =	vld [tilespmem:$0x1F5A0]  }
0x1ee: {  	v3 =	vadd.f32 $1.000000000e+00, v3;
	v2 =	vmul.f32 v4, v2;
	[tilespmem:s0+$0xB110] =	vst.add.f32.msk $0xffff, v0  }
0x1ef: {  	v0 =	vmul.f32 v4, v58;
	v58 =	vld [tilespmem:$0x1F560]  }
0x1f0: {  	(erf) = vrcp.f32 v3;
	[tilespmem:s0+$0xAD60] =	vst.add.f32.msk $0xffff, v2  }
0x1f1: {  	v2 =	vmul.f32 v4, v62;
	[tilespmem:s0+$0xB130] =	vst.add.f32.msk $0xffff, v0  }
0x1f2: {  	v0 =	vmul.f32 v4, v56;
	v56 =	vld [tilespmem:$0x1F530]  }
0x1f3: {  	[tilespmem:s0+$0xB100] =	vst.add.f32.msk $0xffff, v2  }
0x1f4: {  	s9 =	sadd.s32 $0x4, s30;
	v2 =	vmul.f32 v4, v60;
	[tilespmem:s0+$0xB150] =	vst.add.f32.msk $0xffff, v0  }
0x1f5: {  	v3 =	vmov s9;
	v0 =	vmul.f32 v4, v53;
	v53 =	vld [tilespmem:$0x1F540]  }
0x1f6: {  	v3 =	vand.u32 $0xFFFFFFF4, v3;
	[tilespmem:s0+$0xB120] =	vst.add.f32.msk $0xffff, v2;
	v2 =	vmul.f32 v4, v57  }
0x1f7: {  	v3 =	vbroadcast v3, $0x0;
	[tilespmem:s0+$0xB170] =	vst.add.f32.msk $0xffff, v0  }
0x1f8: {  	[tilespmem:s0+$0xB140] =	vst.add.f32.msk $0xffff, v2  }
0x1f9: {  	[tilespmem:$0x1F730] =	vst v20;
	v2 =	vmul.f32 v4, v54;
	v0 =	vpop (erf);
	v54 =	vld [tilespmem:$0x1F550]  }
0x1fa: {  	[tilespmem:$0x1F5D0] =	vst v0;
	v0 =	vld.idx.msk [tilespmem:v1+s31+$0x340 ss:$0x1], $0xffff  }
0x1fb: {  	[tilespmem:s0+$0xB160] =	vst.add.f32.msk $0xffff, v2  }
0x1fc: {  	v47 =	vmul.f32 v20, v42;
	[tilespmem:$0x1F6E0] =	vst v18;
	v10 =	vmul.f32 v19, v49;
	v2 =	vld.idx.msk [tilespmem:v55+s29+$0xA005 ss:$0x1], $0xffff  }
0x1fd: {  	v57 =	vmov v33;
	v33 =	vmul.f32 v20, v33;
	[tilespmem:v3+s20+$0x0] =	vst.idx.msk $0x1, v4;
	v3 =	vld.idx.msk [tilespmem:v1+s31+$0x360 ss:$0x1], $0xffff  }
0x1fe: {  	[tilespmem:$0x1F700] =	vst v21;
	v27 =	vmul.f32 v18, v56;
	v4 =	vld.idx.msk [tilespmem:v1+s31+$0x710 ss:$0x1], $0xffff;
	v7 =	vmul.f32 v18, v54  }
0x1ff: {  	v18 =	vld.idx.msk [tilespmem:v1+s31+$0x390 ss:$0x1], $0xffff;
	[tilespmem:$0x1F720] =	vst v0;
	v28 =	vmul.f32 v0, v53;
	v31 =	vmul.f32 v0, v58;
	v0 =	vmov v19  }
0x200: {  	v22 =	vmov v55;
	v51 =	vmul.f32 v21, v52;
	[tilespmem:$0x1F750] =	vst v8;
	v39 =	vmul.f32 v0, v48;
	v0 =	vld.idx.msk [tilespmem:v1+s31+$0x720 ss:$0x1], $0xffff  }
0x201: {  	v6 =	vadd.f32 v33, v10;
	v33 =	vmovc v25;
	v25 =	vmul.f32 v8, v25;
	v5 =	vadd.f32 v28, v27;
	v27 =	vld [tilespmem:$0x1F590]  }
0x202: {  	[tilespmem:$0x1F740] =	vst v3;
	v55 =	vmul.f32 v3, v32;
	v20 =	vmul.f32 v3, v45;
	v3 =	vmov v8;
	v8 =	vld.idx.msk [tilespmem:v1+s31+$0x730 ss:$0x1], $0xffff  }
0x203: {  	[tilespmem:$0x1F710] =	vst v14;
	v7 =	vadd.f32 v31, v7;
	v9 =	vadd.f32 v47, v39;
	v39 =	vld [tilespmem:$0x1F5C0]  }
0x204: {  	[tilespmem:$0x1F7E0] =	vst v16;
	v47 =	vmul.f32 v17, v44;
	v10 =	vadd.f32 v55, v51;
	v51 =	vmul.f32 v4, v29  }
0x205: {  	v15 =	vmovc v24;
	[tilespmem:$0x1F760] =	vst v17;
	v62 =	vmov v42;
	v28 =	vmul.f32 v14, v24;
	v55 =	vmul.f32 v4, v34  }
0x206: {  	[tilespmem:$0x1F770] =	vst v4;
	v7 =	vadd.f32 v47, v7;
	v6 =	vadd.f32 v51, v6;
	v60 =	vmul.f32 v0, v43  }
0x207: {  	[tilespmem:$0x1F800] =	vst v18;
	v9 =	vadd.f32 v55, v9;
	v59 =	vmul.f32 v21, v27;
	v21 =	vmul.f32 v14, v63;
	v14 =	vld [tilespmem:$0x1F5B0]  }
0x208: {  	[tilespmem:$0x1F780] =	vst v0;
	v47 =	vmov v50;
	v61 =	vmul.f32 v8, v46;
	v42 =	vmul.f32 v17, v39;
	v17 =	vld.idx.msk [tilespmem:v1+s31+$0x760 ss:$0x1], $0xffff  }
0x209: {  	[tilespmem:$0x1F790] =	vst v8;
	v4 =	vmul.f32 v8, v35;
	v51 =	vmov v46;
	v12 =	vadd.f32 v25, v21;
	v25 =	vld.idx.msk [tilespmem:v1+s31+$0x750 ss:$0x1], $0xffff  }
0x20a: {  	v46 =	vmul.f32 v16, v38;
	v11 =	vadd.f32 v20, v59;
	v59 =	vmul.f32 v0, v50;
	v50 =	vld.idx.msk [tilespmem:v1+s31+$0x380 ss:$0x1], $0xffff  }
0x20b: {  	v8 =	vmovc v23;
	v0 =	vmov v40;
	v5 =	vadd.f32 v42, v5;
	v12 =	vadd.f32 v61, v12;
	v61 =	vld.idx.msk [tilespmem:v1+s31+$0x3C0 ss:$0x1], $0xffff  }
0x20c: {  	v11 =	vadd.f32 v60, v11;
	v60 =	vmul.f32 v16, v36;
	v16 =	vld.idx.msk [tilespmem:v1+s31+$0x3D0 ss:$0x1], $0xffff;
	v31 =	vmul.f32 v3, v14  }
0x20d: {  	v10 =	vadd.f32 v59, v10;
	v3 =	vld.idx.msk [tilespmem:v1+s31+$0x740 ss:$0x1], $0xffff;
	v42 =	vmovc v35;
	v35 =	vmov v26;
	v59 =	vmul.f32 v17, v37  }
0x20e: {  	[tilespmem:$0x1F7C0] =	vst v17;
	v12 =	vadd.f32 v46, v12;
	v13 =	vadd.f32 v31, v28;
	v31 =	vmul.f32 v25, v41  }
0x20f: {  	v28 =	vmovc v43;
	[tilespmem:$0x1F7B0] =	vst v25;
	v43 =	vmov v41;
	v41 =	vmul.f32 v17, v40;
	v11 =	vadd.f32 v59, v11  }
0x210: {  	v20 =	vadd.f32 v4, v13;
	v4 =	vmovc v30;
	v30 =	vmul.f32 v25, v30;
	v9 =	vadd.f32 v31, v9  }
0x211: {  	v17 =	vld.idx.msk [tilespmem:v1+s31+$0x3F0 ss:$0x1], $0xffff;
	v10 =	vadd.f32 v41, v10;
	v40 =	vmul.f32 v61, v53;
	v41 =	vmul.f32 v50, v54  }
0x212: {  	[tilespmem:$0x1F830] =	vst v61;
	v25 =	vld.idx.msk [tilespmem:v1+s31+$0x3A0 ss:$0x1], $0xffff;
	v46 =	vmul.f32 v61, v58;
	v61 =	vmov v16;
	v13 =	vmul.f32 v16, v57  }
0x213: {  	[tilespmem:$0x1F840] =	vst v16;
	v24 =	vmul.f32 v3, v23;
	v26 =	vmul.f32 v3, v26;
	v6 =	vadd.f32 v30, v6  }
0x214: {  	v16 =	vld.idx.msk [tilespmem:v1+s31+$0x780 ss:$0x1], $0xffff;
	v20 =	vadd.f32 v60, v20;
	v23 =	vadd.f32 v12, v10;
	v60 =	vmul.f32 v18, v49  }
0x215: {  	[tilespmem:$0x1F7A0] =	vst v3;
	v3 =	vmov v38;
	v38 =	vld.idx.msk [tilespmem:v1+s31+$0x3B0 ss:$0x1], $0xffff;
	v5 =	vadd.f32 v24, v5;
	v7 =	vadd.f32 v26, v7  }
0x216: {  	v31 =	vmul.f32 v50, v56;
	v12 =	vld.idx.msk [tilespmem:v1+s31+$0x3E0 ss:$0x1], $0xffff;
	v30 =	vadd.f32 v20, v11;
	v10 =	vadd.f32 v13, v60  }
0x217: {  	v55 =	vmovc v37;
	v37 =	vmov v56;
	v13 =	vld.idx.msk [tilespmem:v1+s31+$0x790 ss:$0x1], $0xffff;
	v5 =	vadd.f32 v6, v5;
	v7 =	vadd.f32 v9, v7  }
0x218: {  	v56 =	vmov v49;
	[tilespmem:$0x1F860] =	vst v17;
	v11 =	vld.idx.msk [tilespmem:v1+s31+$0x7C0 ss:$0x1], $0xffff;
	v6 =	vadd.f32 v40, v31;
	v9 =	vadd.f32 v46, v41  }
0x219: {  	v26 =	vmovc v36;
	v31 =	vmul.f32 v61, v62;
	v41 =	vmov v25;
	[tilespmem:$0x1F810] =	vst v25;
	v46 =	vmul.f32 v25, v52  }
0x21a: {  	v40 =	vmovc v48;
	v36 =	vmov v32;
	[tilespmem:$0x1F870] =	vst v16;
	v60 =	vmul.f32 v41, v27;
	v25 =	vmul.f32 v38, v63  }
0x21b: {  	[tilespmem:$0x1F820] =	vst v38;
	v5 =	vadd.f32 v23, v5;
	v7 =	vadd.f32 v30, v7;
	v30 =	vmul.f32 v18, v48  }
0x21c: {  	v48 =	vmovc v62;
	v49 =	vmov v12;
	[tilespmem:$0x1F850] =	vst v12;
	v59 =	vmul.f32 v12, v32;
	v18 =	vmul.f32 v16, v39  }
0x21d: {  	v12 =	vld.idx.msk [tilespmem:v1+s31+$0x7A0 ss:$0x1], $0xffff;
	v62 =	vmovc v38;
	v38 =	vmov v33;
	v23 =	vmul.f32 v16, v44;
	v61 =	vmul.f32 v49, v45  }
0x21e: {  	v41 =	vmovc v17;
	v30 =	vadd.f32 v31, v30;
	v31 =	vadd.f32 v59, v46;
	v46 =	vmul.f32 v17, v33  }
0x21f: {  	v17 =	vld.idx.msk [tilespmem:v1+s31+$0x7B0 ss:$0x1], $0xffff;
	v59 =	vmul.f32 v62, v15;
	v6 =	vadd.f32 v18, v6;
	v9 =	vadd.f32 v23, v9  }
0x220: {  	[tilespmem:$0x1F880] =	vst v13;
	v18 =	vld.idx.msk [tilespmem:v1+s31+$0x7F0 ss:$0x1], $0xffff;
	v23 =	vmul.f32 v11, v8;
	v62 =	vmov v15;
	v15 =	vmul.f32 v41, v14  }
0x221: {  	v33 =	vadd.f32 v61, v60;
	v49 =	vmovc v14;
	v32 =	vadd.f32 v46, v25;
	v25 =	vmul.f32 v13, v29  }
0x222: {  	v14 =	vld.idx.msk [tilespmem:v1+s31+$0x7D0 ss:$0x1], $0xffff;
	v13 =	vmul.f32 v13, v34;
	v41 =	vadd.f32 v15, v59;
	v15 =	vmul.f32 v12, v47  }
0x223: {  	v20 =	vmovc v28;
	v16 =	vld.idx.msk [tilespmem:v1+s31+$0x7E0 ss:$0x1], $0xffff;
	(xrf2) =	vadd.scan.msk.f32 $0xffff, v5;
	v6 =	vadd.f32 v23, v6;
	v10 =	vadd.f32 v25, v10  }
0x224: {  	(xrf2) =	vadd.scan.msk.f32 $0xffff, v7;
	v30 =	vadd.f32 v13, v30;
	v25 =	vmul.f32 v12, v28;
	v28 =	vmul.f32 v17, v51  }
0x225: {  	[tilespmem:$0x1F890] =	vst v12;
	v31 =	vadd.f32 v15, v31;
	v21 =	vmul.f32 v17, v42;
	v60 =	vmul.f32 v18, v3  }
0x226: {  	v33 =	vadd.f32 v25, v33;
	v25 =	vmul.f32 v11, v35;
	v15 =	vmovc v8;
	v32 =	vadd.f32 v28, v32  }
0x227: {  	v8 =	vmovc v35;
	v41 =	vadd.f32 v21, v41;
	v28 =	vmul.f32 v14, v4;
	v35 =	vmul.f32 v14, v43  }
0x228: {  	v12 =	vmovc v43;
	v43 =	vmul.f32 v16, v0;
	v9 =	vadd.f32 v25, v9;
	v25 =	vmul.f32 v16, v55  }
0x229: {  	[tilespmem:$0x1F8A0] =	vst v17;
	v10 =	vadd.f32 v28, v10;
	v17 =	vadd.f32 v35, v30;
	v35 =	vmul.f32 v18, v26  }
0x22a: {  	v43 =	vadd.f32 v43, v31;
	v46 =	vadd.f32 v60, v32  }
0x22b: {  	s31 =	sor.u32 $0x8, s29;
	v30 =	vadd.f32 v25, v33;
	v59 =	vadd.f32 v35, v41  }
0x22c: {  	s10 =	sshll.u32 s31, $0x8;
	v6 =	vadd.f32 v10, v6;
	v7 =	vadd.f32 v46, v43  }
0x22d: {  	v61 =	vld.idx.msk [tilespmem:v22+s29+$0xA006 ss:$0x1], $0xffff;
	s0 =	sand.u32 $0x3FFFF800, s10;
	v5 =	vadd.f32 v17, v9;
	v60 =	vadd.f32 v59, v30  }
0x22e: {  	v23 =	vld.idx.msk [tilespmem:v1+s0+$0x0 ss:$0x1], $0xffff;
	v6 =	vadd.f32 v7, v6  }
0x22f: {  	[tilespmem:$0x1F8C0] =	vst v14;
	v14 =	vmov v3;
	v3 =	vld.idx.msk [tilespmem:v1+s0+$0x40 ss:$0x1], $0xffff;
	v5 =	vadd.f32 v60, v5  }
0x230: {  	(v2sf) =	vpush v2, $0x0;
	[tilespmem:$0x1F8B0] =	vst v11;
	v11 =	vmov v0;
	v0 =	vld.idx.msk [tilespmem:v1+s0+$0x70 ss:$0x1], $0xffff;
	v2, _, _ =	vpop (xrf2);
	(xrf2) =	vadd.scan.msk.f32 $0xffff, v6  }
0x231: {  	v13 =	vmov v4;
	v4 =	vld.idx.msk [tilespmem:v1+s0+$0x400 ss:$0x1], $0xffff;
	(v2sf) =	vpush v2, $0xF;
	v2, _, _ =	vpop (xrf2);
	(xrf2) =	vadd.scan.msk.f32 $0xffff, v5  }
0x232: {  	[tilespmem:$0x1F6F0] =	vst v19;
	v21 =	vmov v26;
	v26 =	vld.idx.msk [tilespmem:v1+s0+$0x20 ss:$0x1], $0xffff;
	(v2sf) =	vpush v2, $0xF  }
0x233: {  	[tilespmem:$0x1F8D0] =	vst v16;
	v25 =	vld.idx.msk [tilespmem:v1+s0+$0x10 ss:$0x1], $0xffff  }
0x234: {  	[tilespmem:$0x1F8E0] =	vst v18;
	v17 =	vld.idx.msk [tilespmem:v1+s0+$0x30 ss:$0x1], $0xffff  }
0x235: {  	[tilespmem:$0x1F8F0] =	vst v23;
	v16 =	vmul.f32 v3, v58;
	v59 =	vld.idx.msk [tilespmem:v1+s0+$0x50 ss:$0x1], $0xffff  }
0x236: {  	[tilespmem:$0x1F970] =	vst v0;
	v10 =	vmul.f32 v0, v38;
	v0 =	vmul.f32 v0, v49;
	v6 =	vld.idx.msk [tilespmem:v1+s0+$0x60 ss:$0x1], $0xffff  }
0x237: {  	v24 =	vmovc v57;
	v57 =	vmov v52;
	[tilespmem:$0x1F930] =	vst v3;
	v7 =	vmul.f32 v3, v53;
	v60 =	vmul.f32 v23, v37  }
0x238: {  	v19 =	vmovc v45;
	(v2sf) =	vpush v61, $0x0;
	v32 =	vmul.f32 v26, v57;
	[tilespmem:$0x1F910] =	vst v26;
	v26 =	vmul.f32 v26, v27  }
0x239: {  	v61 =	vmul.f32 v25, v56;
	v33 =	vmul.f32 v17, v63;
	v30 =	vadd.f32 v7, v60;
	v7 =	vld.idx.msk [tilespmem:v1+s0+$0x410 ss:$0x1], $0xffff  }
0x23a: {  	v28 =	vmov v36;
	[tilespmem:$0x1F920] =	vst v17;
	v17 =	vmul.f32 v17, v62;
	v18 =	vmul.f32 v59, v24;
	v2, _, _ =	vpop (xrf2)  }
0x23b: {  	[tilespmem:$0x1F980] =	vst v4;
	v33 =	vadd.f32 v10, v33;
	v5 =	vmul.f32 v6, v36;
	(v2sf) =	vpush v2, $0xF;
	v2, _, _ =	vpop (xrf2)  }
0x23c: {  	[tilespmem:$0x1F900] =	vst v25;
	v10 =	vld.idx.msk [tilespmem:v1+s0+$0x460 ss:$0x1], $0xffff;
	v31 =	vadd.f32 v18, v61;
	(v2sf) =	vpush v2, $0xF;
	v2 =	vmul.f32 v23, v54  }
0x23d: {  	v43 =	vmov v29;
	[tilespmem:$0x1F960] =	vst v6;
	v9 =	vmul.f32 v6, v19;
	v32 =	vadd.f32 v5, v32;
	v5 =	vld.idx.msk [tilespmem:v1+s0+$0x430 ss:$0x1], $0xffff  }
0x23e: {  	v18 =	vmul.f32 v4, v39;
	v35 =	vmul.f32 v7, v29;
	v3 =	vadd.f32 v16, v2;
	v16 =	vld.idx.msk [tilespmem:v1+s0+$0x420 ss:$0x1], $0xffff  }
0x23f: {  	s9 =	spop (v2sf);
	v6 =	vld.idx.msk [tilespmem:v1+s0+$0x440 ss:$0x1], $0xffff;
	v46 =	vadd.f32 v9, v26;
	v23 =	vmul.f32 v25, v40;
	v25 =	vmul.f32 v59, v48  }
0x240: {  	[tilespmem:$0x1F950] =	vst v59;
	v19 =	vmul.f32 v4, v44;
	v30 =	vadd.f32 v18, v30;
	v31 =	vadd.f32 v35, v31;
	s14 =	spop (v2sf)  }
0x241: {  	s2 =	sor.u32 $0x9, s29;
	[tilespmem:$0x1F990] =	vst v7;
	v9 =	vld.idx.msk [tilespmem:v1+s0+$0x450 ss:$0x1], $0xffff;
	s11 =	spop (v2sf);
	v41 =	vadd.f32 v25, v23;
	v2 =	vadd.f32 v0, v17;
	v0 =	vmov v7  }
0x242: {  	s13 =	sshll.u32 s2, $0x8;
	[tilespmem:$0x1F9F0] =	vst v10;
	s12 =	sadd.f32 s11, s24;
	v36 =	vmul.f32 v0, v34;
	v3 =	vadd.f32 v19, v3;
	v19 =	vmul.f32 v5, v42  }
0x243: {  	v23 =	vmov v45;
	[tilespmem:$0x1F9A0] =	vst v16;
	v0 =	vmul.f32 v16, v47;
	v45 =	vmul.f32 v16, v20;
	v16 =	vld.idx.msk [tilespmem:v1+s0+$0x470 ss:$0x1], $0xffff;
	s0 =	sand.u32 $0x7800, s13  }
0x244: {  	[tilespmem:$0x1F9D0] =	vst v6;
	v35 =	vmovc v42;
	v7 =	vmov s12;
	v42 =	vmul.f32 v6, v8;
	v2 =	vadd.f32 v19, v2;
	v19 =	vld.idx.msk [tilespmem:v1+s0+$0x80 ss:$0x1], $0xffff  }
0x245: {  	[tilespmem:$0x1F9C0] =	vst v5;
	v18 =	vmul.f32 v5, v51;
	v25 =	vsub.f32 $0.0e+00, v7;
	v41 =	vadd.f32 v36, v41;
	v5 =	vld.idx.msk [tilespmem:v1+s0+$0x90 ss:$0x1], $0xffff  }
0x246: {  	v36 =	vmul.f32 v6, v15;
	v3 =	vadd.f32 v42, v3;
	v42 =	vld.idx.msk [tilespmem:v1+s0+$0xC0 ss:$0x1], $0xffff;
	v4 =	vadd.f32 v0, v32  }
0x247: {  	[tilespmem:$0x1F9E0] =	vst v9;
	v29 =	vld.idx.msk [tilespmem:v1+s0+$0xB0 ss:$0x1], $0xffff;
	v32 =	vadd.f32 v45, v46;
	v46 =	vmul.f32 $1.442695020e+00, v25;
	v45 =	vmul.f32 v9, v13  }
0x248: {  	v33 =	vadd.f32 v18, v33;
	v17 =	vld.idx.msk [tilespmem:v1+s0+$0xE0 ss:$0x1], $0xffff;
	v9 =	vmul.f32 v9, v12;
	v25 =	vmul.f32 v10, v11  }
0x249: {  	v30 =	vadd.f32 v36, v30;
	v18 =	vld.idx.msk [tilespmem:v1+s0+$0xF0 ss:$0x1], $0xffff;
	v31 =	vadd.f32 v45, v31;
	v45 =	vmul.f32 v10, v55  }
0x24a: {  	v41 =	vadd.f32 v9, v41;
	v4 =	vadd.f32 v25, v4;
	v59 =	vbroadcast v46, $0x0;
	v9 =	vld.idx.msk [tilespmem:v1+s0+$0x490 ss:$0x1], $0xffff;
	v10 =	vmovc v16  }
0x24b: {  	v52 =	vmov v27;
	[tilespmem:$0x1FA00] =	vst v16;
	v0 =	vmul.f32 v16, v14;
	v16 =	vld.idx.msk [tilespmem:v1+s0+$0xA0 ss:$0x1], $0xffff;
	v25 =	vmul.f32 v10, v21  }
0x24c: {  	[tilespmem:$0x1FA50] =	vst v42;
	v32 =	vadd.f32 v45, v32;
	v30 =	vadd.f32 v31, v30;
	v10 =	vld.idx.msk [tilespmem:v1+s0+$0xD0 ss:$0x1], $0xffff;
	(erf) = vpow2.f32 v59  }
0x24d: {  	[tilespmem:$0x1FA10] =	vst v19;
	v61 =	vmul.f32 v19, v37;
	v59 =	vmul.f32 v42, v53;
	v0 =	vadd.f32 v0, v33  }
0x24e: {  	v3 =	vadd.f32 v41, v3;
	[tilespmem:$0x1FA20] =	vst v5;
	v60 =	vmul.f32 v42, v58;
	v2 =	vadd.f32 v25, v2  }
0x24f: {  	v45 =	vmovc v37;
	v37 =	vmul.f32 v5, v56;
	v0 =	vadd.f32 v0, v4;
	v4 =	vadd.f32 v59, v61  }
0x250: {  	[tilespmem:$0x1FA70] =	vst v17;
	v2 =	vadd.f32 v2, v32;
	v32 =	vmul.f32 v29, v63;
	v41 =	vmul.f32 v16, v27  }
0x251: {  	v25 =	vmovc v5;
	v27 =	vmul.f32 v18, v38;
	v5 =	vadd.f32 v0, v30;
	v30 =	vmul.f32 v16, v57  }
0x252: {  	v61 =	vmul.f32 v10, v24;
	v6 =	vadd.f32 v2, v3;
	v3 =	vmul.f32 v19, v54;
	v19 =	vld.idx.msk [tilespmem:v1+s0+$0x480 ss:$0x1], $0xffff  }
0x253: {  	[tilespmem:$0x1FA60] =	vst v10;
	v7 =	vmul.f32 v25, v40;
	v10 =	vmul.f32 v10, v48;
	v2 =	vld.idx.msk [tilespmem:v1+s0+$0x4A0 ss:$0x1], $0xffff  }
0x254: {  	v42 =	vmov v40;
	[tilespmem:$0x1FA30] =	vst v16;
	v16 =	vmul.f32 v17, v28;
	v25 =	vmul.f32 v17, v23  }
0x255: {  	[tilespmem:$0x1FA80] =	vst v18;
	v40 =	vmov v38;
	v17 =	vld.idx.msk [tilespmem:v1+s0+$0x4C0 ss:$0x1], $0xffff;
	v32 =	vadd.f32 v27, v32;
	v31 =	vadd.f32 v61, v37  }
0x256: {  	v38 =	vmul.f32 v29, v62;
	v33 =	vadd.f32 v10, v7;
	v30 =	vadd.f32 v16, v30;
	v10 =	vld.idx.msk [tilespmem:v1+s0+$0x4B0 ss:$0x1], $0xffff  }
0x257: {  	v7 =	vmul.f32 v18, v49;
	v41 =	vadd.f32 v25, v41;
	v16 =	vld.idx.msk [tilespmem:v1+s0+$0x4D0 ss:$0x1], $0xffff;
	v18 =	vmul.f32 v9, v43  }
0x258: {  	v3 =	vadd.f32 v60, v3;
	[tilespmem:$0x1FA90] =	vst v19;
	v25 =	vmul.f32 v19, v39;
	v0 =	vmul.f32 v2, v47  }
0x259: {  	v59 =	vadd.f32 v7, v38;
	v38 =	vmul.f32 v19, v44;
	v19 =	vmul.f32 v9, v34;
	[tilespmem:$0x1FAB0] =	vst v2  }
0x25a: {  	s17 =	spop (v2sf);
	v4 =	vadd.f32 v25, v4;
	v25 =	vmul.f32 v2, v20;
	v2 =	vadd.f32 v0, v30;
	v0 =	vld.idx.msk [tilespmem:v1+s0+$0x4E0 ss:$0x1], $0xffff  }
0x25b: {  	s5 =	spop (v2sf);
	v27 =	vmov v10;
	[tilespmem:$0x1FAC0] =	vst v10;
	v3 =	vadd.f32 v38, v3;
	v38 =	vmul.f32 v10, v51;
	v10 =	vld.idx.msk [tilespmem:v1+s0+$0x4F0 ss:$0x1], $0xffff  }
0x25c: {  	v36 =	vmov v12;
	s16 =	spop (v2sf);
	v31 =	vadd.f32 v18, v31;
	v18 =	vmul.f32 v17, v15  }
0x25d: {  	v7 =	vmovc v51;
	v33 =	vadd.f32 v19, v33;
	v51 =	vmul.f32 v27, v35;
	v27 =	vmul.f32 v16, v13;
	s0 =	sadd.f32 s16, s24  }
0x25e: {  	[tilespmem:$0x1FA40] =	vst v29;
	v41 =	vadd.f32 v25, v41;
	v30 =	vadd.f32 v38, v32;
	v25 =	vmul.f32 v17, v8  }
0x25f: {  	v12 =	vmovc v14;
	v14 =	vmovc v21;
	[tilespmem:$0x1FAA0] =	vst v9;
	v46 =	vadd.f32 v51, v59;
	v29 =	vmov s0;
	v51 =	vmul.f32 v0, v11  }
0x260: {  	v9 =	vmovc v8;
	v32 =	vsub.f32 $0.0e+00, v29;
	[tilespmem:$0x1FAF0] =	vst v0;
	v8 =	vmul.f32 v0, v55;
	v0 =	vmul.f32 v10, v12  }
0x261: {  	(xrf2) =	vadd.scan.msk.f32 $0xffff, v5;
	v4 =	vadd.f32 v18, v4;
	v38 =	vmul.f32 v16, v36;
	v3 =	vadd.f32 v25, v3  }
0x262: {  	(xrf2) =	vadd.scan.msk.f32 $0xffff, v6;
	v25 =	vmul.f32 $1.442695020e+00, v32;
	v29 =	vpop (erf);
	v2 =	vadd.f32 v51, v2;
	v0 =	vadd.f32 v0, v30  }
0x263: {  	[tilespmem:$0x1FAE0] =	vst v16;
	v31 =	vadd.f32 v27, v31;
	v16 =	vmul.f32 v10, v14;
	v32 =	vadd.f32 $1.000000000e+00, v29  }
0x264: {  	v18 =	vmovc v12;
	v12 =	vadd.f32 v38, v33;
	v0 =	vadd.f32 v0, v2;
	v2 =	vbroadcast v25, $0x0  }
0x265: {  	[tilespmem:$0x1FAD0] =	vst v17;
	v17 =	vadd.f32 v8, v41;
	v33 =	vadd.f32 v16, v46;
	(erf) = vrcp.f32 v32  }
0x266: {  	v4 =	vadd.f32 v31, v4;
	(erf) = vpow2.f32 v2  }
0x267: {  	v3 =	vadd.f32 v12, v3;
	v38 =	vadd.f32 v33, v17;
	v2 =	vld.idx.msk [tilespmem:v22+s29+$0xA007 ss:$0x1], $0xffff  }
0x268: {  	s4 =	sor.u32 $0xA, s29;
	v0 =	vadd.f32 v0, v4  }
0x269: {  	s18 =	sshll.u32 s4, $0x8;
	v3 =	vadd.f32 v38, v3  }
0x26a: {  	s0 =	sand.u32 $0x7800, s18;
	(xrf2) =	vadd.scan.msk.f32 $0xffff, v0  }
0x26b: {  	v60 =	vld.idx.msk [tilespmem:v1+s0+$0x110 ss:$0x1], $0xffff;
	(xrf2) =	vadd.scan.msk.f32 $0xffff, v3  }
0x26c: {  	v61 =	vld.idx.msk [tilespmem:v1+s0+$0x150 ss:$0x1], $0xffff;
	v0, _, _ =	vpop (xrf2);
	(v2sf) =	vpush v2, $0x0  }
0x26d: {  	[tilespmem:$0x1FB00] =	vst v10;
	v10 =	vld.idx.msk [tilespmem:v1+s0+$0x130 ss:$0x1], $0xffff;
	(v2sf) =	vpush v0, $0xF;
	v0, _, _ =	vpop (xrf2)  }
0x26e: {  	v41 =	vld.idx.msk [tilespmem:v1+s0+$0x100 ss:$0x1], $0xffff;
	v59 =	vpop (erf)  }
0x26f: {  	v2 =	vld.idx.msk [tilespmem:v22+s31+$0xA000 ss:$0x1], $0xffff;
	(v2sf) =	vpush v0, $0xF;
	v0 =	vpop (erf)  }
0x270: {  	v46 =	vld.idx.msk [tilespmem:v1+s0+$0x140 ss:$0x1], $0xffff;
	v0 =	vadd.f32 $1.000000000e+00, v0;
	_ =	sdelay $0x1  }
0x271: {  	v37 =	vmov v28;
	v28 =	vmov v44;
	v8 =	vld.idx.msk [tilespmem:v1+s0+$0x120 ss:$0x1], $0xffff;
	[tilespmem:$0x1FB20] =	vst v60  }
0x272: {  	v19 =	vmov v35;
	v16 =	vld.idx.msk [tilespmem:v1+s0+$0x160 ss:$0x1], $0xffff;
	[tilespmem:$0x1FB60] =	vst v61;
	v25 =	vmul.f32 v60, v42;
	v33 =	vmul.f32 v61, v48  }
0x273: {  	v27 =	vmov v14;
	v29 =	vld.idx.msk [tilespmem:v1+s0+$0x540 ss:$0x1], $0xffff;
	[tilespmem:$0x1FB40] =	vst v10;
	(v2sf) =	vpush v2, $0x0;
	(erf) = vrcp.f32 v0;
	v0, _, _ =	vpop (xrf2)  }
0x274: {  	v12 =	vld.idx.msk [tilespmem:v1+s0+$0x170 ss:$0x1], $0xffff;
	v4 =	vadd.f32 v33, v25;
	[tilespmem:$0x1FB10] =	vst v41;
	v14 =	vmul.f32 v46, v58;
	(v2sf) =	vpush v0, $0xF;
	v0, _, _ =	vpop (xrf2)  }
0x275: {  	[tilespmem:$0x1FB50] =	vst v46;
	v3 =	vmul.f32 v46, v53;
	v46 =	vld.idx.msk [tilespmem:v1+s0+$0x510 ss:$0x1], $0xffff;
	(v2sf) =	vpush v0, $0xF;
	v0 =	vmul.f32 v41, v54  }
0x276: {  	v51 =	vmov v22;
	[tilespmem:$0x1FB30] =	vst v8;
	v22 =	vmul.f32 v61, v24;
	v61 =	vld.idx.msk [tilespmem:v1+s0+$0x530 ss:$0x1], $0xffff;
	v2 =	vmul.f32 v41, v45  }
0x277: {  	v17 =	vmul.f32 v16, v37;
	v41 =	vmul.f32 v8, v57;
	v0 =	vadd.f32 v14, v0;
	v14 =	vld.idx.msk [tilespmem:v1+s0+$0x500 ss:$0x1], $0xffff  }
0x278: {  	v25 =	vmul.f32 v16, v23;
	v2 =	vadd.f32 v3, v2;
	v3 =	vmul.f32 v60, v56;
	v60 =	vld.idx.msk [tilespmem:v1+s0+$0x520 ss:$0x1], $0xffff  }
0x279: {  	v38 =	vmovc v37;
	v37 =	vmul.f32 v10, v63;
	v5 =	vadd.f32 v17, v41;
	v41 =	vmul.f32 v12, v40  }
0x27a: {  	[tilespmem:$0x1FB70] =	vst v16;
	v16 =	vmul.f32 v10, v62;
	v3 =	vadd.f32 v22, v3;
	v22 =	vmul.f32 v8, v52  }
0x27b: {  	v10 =	vmul.f32 v61, v19;
	v8 =	vld.idx.msk [tilespmem:v1+s0+$0x550 ss:$0x1], $0xffff;
	v30 =	vadd.f32 v41, v37;
	v37 =	vmul.f32 v46, v43  }
0x27c: {  	[tilespmem:$0x1FBA0] =	vst v46;
	v6 =	vadd.f32 v25, v22;
	v46 =	vmul.f32 v46, v34;
	v22 =	vmul.f32 v14, v39  }
0x27d: {  	v21 =	vmov v23;
	v41 =	vmul.f32 v60, v47;
	v23 =	vmul.f32 v14, v28  }
0x27e: {  	v4 =	vadd.f32 v46, v4;
	v2 =	vadd.f32 v22, v2;
	v22 =	vmul.f32 v29, v15  }
0x27f: {  	v17 =	vmul.f32 v12, v49;
	v5 =	vadd.f32 v41, v5;
	v0 =	vadd.f32 v23, v0  }
0x280: {  	[tilespmem:$0x1FB80] =	vst v12;
	v19 =	vld [tilespmem:$0x1F5D0];
	v23 =	vmul.f32 v29, v9;
	v41 =	vadd.f32 v22, v2;
	v2 =	vmul.f32 v8, v36  }
0x281: {  	[tilespmem:$0x1FBB0] =	vst v60;
	v12 =	vmov v20;
	v46 =	vmul.f32 v60, v20;
	v60 =	vmul.f32 v61, v7;
	v20 =	vld.idx.msk [tilespmem:v1+s0+$0x570 ss:$0x1], $0xffff  }
0x282: {  	[tilespmem:$0x1FB90] =	vst v14;
	v14 =	vmov v7;
	v7 =	vadd.f32 v23, v0;
	v0 =	vadd.f32 v2, v4;
	v2 =	vld [tilespmem:$0x1F5E0]  }
0x283: {  	s3 =	sadd.f32 s3, s23;
	v3 =	vadd.f32 v37, v3;
	v37 =	vmul.f32 v8, v13;
	_ =	sdelay $0x1  }
0x284: {  	v31 =	vadd.f32 v17, v16;
	v3 =	vadd.f32 v37, v3;
	v37 =	vmul.f32 s3, v19;
	_ =	sdelay $0x1  }
0x285: {  	v31 =	vadd.f32 v10, v31;
	v10 =	vmul.f32 v20, v18;
	v22 =	vmovc v18;
	v18 =	vmul.f32 v37, v2;
	v2 =	vld [tilespmem:$0x1F5F0];
	_ =	sdelay $0x3  }
0x286: {  	s10 =	spop (v2sf)  }
0x287: {  	s16 =	spop (v2sf);
	[tilespmem:$0x1FC00] =	vst v20;
	v23 =	vmul.f32 v20, v27;
	v20 =	vmul.f32 v37, v2;
	v2 =	vld [tilespmem:$0x1F600]  }
0x288: {  	v25 =	vmov v49;
	v49 =	vld.idx.msk [tilespmem:v1+s0+$0x560 ss:$0x1], $0xffff;
	s11 =	spop (v2sf)  }
0x289: {  	s11 =	sadd.f32 s11, s24;
	_ =	sdelay $0x1  }
0x28a: {  	v26 =	vmov v47;
	s0 =	sor.u32 $0xB, s29;
	v47 =	vmov s11  }
0x28b: {  	s21 =	sshll.u32 s0, $0x8;
	v33 =	vmul.f32 v37, v2;
	v2 =	vld [tilespmem:$0x1F610]  }
0x28c: {  	[tilespmem:$0x1FBF0] =	vst v49;
	s11 =	sand.u32 $0x7800, s21  }
0x28d: {  	v30 =	vadd.f32 v60, v30;
	v32 =	vsub.f32 $0.0e+00, v47;
	v16 =	vld.idx.msk [tilespmem:v1+s11+$0x180 ss:$0x1], $0xffff;
	v47 =	vmovc v49;
	v49 =	vmul.f32 v49, v11  }
0x28e: {  	[tilespmem:$0x1FBD0] =	vst v29;
	v29 =	vld.idx.msk [tilespmem:v1+s11+$0x190 ss:$0x1], $0xffff  }
0x28f: {  	v30 =	vadd.f32 v10, v30;
	v5 =	vadd.f32 v49, v5;
	v49 =	vld.idx.msk [tilespmem:v1+s11+$0x1C0 ss:$0x1], $0xffff  }
0x290: {  	v32 =	vmul.f32 $1.442695020e+00, v32;
	v10 =	vmul.f32 v37, v2;
	v2 =	vld [tilespmem:$0x1F620]  }
0x291: {  	[tilespmem:$0x1FBE0] =	vst v8;
	v8 =	vld.idx.msk [tilespmem:v1+s11+$0x1E0 ss:$0x1], $0xffff;
	v3 =	vadd.f32 v3, v41;
	v5 =	vadd.f32 v30, v5  }
0x292: {  	v31 =	vadd.f32 v23, v31;
	v4 =	vld.idx.msk [tilespmem:v1+s11+$0x1D0 ss:$0x1], $0xffff;
	v32 =	vbroadcast v32, $0x0  }
0x293: {  	s12 =	sshll.u32 s9, $0x8;
	s9 =	sshll.u32 s9, $0x7;
	v23 =	vmov v16;
	[tilespmem:$0x1FC10] =	vst v16;
	v60 =	vmul.f32 v16, v45;
	v16 =	vadd.f32 v5, v3;
	v5 =	vld.idx.msk [tilespmem:v1+s11+$0x1F0 ss:$0x1], $0xffff  }
0x294: {  	s9 =	sand.u32 $0x380, s9;
	v17 =	vmov v9;
	s3 =	sand.u32 $0xFFFFF800, s12;
	v9 =	vmul.f32 v47, v55  }
0x295: {  	[tilespmem:$0x1F7F0] =	vst v50;
	s3 =	sor.u32 s9, s3;
	(erf) = vpow2.f32 v32;
	v32 =	vmul.f32 v37, v2;
	v2 =	vmov v49  }
0x296: {  	v6 =	vadd.f32 v46, v6;
	v30 =	vmul.f32 v29, v42;
	[tilespmem:s3+$0xAD10] =	vst.add.f32.msk $0xffff, v20;
	v20 =	vmul.f32 v23, v54  }
0x297: {  	v50 =	vmov v58;
	[tilespmem:$0x1FBC0] =	vst v61;
	v23 =	vmul.f32 v2, v58;
	v58 =	vmul.f32 v4, v48  }
0x298: {  	v61 =	vld.idx.msk [tilespmem:v1+s11+$0x1B0 ss:$0x1], $0xffff;
	v6 =	vadd.f32 v9, v6;
	[tilespmem:$0x1FC70] =	vst v8;
	v2 =	vmov v5  }
0x299: {  	v0 =	vadd.f32 v0, v7;
	[tilespmem:$0x1FC60] =	vst v4;
	v30 =	vadd.f32 v58, v30;
	v58 =	vmul.f32 v2, v25;
	v2 =	vld [tilespmem:$0x1F630]  }
0x29a: {  	v19 =	vmov v27;
	v27 =	vld.idx.msk [tilespmem:v1+s11+$0x1A0 ss:$0x1], $0xffff;
	v6 =	vadd.f32 v31, v6;
	[tilespmem:$0x1FC50] =	vst v49  }
0x29b: {  	[tilespmem:s3+$0xAD00] =	vst.add.f32.msk $0xffff, v18  }
0x29c: {  	v46 =	vmul.f32 v49, v53;
	v18 =	vadd.f32 v6, v0;
	[tilespmem:s3+$0xAD30] =	vst.add.f32.msk $0xffff, v10  }
0x29d: {  	v0 =	vmovc v8;
	v49 =	vmov v53;
	v53 =	vmul.f32 v4, v24;
	v4 =	vmul.f32 v8, v38;
	v8 =	vld.idx.msk [tilespmem:v1+s11+$0x5A0 ss:$0x1], $0xffff  }
0x29e: {  	v10 =	vmul.f32 v37, v2;
	v2 =	vld [tilespmem:$0x1F640]  }
0x29f: {  	[tilespmem:$0x1FC20] =	vst v29;
	v41 =	vmul.f32 v29, v56;
	v7 =	vld.idx.msk [tilespmem:v1+s11+$0x580 ss:$0x1], $0xffff  }
0x2a0: {  	[tilespmem:$0x1FC40] =	vst v61;
	v29 =	vld.idx.msk [tilespmem:v1+s11+$0x590 ss:$0x1], $0xffff;
	v3 =	vmov v61  }
0x2a1: {  	v31 =	vadd.f32 v46, v60;
	v60 =	vmul.f32 v27, v52;
	[tilespmem:$0x1FC80] =	vst v5;
	v41 =	vadd.f32 v53, v41  }
0x2a2: {  	v6 =	vadd.f32 v23, v20;
	v23 =	vmul.f32 v0, v21;
	v53 =	vmovc v52;
	v52 =	vmul.f32 v3, v62  }
0x2a3: {  	[tilespmem:s3+$0xAD40] =	vst.add.f32.msk $0xffff, v32;
	v0 =	vmul.f32 v5, v40;
	v32 =	vmul.f32 v37, v2;
	v2 =	vmov v8  }
0x2a4: {  	v5 =	vadd.f32 v58, v52;
	v52 =	vmul.f32 v8, v26;
	v58 =	vmovc v26;
	v26 =	vmul.f32 v2, v12;
	v2 =	vld [tilespmem:$0x1F650]  }
0x2a5: {  	[tilespmem:$0x1FC30] =	vst v27;
	v9 =	vmul.f32 v27, v57;
	v46 =	vmul.f32 v61, v63;
	v61 =	vld.idx.msk [tilespmem:v51+s4+$0xA000 ss:$0x1], $0xffff  }
0x2a6: {  	[tilespmem:s3+$0xAD20] =	vst.add.f32.msk $0xffff, v33  }
0x2a7: {  	[tilespmem:$0x1FC90] =	vst v7;
	v27 =	vmov v21;
	v4 =	vadd.f32 v4, v9;
	v9 =	vmul.f32 v7, v39;
	v3 =	vld.idx.msk [tilespmem:v1+s11+$0x5B0 ss:$0x1], $0xffff  }
0x2a8: {  	v21 =	vmul.f32 v7, v28;
	v7 =	vld.idx.msk [tilespmem:v1+s11+$0x5C0 ss:$0x1], $0xffff;
	v33 =	vadd.f32 v23, v60;
	v23 =	vmul.f32 v29, v43  }
0x2a9: {  	v4 =	vadd.f32 v52, v4;
	v52 =	vmul.f32 v37, v2;
	v2 =	vld [tilespmem:$0x1F660]  }
0x2aa: {  	v41 =	vadd.f32 v23, v41;
	v23 =	vld [tilespmem:$0x1F680]  }
0x2ab: {  	v0 =	vadd.f32 v0, v46;
	v31 =	vadd.f32 v9, v31;
	v9 =	vld.idx.msk [tilespmem:v1+s11+$0x5E0 ss:$0x1], $0xffff  }
0x2ac: {  	v6 =	vadd.f32 v21, v6;
	v21 =	vmov v12;
	[tilespmem:s3+$0xAD50] =	vst.add.f32.msk $0xffff, v10;
	v12 =	vmul.f32 v3, v14  }
0x2ad: {  	v10 =	vld.idx.msk [tilespmem:v1+s11+$0x5F0 ss:$0x1], $0xffff  }
0x2ae: {  	[tilespmem:$0x1FCA0] =	vst v29;
	v29 =	vmul.f32 v29, v34;
	v46 =	vmul.f32 v37, v2;
	v2 =	vadd.f32 v12, v0;
	v0 =	vld [tilespmem:$0x1F670]  }
0x2af: {  	[tilespmem:$0x1FCB0] =	vst v8;
	v8 =	vld.idx.msk [tilespmem:v1+s11+$0x5D0 ss:$0x1], $0xffff;
	v33 =	vadd.f32 v26, v33;
	v26 =	vmul.f32 v37, v23  }
0x2b0: {  	v23 =	vld [tilespmem:$0x1F6B0]  }
0x2b1: {  	[tilespmem:s3+$0xB120] =	vst.add.f32.msk $0xffff, v26  }
0x2b2: {  	v47 =	vmovc v56;
	v30 =	vadd.f32 v29, v30;
	v29 =	vmov v14;
	v14 =	vmul.f32 v3, v35;
	v12 =	vld [tilespmem:$0x1F690]  }
0x2b3: {  	s13 =	sadd.f32 s14, s23;
	v56 =	vmovc v57;
	v57 =	vmovc v63;
	v63 =	vmov v15;
	v60 =	vmul.f32 v37, v0;
	v0 =	vmul.f32 v7, v15;
	v15 =	vld [tilespmem:$0x1F6A0]  }
0x2b4: {  	[tilespmem:$0x1F7D0] =	vst v13;
	v5 =	vadd.f32 v14, v5;
	v14 =	vmul.f32 v8, v13;
	v13 =	vld [tilespmem:$0x1F6C0]  }
0x2b5: {  	v59 =	vmul.f32 s13, v59;
	[tilespmem:s3+$0xAD70] =	vst.add.f32.msk $0xffff, v52;
	v52 =	vmul.f32 v7, v17  }
0x2b6: {  	v20 =	vmovc v42;
	v42 =	vmovc v62;
	v62 =	vmov v17;
	v17 =	vmul.f32 v8, v36;
	v26 =	vmul.f32 v37, v23;
	v23 =	vld [tilespmem:$0x1F6D0]  }
0x2b7: {  	[tilespmem:$0x1FCC0] =	vst v3;
	v3 =	vld [tilespmem:$0x1F6E0];
	v0 =	vadd.f32 v0, v31;
	v31 =	vmul.f32 v37, v12;
	v12 =	vmul.f32 v9, v11  }
0x2b8: {  	v44 =	vmovc v34;
	v34 =	vmov v22;
	[tilespmem:s3+$0xB110] =	vst.add.f32.msk $0xffff, v60;
	v60 =	vmul.f32 v37, v15;
	v15 =	vmul.f32 v10, v22  }
0x2b9: {  	[tilespmem:s3+$0xAD60] =	vst.add.f32.msk $0xffff, v32;
	v32 =	vadd.f32 v14, v41;
	v30 =	vadd.f32 v17, v30;
	v14 =	vmul.f32 v37, v13  }
0x2ba: {  	v17 =	vmul.f32 v9, v55;
	[tilespmem:s3+$0xB150] =	vst.add.f32.msk $0xffff, v26;
	v4 =	vadd.f32 v12, v4;
	v2 =	vadd.f32 v15, v2  }
0x2bb: {  	v6 =	vadd.f32 v52, v6;
	[tilespmem:s3+$0xB160] =	vst.add.f32.msk $0xffff, v14;
	v26 =	vmul.f32 v37, v23;
	v22 =	vmul.f32 v10, v19  }
0x2bc: {  	s14 =	sshll.u32 s17, $0x8;
	s21 =	sshll.u32 s17, $0x7;
	[tilespmem:s3+$0xB100] =	vst.add.f32.msk $0xffff, v46;
	v0 =	vadd.f32 v32, v0;
	v2 =	vadd.f32 v2, v4  }
0x2bd: {  	s12 =	sand.u32 $0xFFFFF800, s14;
	s13 =	sand.u32 $0x380, s21;
	v33 =	vadd.f32 v17, v33;
	v46 =	vmul.f32 v59, v3;
	[tilespmem:s3+$0xB170] =	vst.add.f32.msk $0xffff, v26;
	v5 =	vadd.f32 v22, v5  }
0x2be: {  	s18 =	spop (v2sf);
	s11 =	sor.u32 s13, s12;
	v0 =	vadd.f32 v2, v0;
	v2 =	vld [tilespmem:$0x1F700]  }
0x2bf: {  	s21 =	spop (v2sf);
	v3 =	vadd.f32 v30, v6;
	[tilespmem:s11+$0xAD00] =	vst.add.f32.msk $0xffff, v46;
	v5 =	vadd.f32 v5, v33  }
0x2c0: {  	s14 =	spop (v2sf);
	[tilespmem:s3+$0xB130] =	vst.add.f32.msk $0xffff, v31  }
0x2c1: {  	s17 =	sadd.f32 s14, s24;
	(xrf2) =	vadd.scan.msk.f32 $0xffff, v16;
	[tilespmem:s3+$0xB140] =	vst.add.f32.msk $0xffff, v60;
	s3 =	sor.u32 $0xC, s29;
	v3 =	vadd.f32 v5, v3  }
0x2c2: {  	(xrf2) =	vadd.scan.msk.f32 $0xffff, v18;
	v60 =	vld [tilespmem:$0x1F6F0];
	s12 =	sshll.u32 s3, $0x8  }
0x2c3: {  	v22 =	vld [tilespmem:$0x1F730];
	s9 =	sand.u32 $0x7800, s12;
	(xrf2) =	vadd.scan.msk.f32 $0xffff, v0;
	v0 =	vmov s17;
	v2 =	vmul.f32 v59, v2  }
0x2c4: {  	[tilespmem:$0x1FCF0] =	vst v9;
	v9 =	vmov v19;
	v19 =	vld.idx.msk [tilespmem:v1+s9+$0x200 ss:$0x1], $0xffff;
	v0 =	vsub.f32 $0.0e+00, v0  }
0x2c5: {  	(xrf2) =	vadd.scan.msk.f32 $0xffff, v3;
	v3 =	vpop (erf);
	[tilespmem:s11+$0xAD20] =	vst.add.f32.msk $0xffff, v2  }
0x2c6: {  	v0 =	vmul.f32 $1.442695020e+00, v0;
	v15 =	vpop (erf);
	v2 =	vld.idx.msk [tilespmem:v51+s2+$0xA000 ss:$0x1], $0xffff  }
0x2c7: {  	[tilespmem:$0x1F9B0] =	vst v36;
	v12 =	vld.idx.msk [tilespmem:v1+s9+$0x210 ss:$0x1], $0xffff;
	v5 =	vadd.f32 $1.000000000e+00, v15  }
0x2c8: {  	[tilespmem:$0x1FD00] =	vst v10;
	v10 =	vld.idx.msk [tilespmem:v1+s9+$0x220 ss:$0x1], $0xffff;
	v0 =	vbroadcast v0, $0x0  }
0x2c9: {  	[tilespmem:$0x1FCD0] =	vst v7;
	v7 =	vld.idx.msk [tilespmem:v1+s9+$0x240 ss:$0x1], $0xffff;
	v6 =	vmul.f32 v59, v60;
	(erf) = vrcp.f32 v5  }
0x2ca: {  	[tilespmem:$0x1FCE0] =	vst v8;
	(erf) = vpow2.f32 v0;
	v0 =	vld [tilespmem:$0x1F710]  }
0x2cb: {  	[tilespmem:s11+$0xAD10] =	vst.add.f32.msk $0xffff, v6;
	(v2sf) =	vpush v2, $0x0;
	v2, _, _ =	vpop (xrf2)  }
0x2cc: {  	v13 =	vld.idx.msk [tilespmem:v1+s9+$0x230 ss:$0x1], $0xffff;
	[tilespmem:$0x1FD20] =	vst v12;
	(v2sf) =	vpush v2, $0xF  }
0x2cd: {  	v2 =	vld [tilespmem:$0x1F720];
	v6, _, _ =	vpop (xrf2)  }
0x2ce: {  	v23 =	vld [tilespmem:$0x1F750]  }
0x2cf: {  	v0 =	vmul.f32 v59, v0;
	v16 =	vld.idx.msk [tilespmem:v1+s9+$0x260 ss:$0x1], $0xffff  }
0x2d0: {  	v30 =	vmul.f32 v19, v45;
	v18 =	vld.idx.msk [tilespmem:v1+s9+$0x270 ss:$0x1], $0xffff  }
0x2d1: {  	v31 =	vmul.f32 v12, v47;
	v41 =	vmul.f32 v7, v49;
	[tilespmem:s11+$0xAD30] =	vst.add.f32.msk $0xffff, v0  }
0x2d2: {  	v60 =	vmov v47;
	v33 =	vmul.f32 v10, v56;
	v47 =	vmul.f32 v7, v50;
	v0 =	vld [tilespmem:$0x1F740]  }
0x2d3: {  	v8 =	vadd.f32 v41, v30;
	(v2sf) =	vpush v6, $0xF;
	v2 =	vmul.f32 v59, v2  }
0x2d4: {  	v41 =	vmul.f32 v13, v42;
	[tilespmem:$0x1FD30] =	vst v10;
	(v2sf) =	vpush v61, $0x0;
	v61 =	vmul.f32 v10, v53;
	v10 =	vld.idx.msk [tilespmem:v1+s9+$0x620 ss:$0x1], $0xffff  }
0x2d5: {  	v6 =	vmul.f32 v59, v23;
	[tilespmem:s11+$0xAD40] =	vst.add.f32.msk $0xffff, v2;
	v2 =	vmul.f32 v19, v54  }
0x2d6: {  	v46 =	vmov v54;
	v54 =	vmul.f32 v12, v20;
	v12 =	vmul.f32 v16, v38  }
0x2d7: {  	v0 =	vmul.f32 v59, v0;
	v2 =	vadd.f32 v47, v2;
	v47 =	vmul.f32 v18, v25  }
0x2d8: {  	[tilespmem:s11+$0xAD70] =	vst.add.f32.msk $0xffff, v6  }
0x2d9: {  	[tilespmem:s11+$0xAD60] =	vst.add.f32.msk $0xffff, v0;
	v0 =	vadd.f32 v12, v33;
	v6 =	vadd.f32 v47, v41;
	v41 =	vmul.f32 v10, v58;
	_ =	sdelay $0x1  }
0x2da: {  	v15 =	vadd.f32 v41, v0;
	v0 =	vld [tilespmem:$0x1F780];
	_ =	sdelay $0x2  }
0x2db: {  	v52 =	vmov v11;
	v11 =	vld.idx.msk [tilespmem:v1+s9+$0x250 ss:$0x1], $0xffff;
	_ =	sdelay $0x1  }
0x2dc: {  	v0 =	vmul.f32 v59, v0;
	_ =	sdelay $0x1  }
0x2dd: {  	[tilespmem:s11+$0xB120] =	vst.add.f32.msk $0xffff, v0  }
0x2de: {  	v56 =	vmul.f32 v11, v48;
	v0 =	vld [tilespmem:$0x1F7A0]  }
0x2df: {  	[tilespmem:$0x1FD10] =	vst v19;
	v19 =	vld.idx.msk [tilespmem:v1+s9+$0x600 ss:$0x1], $0xffff  }
0x2e0: {  	v4 =	vadd.f32 v56, v54;
	v56 =	vld [tilespmem:$0x1F760]  }
0x2e1: {  	v5 =	vmul.f32 v59, v22;
	v12 =	vld.idx.msk [tilespmem:v1+s9+$0x630 ss:$0x1], $0xffff  }
0x2e2: {  	v17 =	vmul.f32 v13, v57;
	v26, _, _ =	vpop (xrf2);
	[tilespmem:$0x1FD60] =	vst v11;
	v23 =	vmov v24;
	v24 =	vmul.f32 v11, v24;
	v11 =	vld.idx.msk [tilespmem:v1+s9+$0x610 ss:$0x1], $0xffff  }
0x2e3: {  	[tilespmem:s11+$0xAD50] =	vst.add.f32.msk $0xffff, v5;
	(v2sf) =	vpush v26, $0xF;
	v22 =	vmul.f32 v16, v27;
	v0 =	vmul.f32 v59, v0  }
0x2e4: {  	v32, _, _ =	vpop (xrf2);
	[tilespmem:$0x1FD70] =	vst v16;
	v14 =	vadd.f32 v24, v31;
	v31 =	vmul.f32 v18, v40;
	v54 =	vmul.f32 v19, v39  }
0x2e5: {  	(v2sf) =	vpush v32, $0xF;
	v5 =	vadd.f32 v22, v61;
	[tilespmem:s11+$0xB140] =	vst.add.f32.msk $0xffff, v0  }
0x2e6: {  	v33 =	vmovc v25;
	v17 =	vadd.f32 v31, v17;
	v61 =	vmul.f32 v59, v56;
	v56 =	vmul.f32 v12, v29;
	v0 =	vld [tilespmem:$0x1F7E0]  }
0x2e7: {  	v25 =	vmovc v44;
	[tilespmem:$0x1FD90] =	vst v19;
	v16 =	vmul.f32 v19, v28;
	v19 =	vmul.f32 v11, v44;
	v44 =	vmov v58;
	v58 =	vld [tilespmem:$0x1F790]  }
0x2e8: {  	v32 =	vmovc v10;
	v8 =	vadd.f32 v54, v8;
	v54 =	vmov v12;
	v17 =	vadd.f32 v56, v17;
	v56 =	vld [tilespmem:$0x1F7B0]  }
0x2e9: {  	v47 =	vmul.f32 v32, v21;
	v32 =	vmul.f32 v54, v35;
	_ =	sdelay $0x1  }
0x2ea: {  	v6 =	vadd.f32 v32, v6;
	v32 =	vmul.f32 v59, v0;
	v0 =	vld [tilespmem:$0x1F800]  }
0x2eb: {  	s5 =	sadd.f32 s5, s23;
	[tilespmem:$0x1FD50] =	vst v7  }
0x2ec: {  	[tilespmem:s11+$0xB100] =	vst.add.f32.msk $0xffff, v61;
	v61 =	vmul.f32 v59, v58;
	v58 =	vmul.f32 v59, v56  }
0x2ed: {  	[tilespmem:$0x1FD40] =	vst v13;
	v7 =	vmul.f32 s5, v3;
	v13 =	vld.idx.msk [tilespmem:v1+s9+$0x640 ss:$0x1], $0xffff  }
0x2ee: {  	[tilespmem:s11+$0xB150] =	vst.add.f32.msk $0xffff, v58  }
0x2ef: {  	v58 =	vmul.f32 v7, v0;
	v0 =	vld [tilespmem:$0x1F820];
	_ =	sdelay $0x3  }
0x2f0: {  	v2 =	vadd.f32 v16, v2;
	v16 =	vmul.f32 v13, v62  }
0x2f1: {  	[tilespmem:$0x1FDD0] =	vst v13;
	v54 =	vmul.f32 v13, v63;
	v13 =	vmul.f32 v7, v0;
	v0 =	vld [tilespmem:$0x1F830];
	_ =	sdelay $0x1  }
0x2f2: {  	[tilespmem:$0x1FDB0] =	vst v10;
	v10 =	vld.idx.msk [tilespmem:v1+s9+$0x650 ss:$0x1], $0xffff  }
0x2f3: {  	[tilespmem:$0x1FDC0] =	vst v12;
	v12 =	vld.idx.msk [tilespmem:v1+s9+$0x660 ss:$0x1], $0xffff;
	_ =	sdelay $0x1  }
0x2f4: {  	v26 =	vmul.f32 v7, v0;
	v0 =	vld [tilespmem:$0x1F840];
	_ =	sdelay $0x2  }
0x2f5: {  	v3 =	vmul.f32 v10, v36;
	v36 =	vmul.f32 v12, v52;
	_ =	sdelay $0x1  }
0x2f6: {  	v15 =	vadd.f32 v36, v15;
	v36 =	vmul.f32 v7, v0;
	v0 =	vld [tilespmem:$0x1F850]  }
0x2f7: {  	v30 =	vmov v38;
	v38 =	vmov v27;
	v27 =	vld [tilespmem:$0x1F770];
	v4 =	vadd.f32 v19, v4  }
0x2f8: {  	[tilespmem:$0x1FD80] =	vst v18;
	v18 =	vmul.f32 v11, v43  }
0x2f9: {  	[tilespmem:$0x1FDA0] =	vst v11;
	v11 =	vld.idx.msk [tilespmem:v1+s9+$0x670 ss:$0x1], $0xffff;
	v2 =	vadd.f32 v16, v2;
	v3 =	vadd.f32 v3, v4  }
0x2fa: {  	v14 =	vadd.f32 v18, v14;
	v18 =	vld [tilespmem:$0x1F7C0]  }
0x2fb: {  	v2 =	vadd.f32 v3, v2;
	v3 =	vmul.f32 v7, v0;
	v0 =	vld [tilespmem:$0x1F860]  }
0x2fc: {  	v31 =	vmul.f32 v59, v27;
	_ =	sdelay $0x1  }
0x2fd: {  	[tilespmem:s11+$0xB110] =	vst.add.f32.msk $0xffff, v31;
	v41 =	vmov v29;
	v29 =	vmov v62;
	v62 =	vmul.f32 v11, v34  }
0x2fe: {  	[tilespmem:s11+$0xB130] =	vst.add.f32.msk $0xffff, v61  }
0x2ff: {  	v19 =	vmul.f32 v59, v18;
	v17 =	vadd.f32 v62, v17;
	v62 =	vmul.f32 v7, v0;
	v0 =	vld [tilespmem:$0x1F870]  }
0x300: {  	s13 =	sshll.u32 s10, $0x8;
	s10 =	sshll.u32 s10, $0x7;
	v61 =	vld [tilespmem:$0x1F7D0]  }
0x301: {  	s10 =	sand.u32 $0x380, s10;
	s5 =	sand.u32 $0xFFFFF800, s13;
	[tilespmem:s11+$0xB160] =	vst.add.f32.msk $0xffff, v19  }
0x302: {  	[tilespmem:s11+$0xB170] =	vst.add.f32.msk $0xffff, v32;
	s11 =	sor.u32 s10, s5  }
0x303: {  	[tilespmem:s11+$0xAD30] =	vst.add.f32.msk $0xffff, v13  }
0x304: {  	v13 =	vmul.f32 v7, v0;
	v0 =	vld [tilespmem:$0x1F880]  }
0x305: {  	v31 =	vmul.f32 v10, v61;
	_ =	sdelay $0x1  }
0x306: {  	v8 =	vadd.f32 v54, v8;
	v14 =	vadd.f32 v31, v14  }
0x307: {  	v54 =	vmov v52;
	v52 =	vld [tilespmem:$0x1F7F0]  }
0x308: {  	v8 =	vadd.f32 v14, v8;
	v14 =	vmul.f32 v7, v0;
	v0 =	vld [tilespmem:$0x1F890]  }
0x309: {  	v32 =	vadd.f32 v17, v15  }
0x30a: {  	v5 =	vadd.f32 v47, v5;
	[tilespmem:$0x1FDF0] =	vst v12;
	v56 =	vmul.f32 v12, v55;
	v12 =	vmul.f32 v11, v9  }
0x30b: {  	[tilespmem:s11+$0xAD60] =	vst.add.f32.msk $0xffff, v3;
	v3 =	vadd.f32 v32, v8  }
0x30c: {  	v47 =	vmovc v63;
	v63 =	vadd.f32 v56, v5;
	v24 =	vadd.f32 v12, v6;
	v4 =	vmul.f32 v7, v52  }
0x30d: {  	(xrf2) =	vadd.scan.msk.f32 $0xffff, v3;
	v3 =	vmul.f32 v7, v0;
	v0 =	vld [tilespmem:$0x1F8A0]  }
0x30e: {  	[tilespmem:s11+$0xAD00] =	vst.add.f32.msk $0xffff, v4;
	v4 =	vadd.f32 v24, v63;
	_ =	sdelay $0x1  }
0x30f: {  	v2 =	vadd.f32 v4, v2;
	_ =	sdelay $0x1  }
0x310: {  	(xrf2) =	vadd.scan.msk.f32 $0xffff, v2;
	v2 =	vmul.f32 v7, v0;
	v0 =	vld [tilespmem:$0x1F8B0];
	_ =	sdelay $0x3  }
0x311: {  	[tilespmem:s11+$0xB120] =	vst.add.f32.msk $0xffff, v3  }
0x312: {  	s9 =	spop (v2sf);
	v3 =	vmul.f32 v7, v0;
	v0 =	vld [tilespmem:$0x1F8C0]  }
0x313: {  	s17 =	spop (v2sf)  }
0x314: {  	s12 =	spop (v2sf)  }
0x315: {  	s14 =	sadd.f32 s12, s24  }
0x316: {  	[tilespmem:s11+$0xB130] =	vst.add.f32.msk $0xffff, v2  }
0x317: {  	v22 =	vmov s14;
	v2 =	vmul.f32 v7, v0;
	v0 =	vld [tilespmem:$0x1F8D0]  }
0x318: {  	v27 =	vsub.f32 $0.0e+00, v22  }
0x319: {  	v52 =	vpop (erf)  }
0x31a: {  	v56 =	vmul.f32 $1.442695020e+00, v27;
	[tilespmem:s11+$0xAD10] =	vst.add.f32.msk $0xffff, v58;
	v58 =	vpop (erf)  }
0x31b: {  	[tilespmem:$0x1FDE0] =	vst v10;
	v10 =	vld [tilespmem:$0x1F810];
	v63 =	vadd.f32 $1.000000000e+00, v58  }
0x31c: {  	v6 =	vbroadcast v56, $0x0;
	v15 =	vmul.f32 v7, v0;
	v0 =	vld [tilespmem:$0x1F8E0]  }
0x31d: {  	(erf) = vrcp.f32 v63  }
0x31e: {  	(erf) = vpow2.f32 v6  }
0x31f: {  	v16 =	vld.idx.msk [tilespmem:v51+s0+$0xA000 ss:$0x1], $0xffff;
	s10 =	spop (v2sf)  }
0x320: {  	v5 =	vmul.f32 v7, v10;
	s14 =	spop (v2sf);
	[tilespmem:s11+$0xB150] =	vst.add.f32.msk $0xffff, v2  }
0x321: {  	s16 =	sadd.f32 s16, s23;
	s13 =	spop (v2sf);
	v2 =	vmul.f32 v7, v0;
	v0 =	vld [tilespmem:$0x1F8F0]  }
0x322: {  	[tilespmem:s11+$0xAD20] =	vst.add.f32.msk $0xffff, v5;
	s12 =	sadd.f32 s13, s24  }
0x323: {  	[tilespmem:s11+$0xAD40] =	vst.add.f32.msk $0xffff, v26  }
0x324: {  	v17 =	vmov s12;
	[tilespmem:s11+$0xB140] =	vst.add.f32.msk $0xffff, v3;
	v3 =	vmul.f32 s16, v52  }
0x325: {  	v19 =	vsub.f32 $0.0e+00, v17;
	[tilespmem:s11+$0xAD50] =	vst.add.f32.msk $0xffff, v36  }
0x326: {  	v5 =	vpop (erf);
	v18 =	vmul.f32 v3, v0;
	v0 =	vld [tilespmem:$0x1F900]  }
0x327: {  	v22 =	vpop (erf);
	[tilespmem:s11+$0xB170] =	vst.add.f32.msk $0xffff, v2;
	v2 =	vmul.f32 $1.442695020e+00, v19  }
0x328: {  	v4 =	vadd.f32 $1.000000000e+00, v22;
	[tilespmem:s11+$0xAD70] =	vst.add.f32.msk $0xffff, v62  }
0x329: {  	s5 =	sor.u32 $0xD, s29;
	[tilespmem:s11+$0xB100] =	vst.add.f32.msk $0xffff, v13;
	s16 =	sshll.u32 s18, $0x8;
	s18 =	sshll.u32 s18, $0x7;
	v2 =	vbroadcast v2, $0x0  }
0x32a: {  	(erf) = vrcp.f32 v4;
	[tilespmem:s11+$0xB110] =	vst.add.f32.msk $0xffff, v14;
	s13 =	sand.u32 $0xFFFFF800, s16;
	s16 =	sand.u32 $0x380, s18;
	s18 =	sshll.u32 s5, $0x8  }
0x32b: {  	s12 =	sand.u32 $0x7800, s18;
	(erf) = vpow2.f32 v2;
	v2 =	vmul.f32 v3, v0;
	v0 =	vld [tilespmem:$0x1F910]  }
0x32c: {  	v26 =	vld.idx.msk [tilespmem:v1+s12+$0x280 ss:$0x1], $0xffff  }
0x32d: {  	v32 =	vld.idx.msk [tilespmem:v1+s12+$0x2C0 ss:$0x1], $0xffff  }
0x32e: {  	(v2sf) =	vpush v16, $0x0;
	v16 =	vld.idx.msk [tilespmem:v1+s12+$0x290 ss:$0x1], $0xffff  }
0x32f: {  	v13 =	vld.idx.msk [tilespmem:v1+s12+$0x2D0 ss:$0x1], $0xffff  }
0x330: {  	v4 =	vmul.f32 v3, v0;
	v0 =	vld [tilespmem:$0x1F920]  }
0x331: {  	v36 =	vld.idx.msk [tilespmem:v1+s12+$0x2A0 ss:$0x1], $0xffff  }
0x332: {  	v14 =	vld.idx.msk [tilespmem:v1+s12+$0x2E0 ss:$0x1], $0xffff  }
0x333: {  	[tilespmem:s11+$0xB160] =	vst.add.f32.msk $0xffff, v15  }
0x334: {  	[tilespmem:$0x1FE00] =	vst v11;
	v15 =	vld.idx.msk [tilespmem:v1+s12+$0x2F0 ss:$0x1], $0xffff  }
0x335: {  	[tilespmem:$0x1FE10] =	vst v26;
	v6 =	vmul.f32 v3, v0;
	v0 =	vld [tilespmem:$0x1F930]  }
0x336: {  	[tilespmem:$0x1FE50] =	vst v32;
	s11 =	sor.u32 s16, s13;
	v19 =	vld.idx.msk [tilespmem:v1+s12+$0x2B0 ss:$0x1], $0xffff  }
0x337: {  	v58 =	vmul.f32 v26, v45;
	v10 =	vmul.f32 v32, v49;
	[tilespmem:s11+$0xAD00] =	vst.add.f32.msk $0xffff, v18  }
0x338: {  	[tilespmem:s11+$0xAD10] =	vst.add.f32.msk $0xffff, v2  }
0x339: {  	v62 =	vmul.f32 v26, v46;
	v22 =	vmul.f32 v16, v60;
	v26 =	vmovc v23;
	v2 =	vadd.f32 v10, v58;
	v58 =	vld [tilespmem:$0x1F940]  }
0x33a: {  	v24, _, _ =	vpop (xrf2);
	[tilespmem:$0x1FE60] =	vst v13;
	v23 =	vmul.f32 v13, v23;
	v18 =	vld.idx.msk [tilespmem:v1+s12+$0x690 ss:$0x1], $0xffff;
	v8 =	vmul.f32 v3, v0;
	v0 =	vmov v32  }
0x33b: {  	v51 =	vmov v46;
	(v2sf) =	vpush v24, $0xF;
	v27, _, _ =	vpop (xrf2);
	[tilespmem:s11+$0xAD20] =	vst.add.f32.msk $0xffff, v4;
	v17 =	vmul.f32 v0, v50  }
0x33c: {  	v31 =	vmovc v9;
	v63 =	vmov v45;
	(v2sf) =	vpush v27, $0xF;
	[tilespmem:$0x1FE30] =	vst v36;
	v4 =	vadd.f32 v23, v22;
	v22 =	vld.idx.msk [tilespmem:v1+s12+$0x6A0 ss:$0x1], $0xffff  }
0x33d: {  	v24 =	vmul.f32 v16, v20;
	[tilespmem:$0x1FE70] =	vst v14;
	v11 =	vadd.f32 v17, v62;
	v17 =	vld.idx.msk [tilespmem:v1+s12+$0x680 ss:$0x1], $0xffff;
	v0 =	vmov v36  }
0x33e: {  	v45 =	vmovc v49;
	v49 =	vmov v50;
	v13 =	vmul.f32 v13, v48;
	v27 =	vmul.f32 v36, v58;
	[tilespmem:s11+$0xAD30] =	vst.add.f32.msk $0xffff, v6  }
0x33f: {  	[tilespmem:$0x1FE40] =	vst v19;
	v32 =	vmov v20;
	v20 =	vmul.f32 v19, v42;
	v50 =	vmul.f32 v19, v57;
	v19 =	vld.idx.msk [tilespmem:v1+s12+$0x6B0 ss:$0x1], $0xffff  }
0x340: {  	v52 =	vmovc v48;
	[tilespmem:s11+$0xAD40] =	vst.add.f32.msk $0xffff, v8;
	v36 =	vmul.f32 v14, v30;
	v46 =	vmul.f32 v0, v53;
	v0 =	vmov v15  }
0x341: {  	v48 =	vmovc v38;
	[tilespmem:$0x1FE80] =	vst v15;
	v14 =	vmul.f32 v14, v38;
	v38 =	vmov v40;
	v23 =	vmul.f32 v0, v33;
	v0 =	vld [tilespmem:$0x1F950]  }
0x342: {  	v9 =	vadd.f32 v36, v27;
	v15 =	vmul.f32 v15, v40;
	v40 =	vmovc v28;
	v36 =	vmul.f32 v17, v28;
	v28 =	vld [tilespmem:$0x1F970]  }
0x343: {  	v12 =	vadd.f32 v13, v24;
	v27 =	vmul.f32 v17, v39;
	v13 =	vadd.f32 v23, v20;
	v23 =	vld.idx.msk [tilespmem:v1+s12+$0x6C0 ss:$0x1], $0xffff  }
0x344: {  	v6 =	vadd.f32 v14, v46;
	v46 =	vmul.f32 v18, v43;
	v11 =	vadd.f32 v36, v11;
	v36 =	vld [tilespmem:$0x1F990]  }
0x345: {  	v8 =	vadd.f32 v15, v50;
	v50 =	vmovc v21;
	v2 =	vadd.f32 v27, v2;
	v27 =	vmul.f32 v22, v21;
	v21 =	vld [tilespmem:$0x1F9A0]  }
0x346: {  	v24 =	vmul.f32 v3, v0;
	v0 =	vld [tilespmem:$0x1F960]  }
0x347: {  	v10 =	vadd.f32 v46, v4;
	v4 =	vmul.f32 v3, v28;
	v28 =	vld.idx.msk [tilespmem:v1+s12+$0x6F0 ss:$0x1], $0xffff  }
0x348: {  	v6 =	vadd.f32 v27, v6;
	[tilespmem:s11+$0xAD50] =	vst.add.f32.msk $0xffff, v24;
	v27 =	vmul.f32 v23, v47  }
0x349: {  	v56 =	vmov v60;
	s18 =	spop (v2sf);
	v60 =	vmov v30;
	[tilespmem:s11+$0xAD70] =	vst.add.f32.msk $0xffff, v4  }
0x34a: {  	s16 =	spop (v2sf);
	[tilespmem:$0x1FEB0] =	vst v22;
	v24 =	vmul.f32 v18, v25;
	v4 =	vmul.f32 v3, v36;
	v2 =	vadd.f32 v27, v2;
	v27 =	vld [tilespmem:$0x1F9D0]  }
0x34b: {  	s13 =	spop (v2sf);
	v30 =	vmovc v33;
	v33 =	vmul.f32 v3, v0;
	v0 =	vmov v25;
	v25 =	vmul.f32 v22, v44;
	v22 =	vld.idx.msk [tilespmem:v1+s12+$0x6D0 ss:$0x1], $0xffff  }
0x34c: {  	s13 =	sadd.f32 s13, s24;
	[tilespmem:s11+$0xB110] =	vst.add.f32.msk $0xffff, v4  }
0x34d: {  	[tilespmem:s11+$0xAD60] =	vst.add.f32.msk $0xffff, v33  }
0x34e: {  	v62 =	vmov v42;
	v42 =	vmov s13;
	[tilespmem:$0x1FE90] =	vst v17;
	v17 =	vmul.f32 v3, v21;
	v33 =	vld [tilespmem:$0x1F980]  }
0x34f: {  	s29 =	sor.u32 $0xE, s29;
	[tilespmem:$0x1FE20] =	vst v16;
	v15 =	vsub.f32 $0.0e+00, v42;
	v4 =	vld [tilespmem:$0x1F9B0]  }
0x350: {  	s13 =	sshll.u32 s29, $0x8;
	[tilespmem:s11+$0xB120] =	vst.add.f32.msk $0xffff, v17  }
0x351: {  	[tilespmem:$0x1FEA0] =	vst v18;
	v46 =	vmul.f32 v19, v41;
	v42 =	vmul.f32 $1.442695020e+00, v15;
	v9 =	vadd.f32 v25, v9;
	v25 =	vld.idx.msk [tilespmem:v1+s12+$0x6E0 ss:$0x1], $0xffff;
	s12 =	sand.u32 $0x7800, s13  }
0x352: {  	v12 =	vadd.f32 v24, v12;
	v24 =	vmul.f32 v19, v35;
	v16 =	vld.idx.msk [tilespmem:v1+s12+$0x340 ss:$0x1], $0xffff;
	v18 =	vmul.f32 v22, v61  }
0x353: {  	[tilespmem:$0x1FEC0] =	vst v19;
	v36 =	vmov v61;
	v17 =	vld.idx.msk [tilespmem:v1+s12+$0x330 ss:$0x1], $0xffff;
	v61 =	vmul.f32 v28, v31;
	v14 =	vmul.f32 v3, v33  }
0x354: {  	[tilespmem:$0x1FED0] =	vst v23;
	v19 =	vmovc v31;
	v31 =	vld [tilespmem:$0x1F9F0];
	v33 =	vmov v29;
	v29 =	vmul.f32 v23, v29;
	v23 =	vmul.f32 v22, v4  }
0x355: {  	v8 =	vadd.f32 v46, v8;
	[tilespmem:s11+$0xB100] =	vst.add.f32.msk $0xffff, v14  }
0x356: {  	v46 =	vpop (erf);
	v13 =	vadd.f32 v24, v13;
	v14 =	vbroadcast v42, $0x0;
	v12 =	vadd.f32 v23, v12;
	v23 =	vld [tilespmem:$0x1F9C0]  }
0x357: {  	v21 =	vpop (erf);
	[tilespmem:$0x1FF00] =	vst v28;
	v24 =	vmov v54;
	v42 =	vmul.f32 v25, v54;
	v54 =	vmul.f32 v28, v34;
	v28 =	vld [tilespmem:$0x1F9E0]  }
0x358: {  	s21 =	sadd.f32 s21, s23;
	v20 =	vmov v47;
	v15 =	vadd.f32 $1.000000000e+00, v21;
	[tilespmem:$0x1FEE0] =	vst v22;
	v10 =	vadd.f32 v18, v10;
	v18 =	vld.idx.msk [tilespmem:v1+s12+$0x320 ss:$0x1], $0xffff  }
0x359: {  	v47 =	vmul.f32 v25, v55;
	v13 =	vadd.f32 v61, v13;
	v11 =	vadd.f32 v29, v11;
	v29 =	vld.idx.msk [tilespmem:v1+s12+$0x300 ss:$0x1], $0xffff  }
0x35a: {  	v21 =	vmul.f32 s21, v5;
	[tilespmem:$0x1FEF0] =	vst v25;
	v25 =	vld.idx.msk [tilespmem:v1+s12+$0x310 ss:$0x1], $0xffff;
	v9 =	vadd.f32 v42, v9;
	v8 =	vadd.f32 v54, v8  }
0x35b: {  	[tilespmem:$0x1FF40] =	vst v17;
	v6 =	vadd.f32 v47, v6;
	v2 =	vadd.f32 v10, v2;
	v42 =	vld [tilespmem:$0x1FA00];
	v10 =	vmul.f32 v3, v23  }
0x35c: {  	(erf) = vrcp.f32 v15;
	[tilespmem:$0x1FF50] =	vst v16;
	v8 =	vadd.f32 v8, v9;
	v9 =	vmul.f32 v3, v28;
	v28 =	vld.idx.msk [tilespmem:v1+s12+$0x350 ss:$0x1], $0xffff  }
0x35d: {  	v22 =	vmul.f32 v3, v31;
	v47 =	vadd.f32 v13, v6;
	[tilespmem:s11+$0xB130] =	vst.add.f32.msk $0xffff, v10;
	v10 =	vadd.f32 v12, v11  }
0x35e: {  	v31 =	vld.idx.msk [tilespmem:v1+s12+$0x360 ss:$0x1], $0xffff;
	(erf) = vpow2.f32 v14;
	[tilespmem:$0x1FF30] =	vst v18;
	v54 =	vmov v29;
	v61 =	vmul.f32 v29, v63  }
0x35f: {  	[tilespmem:s11+$0xB160] =	vst.add.f32.msk $0xffff, v22;
	v5 =	vadd.f32 v47, v10;
	v47 =	vmul.f32 v54, v51;
	v54 =	vmul.f32 v16, v49  }
0x360: {  	[tilespmem:$0x1FF10] =	vst v29;
	v29 =	vld.idx.msk [tilespmem:v1+s12+$0x370 ss:$0x1], $0xffff;
	v23 =	vmul.f32 v3, v42;
	v42 =	vmul.f32 v16, v45  }
0x361: {  	v14 =	vmul.f32 v3, v27;
	[tilespmem:s11+$0xB150] =	vst.add.f32.msk $0xffff, v9;
	v9 =	vadd.f32 v54, v47;
	v54 =	vmul.f32 v28, v52  }
0x362: {  	v15 =	vmovc v25;
	v11 =	vmul.f32 v25, v56;
	v6 =	vadd.f32 v42, v61;
	v61 =	vmul.f32 v28, v26  }
0x363: {  	v2 =	vadd.f32 v8, v2;
	v8 =	vmul.f32 v18, v58;
	v10 =	vmul.f32 v15, v32;
	v15 =	vld.idx.msk [tilespmem:v1+s12+$0x710 ss:$0x1], $0xffff  }
0x364: {  	[tilespmem:$0x1FF20] =	vst v25;
	v25 =	vmul.f32 v17, v57;
	v27 =	vadd.f32 v61, v11;
	v61 =	vmul.f32 v31, v60  }
0x365: {  	v16 =	vld.idx.msk [tilespmem:v1+s12+$0x700 ss:$0x1], $0xffff;
	v42 =	vmovc v26;
	v11 =	vmul.f32 v18, v53;
	v26 =	vadd.f32 v54, v10;
	v54 =	vmov v29  }
0x366: {  	v18 =	vld.idx.msk [tilespmem:v1+s12+$0x720 ss:$0x1], $0xffff;
	v8 =	vadd.f32 v61, v8;
	v61 =	vmul.f32 v17, v62;
	v17 =	vmul.f32 v54, v30  }
0x367: {  	v54 =	vld [tilespmem:$0x1FA10]  }
0x368: {  	v10 =	vmov v0;
	v22 =	vadd.f32 v17, v61;
	v17 =	vmul.f32 v15, v0;
	v0 =	vld [tilespmem:$0x1FA20]  }
0x369: {  	[tilespmem:s11+$0xB140] =	vst.add.f32.msk $0xffff, v14  }
0x36a: {  	v12 =	vld.idx.msk [tilespmem:v1+s12+$0x730 ss:$0x1], $0xffff;
	v13 =	vmul.f32 v16, v40  }
0x36b: {  	[tilespmem:s11+$0xB170] =	vst.add.f32.msk $0xffff, v23  }
0x36c: {  	v47 =	vmovc v32;
	v32 =	vmul.f32 v31, v48;
	v23 =	vadd.f32 v13, v9;
	v9 =	vmul.f32 v18, v50  }
0x36d: {  	v14 =	vmov v53;
	v61 =	vmul.f32 v21, v54;
	v54 =	vmul.f32 v21, v0;
	v0 =	vld [tilespmem:$0x1FA30]  }
0x36e: {  	[tilespmem:$0x1FF80] =	vst v29;
	v53 =	vmov v30;
	v29 =	vmul.f32 v29, v38;
	v30 =	vadd.f32 v32, v11;
	v11 =	vld.idx.msk [tilespmem:v1+s12+$0x740 ss:$0x1], $0xffff  }
0x36f: {  	[tilespmem:$0x1FF90] =	vst v16;
	v32 =	vmul.f32 v16, v39;
	v16 =	vmul.f32 v15, v43;
	v13 =	vld.idx.msk [tilespmem:v1+s12+$0x750 ss:$0x1], $0xffff  }
0x370: {  	s21 =	sshll.u32 s9, $0x8;
	s9 =	sshll.u32 s9, $0x7;
	v25 =	vadd.f32 v29, v25;
	v26 =	vadd.f32 v17, v26;
	v17 =	vld [tilespmem:$0x1FA60]  }
0x371: {  	s21 =	sand.u32 $0xFFFFF800, s21;
	s9 =	sand.u32 $0x380, s9;
	v27 =	vadd.f32 v16, v27;
	v16 =	vmul.f32 v12, v35;
	v29 =	vadd.f32 v9, v30;
	v9 =	vmovc v35;
	v35 =	vld [tilespmem:$0x1FA80]  }
0x372: {  	s9 =	sor.u32 s9, s21;
	[tilespmem:$0x1FF70] =	vst v31;
	v31 =	vmul.f32 v21, v0;
	v0 =	vld [tilespmem:$0x1FA40]  }
0x373: {  	[tilespmem:s9+$0xAD00] =	vst.add.f32.msk $0xffff, v61  }
0x374: {  	[tilespmem:$0x1FFB0] =	vst v18;
	v61 =	vmul.f32 v18, v44;
	v18 =	vld.idx.msk [tilespmem:v1+s12+$0x760 ss:$0x1], $0xffff  }
0x375: {  	[tilespmem:s9+$0xAD10] =	vst.add.f32.msk $0xffff, v54  }
0x376: {  	[tilespmem:$0x1FF60] =	vst v28;
	v54 =	vld.idx.msk [tilespmem:v1+s12+$0x770 ss:$0x1], $0xffff  }
0x377: {  	[tilespmem:$0x1FFC0] =	vst v12;
	v30 =	vmul.f32 v21, v0;
	v0 =	vld [tilespmem:$0x1FA50]  }
0x378: {  	[tilespmem:s9+$0xAD20] =	vst.add.f32.msk $0xffff, v31;
	v31 =	vmul.f32 v21, v17  }
0x379: {  	[tilespmem:$0x1FFA0] =	vst v15;
	v6 =	vadd.f32 v32, v6;
	v17 =	vld [tilespmem:$0x1FA90]  }
0x37a: {  	v15 =	vmul.f32 v12, v41;
	v22 =	vadd.f32 v16, v22;
	v16 =	vmov v36;
	[tilespmem:s9+$0xAD50] =	vst.add.f32.msk $0xffff, v31  }
0x37b: {  	v28 =	vadd.f32 v61, v8;
	[tilespmem:s9+$0xAD30] =	vst.add.f32.msk $0xffff, v30;
	v30 =	vmul.f32 v13, v36;
	v36 =	vmul.f32 v13, v4  }
0x37c: {  	[tilespmem:$0x1FFE0] =	vst v13;
	v8 =	vmovc v34;
	v13 =	vmov v4;
	v4 =	vmul.f32 v54, v34;
	v34 =	vld [tilespmem:$0x1FAD0];
	v32 =	vmul.f32 v21, v0  }
0x37d: {  	v12 =	vmovc v20;
	v27 =	vadd.f32 v30, v27;
	v30 =	vld [tilespmem:$0x1FAF0];
	v0 =	vmul.f32 v11, v20;
	v20 =	vmul.f32 v11, v33  }
0x37e: {  	v25 =	vadd.f32 v15, v25;
	v15 =	vmov v33;
	v33 =	vld [tilespmem:$0x1FA70]  }
0x37f: {  	[tilespmem:$0x1FFD0] =	vst v11;
	v11 =	vld [tilespmem:$0x1FAA0];
	v23 =	vadd.f32 v20, v23;
	v20 =	vmul.f32 v21, v17  }
0x380: {  	[tilespmem:s9+$0xAD40] =	vst.add.f32.msk $0xffff, v32  }
0x381: {  	[tilespmem:s9+$0xB100] =	vst.add.f32.msk $0xffff, v20  }
0x382: {  	v32 =	vmul.f32 v21, v35;
	v35 =	vmul.f32 v18, v24;
	v20 =	vld [tilespmem:$0x1FAB0]  }
0x383: {  	v0 =	vadd.f32 v0, v6;
	v6 =	vmul.f32 v21, v33;
	v33 =	vld [tilespmem:$0x1FAC0]  }
0x384: {  	v25 =	vadd.f32 v4, v25;
	v17 =	vmul.f32 v54, v19;
	v28 =	vadd.f32 v35, v28;
	v35 =	vld [tilespmem:$0x1FAE0]  }
0x385: {  	v31 =	vmul.f32 v21, v11;
	[tilespmem:s9+$0xAD60] =	vst.add.f32.msk $0xffff, v6;
	v6 =	vadd.f32 v36, v26;
	v36 =	vmul.f32 v18, v55  }
0x386: {  	(xrf2) =	vadd.scan.msk.f32 $0xffff, v2;
	[tilespmem:s9+$0xAD70] =	vst.add.f32.msk $0xffff, v32;
	v22 =	vadd.f32 v17, v22;
	v0 =	vadd.f32 v27, v0  }
0x387: {  	v25 =	vadd.f32 v25, v28;
	[tilespmem:s9+$0xB110] =	vst.add.f32.msk $0xffff, v31;
	v26 =	vadd.f32 v36, v29;
	v29 =	vmul.f32 v21, v20  }
0x388: {  	s21 =	sadd.s32 $0x6, s30;
	s13 =	sadd.s32 $0x5, s30;
	(xrf2) =	vadd.scan.msk.f32 $0xffff, v5;
	v6 =	vadd.f32 v6, v23;
	v23 =	vmul.f32 v21, v34;
	v27 =	vmul.f32 v21, v33;
	v33 =	vld [tilespmem:$0x1FB00]  }
0x389: {  	v17 =	vmov s21;
	v0 =	vadd.f32 v25, v0;
	v36 =	vmov s13;
	[tilespmem:s9+$0xB120] =	vst.add.f32.msk $0xffff, v29  }
0x38a: {  	s2 =	sadd.s32 s26, s2;
	v61 =	vand.u32 $0xFFFFFFF5, v36;
	v22 =	vadd.f32 v22, v26;
	v26 =	vmul.f32 v21, v35;
	[tilespmem:s9+$0xB140] =	vst.add.f32.msk $0xffff, v23  }
0x38b: {  	v11 =	vmovc v19;
	v36 =	vmov s2;
	v19 =	vbroadcast v61, $0x0;
	v23 =	vmul.f32 v21, v30;
	[tilespmem:s9+$0xB130] =	vst.add.f32.msk $0xffff, v27  }
0x38c: {  	s17 =	sadd.f32 s17, s23;
	(xrf2) =	vadd.scan.msk.f32 $0xffff, v0;
	v29 =	vand.u32 $0xFFFFFFF6, v17;
	v0 =	vand.u32 $0xFFFFFFF9, v36;
	[tilespmem:s9+$0xB150] =	vst.add.f32.msk $0xffff, v26  }
0x38d: {  	s31 =	sadd.s32 s26, s31;
	v2 =	vbroadcast v29, $0x0;
	[tilespmem:s9+$0xB160] =	vst.add.f32.msk $0xffff, v23;
	v26 =	vbroadcast v0, $0x0  }
0x38e: {  	v34 =	vmov s31;
	v0 =	vmul.f32 s17, v46;
	v46 =	vld [tilespmem:$0x1FB50];
	v25 =	vmul.f32 v21, v33  }
0x38f: {  	s2 =	sshllo.u32 s28, $0x4;
	v35 =	vand.u32 $0xFFFFFFF8, v34;
	v33 =	vld [tilespmem:$0x1FFF0]  }
0x390: {  	s13 =	sshll.u32 s2, $0x8;
	v61 =	vbroadcast v35, $0x0;
	[tilespmem:s9+$0xB170] =	vst.add.f32.msk $0xffff, v25  }
0x391: {  	s9 =	sand.u32 $0x7800, s13;
	[tilespmem:v19+s20+$0x0] =	vst.idx.msk $0x1, v37;
	v37 =	vld [tilespmem:$0x1FB40]  }
0x392: {  	s30 =	sadd.s32 $0x7, s30;
	v5 =	vld.idx.msk [tilespmem:v1+s9+$0x380 ss:$0x1], $0xffff  }
0x393: {  	v31 =	vmov s30;
	v20 =	vpop (erf);
	v6 =	vadd.f32 v22, v6;
	[tilespmem:v2+s20+$0x0] =	vst.idx.msk $0x1, v59;
	v59 =	vld.idx.msk [tilespmem:v1+s9+$0x390 ss:$0x1], $0xffff  }
0x394: {  	v32 =	vand.u32 $0xFFFFFFF7, v31;
	v2 =	vpop (erf);
	v4 =	vld.idx.msk [tilespmem:v1+s9+$0x3A0 ss:$0x1], $0xffff  }
0x395: {  	v23 =	vbroadcast v32, $0x0;
	(xrf2) =	vadd.scan.msk.f32 $0xffff, v6;
	v6 =	vld.idx.msk [tilespmem:v1+s9+$0x3C0 ss:$0x1], $0xffff;
	v2 =	vadd.f32 $1.000000000e+00, v2  }
0x396: {  	[tilespmem:v61+s20+$0x0] =	vst.idx.msk $0x1, v3;
	v3 =	vld.idx.msk [tilespmem:v1+s9+$0x3B0 ss:$0x1], $0xffff  }
0x397: {  	(erf) = vrcp.f32 v2;
	v2 =	vld [tilespmem:$0x1FB10]  }
0x398: {  	v17 =	vld.idx.msk [tilespmem:v33+s3+$0xA000 ss:$0x1], $0xffff  }
0x399: {  	v30 =	vld.idx.msk [tilespmem:v1+s9+$0x3E0 ss:$0x1], $0xffff  }
0x39a: {  	v27 =	vld.idx.msk [tilespmem:v1+s9+$0x790 ss:$0x1], $0xffff  }
0x39b: {  	v28 =	vld.idx.msk [tilespmem:v1+s9+$0x7D0 ss:$0x1], $0xffff;
	[tilespmem:v23+s20+$0x0] =	vst.idx.msk $0x1, v7  }
0x39c: {  	s21 =	sshll.u32 s10, $0x8;
	s10 =	sshll.u32 s10, $0x7;
	[tilespmem:v26+s20+$0x0] =	vst.idx.msk $0x1, v21;
	v26 =	vld.idx.msk [tilespmem:v1+s9+$0x3F0 ss:$0x1], $0xffff  }
0x39d: {  	s11 =	sand.u32 $0xFFFFF800, s21;
	s10 =	sand.u32 $0x380, s10;
	v23 =	vmul.f32 v0, v46;
	v21 =	vld.idx.msk [tilespmem:v1+s9+$0x780 ss:$0x1], $0xffff;
	v34 =	vmul.f32 v0, v2;
	v2, _, _ =	vpop (xrf2);
	(v2sf) =	vpush v17, $0x0  }
0x39e: {  	s10 =	sor.u32 s10, s11;
	(v2sf) =	vpush v2, $0xF;
	v2 =	vld [tilespmem:$0x1FB20]  }
0x39f: {  	[tilespmem:s10+$0xAD40] =	vst.add.f32.msk $0xffff, v23  }
0x3a0: {  	v7 =	vmul.f32 v0, v37;
	v32 =	vld.idx.msk [tilespmem:v33+s5+$0xA000 ss:$0x1], $0xffff;
	v61 =	vmul.f32 v5, v63  }
0x3a1: {  	v23 =	vld.idx.msk [tilespmem:v1+s9+$0x7B0 ss:$0x1], $0xffff;
	v19 =	vmul.f32 v4, v58;
	v46 =	vmul.f32 v6, v49  }
0x3a2: {  	v49 =	vmul.f32 v3, v57;
	v58 =	vmul.f32 v4, v14;
	[tilespmem:s10+$0xAD30] =	vst.add.f32.msk $0xffff, v7  }
0x3a3: {  	v14 =	vmul.f32 v26, v38;
	v36, _, _ =	vpop (xrf2);
	v35 =	vmul.f32 v0, v2;
	v2 =	vld [tilespmem:$0x1FB30]  }
0x3a4: {  	[tilespmem:s10+$0xAD00] =	vst.add.f32.msk $0xffff, v34;
	(v2sf) =	vpush v36, $0xF;
	v36 =	vmul.f32 v6, v45;
	v45 =	vmul.f32 v5, v51  }
0x3a5: {  	v60 =	vmul.f32 v30, v60;
	(v2sf) =	vpush v32, $0x0;
	v32 =	vadd.f32 v14, v49;
	v14 =	vld [tilespmem:$0x1FBC0]  }
0x3a6: {  	v63 =	vmul.f32 v59, v56;
	v56 =	vmul.f32 v59, v47;
	v29 =	vadd.f32 v46, v45;
	v45 =	vld [tilespmem:$0x1FB60]  }
0x3a7: {  	v39 =	vmul.f32 v21, v39;
	v17, _, _ =	vpop (xrf2);
	v25 =	vadd.f32 v36, v61;
	v36 =	vadd.f32 v60, v19;
	v60 =	vld [tilespmem:$0x1FBA0]  }
0x3a8: {  	v47 =	vmul.f32 v21, v40;
	v37, _, _ =	vpop (xrf2);
	(v2sf) =	vpush v17, $0xF;
	v22 =	vmul.f32 v0, v2;
	v2 =	vld.idx.msk [tilespmem:v1+s9+$0x3D0 ss:$0x1], $0xffff  }
0x3a9: {  	(v2sf) =	vpush v37, $0xF;
	v37 =	vadd.f32 v39, v25;
	v25 =	vld.idx.msk [tilespmem:v1+s9+$0x7C0 ss:$0x1], $0xffff  }
0x3aa: {  	v40 =	vadd.f32 v47, v29;
	v29 =	vld.idx.msk [tilespmem:v1+s9+$0x7E0 ss:$0x1], $0xffff  }
0x3ab: {  	[tilespmem:s10+$0xAD20] =	vst.add.f32.msk $0xffff, v22  }
0x3ac: {  	v62 =	vmul.f32 v3, v62;
	v22 =	vld.idx.msk [tilespmem:v1+s9+$0x7A0 ss:$0x1], $0xffff  }
0x3ad: {  	[tilespmem:s10+$0xAD10] =	vst.add.f32.msk $0xffff, v35;
	v17 =	vmul.f32 v0, v14;
	v51 =	vmul.f32 v2, v42  }
0x3ae: {  	v46 =	vmul.f32 v0, v45;
	v57 =	vmul.f32 v2, v52;
	v52 =	vld [tilespmem:$0x1FB80]  }
0x3af: {  	[tilespmem:s10+$0xB130] =	vst.add.f32.msk $0xffff, v17;
	v42 =	vmul.f32 v26, v53;
	v34 =	vadd.f32 v51, v63;
	v63 =	vmul.f32 v30, v48  }
0x3b0: {  	[tilespmem:s10+$0xAD50] =	vst.add.f32.msk $0xffff, v46  }
0x3b1: {  	v38 =	vadd.f32 v42, v62;
	v62 =	vld [tilespmem:$0x1FBB0];
	v35 =	vadd.f32 v63, v58;
	v58 =	vmul.f32 v22, v44  }
0x3b2: {  	v61 =	vadd.f32 v57, v56;
	v57 =	vld [tilespmem:$0x1FB90]  }
0x3b3: {  	v56 =	vmul.f32 v27, v10;
	v53 =	vmul.f32 v0, v52;
	v36 =	vadd.f32 v58, v36;
	v58 =	vld [tilespmem:$0x1FBE0]  }
0x3b4: {  	v48 =	vld [tilespmem:$0x1FB70];
	v51 =	vmul.f32 v27, v43  }
0x3b5: {  	v43 =	vmul.f32 v0, v60;
	v7 =	vadd.f32 v56, v61;
	v61 =	vmul.f32 v22, v50;
	[tilespmem:s10+$0xAD70] =	vst.add.f32.msk $0xffff, v53  }
0x3b6: {  	v63 =	vmul.f32 v23, v41;
	v44 =	vmul.f32 v0, v62;
	v53 =	vld [tilespmem:$0x1FBD0]  }
0x3b7: {  	v39 =	vmul.f32 v0, v57;
	v57 =	vmul.f32 v25, v12;
	v62 =	vld [tilespmem:$0x1FBF0]  }
0x3b8: {  	s4 =	sadd.s32 s26, s4;
	v35 =	vadd.f32 v61, v35;
	v12 =	vmul.f32 v28, v16;
	[tilespmem:s10+$0xB120] =	vst.add.f32.msk $0xffff, v44;
	v60 =	vmul.f32 v0, v58  }
0x3b9: {  	s30 =	sadd.f32 s14, s23;
	v16 =	vmul.f32 v29, v55;
	v37 =	vadd.f32 v57, v37;
	v44 =	vld [tilespmem:$0x1FC00];
	v57 =	vmov s4  }
0x3ba: {  	v52 =	vadd.f32 v63, v32;
	v49 =	vmul.f32 v0, v48;
	[tilespmem:s10+$0xB150] =	vst.add.f32.msk $0xffff, v60;
	v60 =	vand.u32 $0xFFFFFFFA, v57  }
0x3bb: {  	[tilespmem:s10+$0xB110] =	vst.add.f32.msk $0xffff, v43;
	v32 =	vmul.f32 s30, v20;
	v20 =	vadd.f32 v16, v35;
	v35 =	vbroadcast v60, $0x0  }
0x3bc: {  	[tilespmem:s10+$0xAD60] =	vst.add.f32.msk $0xffff, v49;
	v56 =	vmul.f32 v0, v53  }
0x3bd: {  	[tilespmem:s10+$0xB100] =	vst.add.f32.msk $0xffff, v39;
	v63 =	vmul.f32 v0, v62  }
0x3be: {  	[tilespmem:s10+$0xB140] =	vst.add.f32.msk $0xffff, v56;
	v46 =	vmul.f32 v0, v44  }
0x3bf: {  	[tilespmem:s10+$0xB160] =	vst.add.f32.msk $0xffff, v63  }
0x3c0: {  	[tilespmem:s10+$0xB170] =	vst.add.f32.msk $0xffff, v46  }
0x3c1: {  	[tilespmem:v35+s20+$0x0] =	vst.idx.msk $0x1, v0;
	v0 =	vld [tilespmem:$0x1FCC0];
	_ =	sdelay $0x3  }
0x3c2: {  	s14 =	sshll.u32 s18, $0x7;
	s13 =	sshll.u32 s18, $0x8  }
0x3c3: {  	s12 =	sand.u32 $0xFFFFF800, s13;
	s13 =	sand.u32 $0x380, s14;
	v0 =	vmul.f32 v32, v0  }
0x3c4: {  	s12 =	sor.u32 s13, s12  }
0x3c5: {  	[tilespmem:s12+$0xB130] =	vst.add.f32.msk $0xffff, v0  }
0x3c6: {  	v0 =	vld [tilespmem:$0x1FCE0]  }
0x3c7: {  	v31 =	vld.idx.msk [tilespmem:v1+s9+$0x7F0 ss:$0x1], $0xffff;
	_ =	sdelay $0x3  }
0x3c8: {  	v14 =	vmul.f32 v29, v24;
	v0 =	vmul.f32 v32, v0  }
0x3c9: {  	v34 =	vadd.f32 v51, v34;
	v61 =	vmul.f32 v25, v15;
	v15 =	vmul.f32 v31, v8  }
0x3ca: {  	v36 =	vadd.f32 v14, v36;
	[tilespmem:s12+$0xB150] =	vst.add.f32.msk $0xffff, v0  }
0x3cb: {  	v24 =	vadd.f32 v15, v52;
	v34 =	vadd.f32 v12, v34;
	v0 =	vld [tilespmem:$0x1FD00];
	_ =	sdelay $0x1  }
0x3cc: {  	v36 =	vadd.f32 v24, v36;
	v34 =	vadd.f32 v34, v37;
	_ =	sdelay $0x1  }
0x3cd: {  	v34 =	vadd.f32 v36, v34  }
0x3ce: {  	v0 =	vmul.f32 v32, v0  }
0x3cf: {  	v13 =	vmul.f32 v28, v13;
	v40 =	vadd.f32 v61, v40;
	(xrf2) =	vadd.scan.msk.f32 $0xffff, v34;
	v34 =	vld [tilespmem:$0x1FCA0]  }
0x3d0: {  	[tilespmem:s12+$0xB170] =	vst.add.f32.msk $0xffff, v0  }
0x3d1: {  	v7 =	vadd.f32 v13, v7;
	v0 =	vld [tilespmem:$0x1FD20]  }
0x3d2: {  	s21 =	sadd.f32 s16, s23  }
0x3d3: {  	v7 =	vadd.f32 v7, v40;
	v40 =	vpop (erf)  }
0x3d4: {  	s31 =	spop (v2sf);
	v36 =	vmul.f32 v32, v34;
	v34 =	vmul.f32 s21, v40  }
0x3d5: {  	s11 =	sshll.u32 s31, $0x7;
	s30 =	sshll.u32 s31, $0x8  }
0x3d6: {  	s11 =	sand.u32 $0x380, s11;
	s14 =	sand.u32 $0xFFFFF800, s30;
	v0 =	vmul.f32 v34, v0  }
0x3d7: {  	s11 =	sor.u32 s11, s14  }
0x3d8: {  	[tilespmem:s11+$0xAD10] =	vst.add.f32.msk $0xffff, v0  }
0x3d9: {  	v0 =	vld [tilespmem:$0x1FD40];
	_ =	sdelay $0x4  }
0x3da: {  	v0 =	vmul.f32 v34, v0  }
0x3db: {  	v50 =	vld [tilespmem:$0x1FC20]  }
0x3dc: {  	[tilespmem:s11+$0xAD30] =	vst.add.f32.msk $0xffff, v0  }
0x3dd: {  	s9 =	spop (v2sf);
	v0 =	vld [tilespmem:$0x1FD60]  }
0x3de: {  	s17 =	spop (v2sf);
	v41 =	vld [tilespmem:$0x1FCF0]  }
0x3df: {  	s18 =	sadd.f32 s17, s24;
	v13 =	vld [tilespmem:$0x1FC70]  }
0x3e0: {  	v48 =	vld [tilespmem:$0x1FC10]  }
0x3e1: {  	v55 =	vld [tilespmem:$0x1FC40];
	v58 =	vmov s18  }
0x3e2: {  	v19 =	vmul.f32 v23, v9;
	v52 =	vld [tilespmem:$0x1FC30];
	v39 =	vsub.f32 $0.0e+00, v58;
	v0 =	vmul.f32 v34, v0  }
0x3e3: {  	v61 =	vld [tilespmem:$0x1FC50]  }
0x3e4: {  	v17 =	vmul.f32 v31, v11;
	v38 =	vadd.f32 v19, v38;
	v15 =	vmul.f32 $1.442695020e+00, v39;
	[tilespmem:s11+$0xAD50] =	vst.add.f32.msk $0xffff, v0  }
0x3e5: {  	v51 =	vmul.f32 v32, v50;
	v0 =	vld [tilespmem:$0x1FD80]  }
0x3e6: {  	v47 =	vadd.f32 v17, v38;
	v16 =	vld [tilespmem:$0x1FC80];
	v24 =	vbroadcast v15, $0x0  }
0x3e7: {  	[tilespmem:s12+$0xAD10] =	vst.add.f32.msk $0xffff, v51;
	v14 =	vmul.f32 v32, v13  }
0x3e8: {  	v20 =	vadd.f32 v47, v20;
	v37 =	vld [tilespmem:$0x1FCB0];
	(erf) = vpow2.f32 v24  }
0x3e9: {  	v49 =	vmul.f32 v32, v48;
	[tilespmem:s12+$0xAD60] =	vst.add.f32.msk $0xffff, v14  }
0x3ea: {  	v7 =	vadd.f32 v20, v7;
	v20 =	vld [tilespmem:$0x1FC90];
	v0 =	vmul.f32 v34, v0  }
0x3eb: {  	[tilespmem:s12+$0xAD00] =	vst.add.f32.msk $0xffff, v49  }
0x3ec: {  	[tilespmem:s11+$0xAD70] =	vst.add.f32.msk $0xffff, v0  }
0x3ed: {  	v0 =	vld [tilespmem:$0x1FDA0]  }
0x3ee: {  	v53 =	vmul.f32 v32, v52;
	v63 =	vld [tilespmem:$0x1FC60]  }
0x3ef: {  	v62 =	vmul.f32 v32, v61;
	v39 =	vld [tilespmem:$0x1FCD0]  }
0x3f0: {  	v56 =	vmul.f32 v32, v55;
	[tilespmem:s12+$0xAD20] =	vst.add.f32.msk $0xffff, v53  }
0x3f1: {  	[tilespmem:s12+$0xAD40] =	vst.add.f32.msk $0xffff, v62;
	(xrf2) =	vadd.scan.msk.f32 $0xffff, v7;
	v7 =	vmul.f32 v32, v20;
	v46 =	vpop (erf)  }
0x3f2: {  	s0 =	sadd.s32 s26, s0;
	[tilespmem:s12+$0xAD30] =	vst.add.f32.msk $0xffff, v56;
	v20 =	vadd.f32 $1.000000000e+00, v46;
	v0 =	vmul.f32 v34, v0  }
0x3f3: {  	v52 =	vmov s0;
	v17 =	vmul.f32 v32, v16;
	[tilespmem:s12+$0xB100] =	vst.add.f32.msk $0xffff, v7  }
0x3f4: {  	v7 =	vmul.f32 v32, v37;
	(erf) = vrcp.f32 v20;
	[tilespmem:s11+$0xB110] =	vst.add.f32.msk $0xffff, v0;
	v0 =	vand.u32 $0xFFFFFFFB, v52  }
0x3f5: {  	[tilespmem:s12+$0xAD70] =	vst.add.f32.msk $0xffff, v17;
	v12 =	vmul.f32 v32, v63;
	v0 =	vbroadcast v0, $0x0  }
0x3f6: {  	[tilespmem:s12+$0xB120] =	vst.add.f32.msk $0xffff, v7;
	v7 =	vmul.f32 v32, v39  }
0x3f7: {  	[tilespmem:s12+$0xAD50] =	vst.add.f32.msk $0xffff, v12  }
0x3f8: {  	[tilespmem:s12+$0xB140] =	vst.add.f32.msk $0xffff, v7;
	v7 =	vmul.f32 v32, v41  }
0x3f9: {  	[tilespmem:s12+$0xB110] =	vst.add.f32.msk $0xffff, v36  }
0x3fa: {  	[tilespmem:s12+$0xB160] =	vst.add.f32.msk $0xffff, v7  }
0x3fb: {  	[tilespmem:v0+s20+$0x0] =	vst.idx.msk $0x1, v32;
	v0 =	vld [tilespmem:$0x1FE20]  }
0x3fc: {  	s17 =	sadd.f32 s9, s23  }
0x3fd: {  	v63 =	vpop (erf)  }
0x3fe: {  	s31 =	spop (v2sf);
	v35 =	vmul.f32 s17, v63  }
0x3ff: {  	s10 =	sshll.u32 s31, $0x7;
	s21 =	sshll.u32 s31, $0x8  }
0x400: {  	s10 =	sand.u32 $0x380, s10;
	s30 =	sand.u32 $0xFFFFF800, s21;
	v0 =	vmul.f32 v35, v0  }
0x401: {  	s10 =	sor.u32 s10, s30  }
0x402: {  	[tilespmem:s10+$0xAD10] =	vst.add.f32.msk $0xffff, v0  }
0x403: {  	v0 =	vld [tilespmem:$0x1FE40];
	_ =	sdelay $0x4  }
0x404: {  	v0 =	vmul.f32 v35, v0;
	_ =	sdelay $0x1  }
0x405: {  	[tilespmem:s10+$0xAD30] =	vst.add.f32.msk $0xffff, v0  }
0x406: {  	v0 =	vld [tilespmem:$0x1FE60];
	_ =	sdelay $0x4  }
0x407: {  	v0 =	vmul.f32 v35, v0;
	_ =	sdelay $0x1  }
0x408: {  	[tilespmem:s10+$0xAD50] =	vst.add.f32.msk $0xffff, v0  }
0x409: {  	v0 =	vld [tilespmem:$0x1FE80];
	_ =	sdelay $0x4  }
0x40a: {  	v0 =	vmul.f32 v35, v0;
	_ =	sdelay $0x1  }
0x40b: {  	[tilespmem:s10+$0xAD70] =	vst.add.f32.msk $0xffff, v0  }
0x40c: {  	v0 =	vld [tilespmem:$0x1FEA0];
	_ =	sdelay $0x1  }
0x40d: {  	s4 =	spop (v2sf)  }
0x40e: {  	s16 =	spop (v2sf)  }
0x40f: {  	v9 =	vld [tilespmem:$0x1FE00];
	s12 =	sadd.f32 s16, s24  }
0x410: {  	v45 =	vld [tilespmem:$0x1FD30];
	v0 =	vmul.f32 v35, v0  }
0x411: {  	v42 =	vld [tilespmem:$0x1FD10];
	v48 =	vmov s12  }
0x412: {  	v49 =	vsub.f32 $0.0e+00, v48;
	[tilespmem:s10+$0xB110] =	vst.add.f32.msk $0xffff, v0  }
0x413: {  	v0 =	vld [tilespmem:$0x1FEC0]  }
0x414: {  	v38 =	vld.idx.msk [tilespmem:v33+s29+$0xA000 ss:$0x1], $0xffff;
	v20 =	vmul.f32 $1.442695020e+00, v49  }
0x415: {  	v50 =	vld [tilespmem:$0x1FD70]  }
0x416: {  	v47 =	vld [tilespmem:$0x1FD50];
	v20 =	vbroadcast v20, $0x0  }
0x417: {  	v51 =	vld [tilespmem:$0x1FD90];
	v7 =	vmul.f32 v34, v42  }
0x418: {  	v57 =	vld [tilespmem:$0x1FDD0];
	(erf) = vpow2.f32 v20;
	v0 =	vmul.f32 v35, v0  }
0x419: {  	[tilespmem:s11+$0xAD00] =	vst.add.f32.msk $0xffff, v7  }
0x41a: {  	[tilespmem:s10+$0xB130] =	vst.add.f32.msk $0xffff, v0  }
0x41b: {  	v7 =	vmul.f32 v34, v45;
	v0 =	vld [tilespmem:$0x1FEE0]  }
0x41c: {  	v60 =	vld [tilespmem:$0x1FDE0]  }
0x41d: {  	[tilespmem:s11+$0xAD20] =	vst.add.f32.msk $0xffff, v7;
	v7 =	vmul.f32 v34, v47  }
0x41e: {  	v53 =	vld [tilespmem:$0x1FDB0]  }
0x41f: {  	(v2sf) =	vpush v38, $0x0;
	v43, _, _ =	vpop (xrf2);
	[tilespmem:s11+$0xAD40] =	vst.add.f32.msk $0xffff, v7;
	v7 =	vmul.f32 v34, v50  }
0x420: {  	v56 =	vld [tilespmem:$0x1FDC0];
	v44, _, _ =	vpop (xrf2);
	v0 =	vmul.f32 v35, v0  }
0x421: {  	(v2sf) =	vpush v43, $0xF;
	[tilespmem:s11+$0xAD60] =	vst.add.f32.msk $0xffff, v7;
	v14 =	vpop (erf)  }
0x422: {  	(v2sf) =	vpush v44, $0xF;
	v36 =	vadd.f32 $1.000000000e+00, v14;
	[tilespmem:s10+$0xB150] =	vst.add.f32.msk $0xffff, v0  }
0x423: {  	v7 =	vmul.f32 v34, v51;
	v0 =	vld [tilespmem:$0x1FF00]  }
0x424: {  	v61 =	vld [tilespmem:$0x1FDF0];
	v55 =	vmul.f32 v34, v53;
	(erf) = vrcp.f32 v36  }
0x425: {  	s3 =	sadd.s32 s26, s3;
	[tilespmem:s11+$0xB100] =	vst.add.f32.msk $0xffff, v7;
	v7 =	vmul.f32 v34, v56  }
0x426: {  	v12 =	vmov s3;
	v58 =	vmul.f32 v34, v57;
	[tilespmem:s11+$0xB120] =	vst.add.f32.msk $0xffff, v55  }
0x427: {  	[tilespmem:s11+$0xB130] =	vst.add.f32.msk $0xffff, v7;
	v7 =	vmul.f32 v34, v60;
	v20 =	vand.u32 $0xFFFFFFFC, v12  }
0x428: {  	[tilespmem:s11+$0xB140] =	vst.add.f32.msk $0xffff, v58;
	v20 =	vbroadcast v20, $0x0;
	v0 =	vmul.f32 v35, v0  }
0x429: {  	[tilespmem:s11+$0xB150] =	vst.add.f32.msk $0xffff, v7  }
0x42a: {  	v62 =	vmul.f32 v34, v61;
	[tilespmem:s10+$0xB170] =	vst.add.f32.msk $0xffff, v0  }
0x42b: {  	v7 =	vmul.f32 v34, v9;
	v0 =	vld [tilespmem:$0x1FF10]  }
0x42c: {  	[tilespmem:s11+$0xB160] =	vst.add.f32.msk $0xffff, v62;
	s16 =	sadd.f32 s4, s23  }
0x42d: {  	[tilespmem:s11+$0xB170] =	vst.add.f32.msk $0xffff, v7;
	v44 =	vpop (erf)  }
0x42e: {  	s18 =	spop (v2sf);
	[tilespmem:v20+s20+$0x0] =	vst.idx.msk $0x1, v34;
	v34 =	vmul.f32 s16, v44  }
0x42f: {  	s17 =	sshll.u32 s18, $0x8;
	s18 =	sshll.u32 s18, $0x7  }
0x430: {  	s0 =	spop (v2sf);
	s3 =	sand.u32 $0xFFFFF800, s17;
	s4 =	sand.u32 $0x380, s18;
	v0 =	vmul.f32 v34, v0  }
0x431: {  	s31 =	spop (v2sf);
	s3 =	sor.u32 s4, s3  }
0x432: {  	s13 =	sadd.f32 s31, s24;
	[tilespmem:s3+$0xAD00] =	vst.add.f32.msk $0xffff, v0  }
0x433: {  	v0 =	vld [tilespmem:$0x1FF30]  }
0x434: {  	v13 =	vmov s13  }
0x435: {  	v32 =	vsub.f32 $0.0e+00, v13;
	_ =	sdelay $0x1  }
0x436: {  	v32 =	vmul.f32 $1.442695020e+00, v32  }
0x437: {  	v11 =	vld [tilespmem:$0x1FE30];
	v0 =	vmul.f32 v34, v0  }
0x438: {  	v10 =	vld [tilespmem:$0x1FE10];
	v32 =	vbroadcast v32, $0x0  }
0x439: {  	[tilespmem:s3+$0xAD20] =	vst.add.f32.msk $0xffff, v0  }
0x43a: {  	(erf) = vpow2.f32 v32;
	v0 =	vld [tilespmem:$0x1FF50]  }
0x43b: {  	v19 =	vld [tilespmem:$0x1FEB0]  }
0x43c: {  	v43 =	vld.idx.msk [tilespmem:v33+s2+$0xA000 ss:$0x1], $0xffff  }
0x43d: {  	v16 =	vld [tilespmem:$0x1FE70]  }
0x43e: {  	v15 =	vld [tilespmem:$0x1FE50]  }
0x43f: {  	v17 =	vld [tilespmem:$0x1FE90];
	v0 =	vmul.f32 v34, v0  }
0x440: {  	v53 =	vld [tilespmem:$0x1FFA0]  }
0x441: {  	(v2sf) =	vpush v43, $0x0;
	[tilespmem:s3+$0xAD40] =	vst.add.f32.msk $0xffff, v0  }
0x442: {  	v0 =	vld [tilespmem:$0x1FF70]  }
0x443: {  	v41 =	vld [tilespmem:$0x1FED0];
	v48 =	vpop (erf)  }
0x444: {  	v45 =	vld [tilespmem:$0x1FEF0];
	v50 =	vadd.f32 $1.000000000e+00, v48  }
0x445: {  	v47 =	vld [tilespmem:$0x1FF20]  }
0x446: {  	v51 =	vld [tilespmem:$0x1FF60];
	(erf) = vrcp.f32 v50  }
0x447: {  	v56 =	vld [tilespmem:$0x1FFC0];
	v0 =	vmul.f32 v34, v0  }
0x448: {  	v60 =	vld [tilespmem:$0x1FFE0]  }
0x449: {  	v7 =	vmul.f32 v35, v10;
	[tilespmem:s3+$0xAD60] =	vst.add.f32.msk $0xffff, v0  }
0x44a: {  	v42 =	vmul.f32 v35, v41;
	v0 =	vld [tilespmem:$0x1FF90]  }
0x44b: {  	v46 =	vmul.f32 v35, v45;
	[tilespmem:s10+$0xAD00] =	vst.add.f32.msk $0xffff, v7  }
0x44c: {  	v7 =	vmul.f32 v35, v11;
	[tilespmem:s10+$0xB140] =	vst.add.f32.msk $0xffff, v42  }
0x44d: {  	[tilespmem:s10+$0xB160] =	vst.add.f32.msk $0xffff, v46  }
0x44e: {  	s0 =	sadd.f32 s0, s23;
	[tilespmem:s10+$0xAD20] =	vst.add.f32.msk $0xffff, v7;
	v7 =	vmul.f32 v35, v15  }
0x44f: {  	v49 =	vld [tilespmem:$0x1FF40];
	v61 =	vpop (erf);
	v0 =	vmul.f32 v34, v0  }
0x450: {  	s21 =	sadd.s32 s26, s29;
	[tilespmem:s10+$0xAD40] =	vst.add.f32.msk $0xffff, v7;
	s29 =	spop (v2sf);
	v8 =	vmul.f32 s0, v61  }
0x451: {  	v7 =	vmul.f32 v35, v16;
	s30 =	sshll.u32 s29, $0x8;
	s0 =	sshll.u32 s29, $0x7;
	[tilespmem:s3+$0xB100] =	vst.add.f32.msk $0xffff, v0  }
0x452: {  	s31 =	sand.u32 $0xFFFFF800, s30;
	s0 =	sand.u32 $0x380, s0;
	v2 =	vmul.f32 v8, v2;
	v0 =	vld [tilespmem:$0x1FFB0]  }
0x453: {  	[tilespmem:s10+$0xAD60] =	vst.add.f32.msk $0xffff, v7;
	v7 =	vmul.f32 v35, v17;
	s0 =	sor.u32 s0, s31  }
0x454: {  	[tilespmem:s0+$0xAD50] =	vst.add.f32.msk $0xffff, v2;
	v2 =	vmul.f32 v8, v26  }
0x455: {  	[tilespmem:s10+$0xB100] =	vst.add.f32.msk $0xffff, v7;
	v7 =	vmul.f32 v35, v19  }
0x456: {  	[tilespmem:s0+$0xAD70] =	vst.add.f32.msk $0xffff, v2;
	v2 =	vmul.f32 v8, v27  }
0x457: {  	[tilespmem:s10+$0xB120] =	vst.add.f32.msk $0xffff, v7;
	v0 =	vmul.f32 v34, v0  }
0x458: {  	[tilespmem:s0+$0xB110] =	vst.add.f32.msk $0xffff, v2  }
0x459: {  	s14 =	sadd.s32 s26, s5;
	v62 =	vmul.f32 v34, v54;
	[tilespmem:s3+$0xB120] =	vst.add.f32.msk $0xffff, v0  }
0x45a: {  	v24 =	vmov s14;
	v2 =	vmul.f32 v8, v23;
	v0 =	vld [tilespmem:$0x1FFD0]  }
0x45b: {  	v40 =	vand.u32 $0xFFFFFFFD, v24;
	[tilespmem:s3+$0xB170] =	vst.add.f32.msk $0xffff, v62;
	v63 =	vmul.f32 v8, v59  }
0x45c: {  	v7 =	vbroadcast v40, $0x0;
	[tilespmem:s0+$0xB130] =	vst.add.f32.msk $0xffff, v2;
	v2 =	vmul.f32 v8, v28  }
0x45d: {  	v3 =	vmul.f32 v8, v3;
	[tilespmem:s0+$0xAD10] =	vst.add.f32.msk $0xffff, v63  }
0x45e: {  	[tilespmem:s0+$0xB150] =	vst.add.f32.msk $0xffff, v2;
	v2 =	vmul.f32 v8, v31  }
0x45f: {  	[tilespmem:s0+$0xAD30] =	vst.add.f32.msk $0xffff, v3;
	v0 =	vmul.f32 v34, v0  }
0x460: {  	[tilespmem:s0+$0xB170] =	vst.add.f32.msk $0xffff, v2  }
0x461: {  	[tilespmem:s3+$0xB140] =	vst.add.f32.msk $0xffff, v0;
	v0 =	vmul.f32 v34, v18  }
0x462: {  	v52 =	vld [tilespmem:$0x1FF80];
	[tilespmem:v7+s20+$0x0] =	vst.idx.msk $0x1, v35;
	v7 =	vmul.f32 v34, v47  }
0x463: {  	[tilespmem:s3+$0xB160] =	vst.add.f32.msk $0xffff, v0;
	v0 =	vmul.f32 v8, v5  }
0x464: {  	[tilespmem:s3+$0xAD10] =	vst.add.f32.msk $0xffff, v7;
	v7 =	vmul.f32 v34, v49  }
0x465: {  	[tilespmem:s0+$0xAD00] =	vst.add.f32.msk $0xffff, v0;
	v0 =	vmul.f32 v8, v4  }
0x466: {  	[tilespmem:s3+$0xAD30] =	vst.add.f32.msk $0xffff, v7;
	v7 =	vmul.f32 v34, v51  }
0x467: {  	[tilespmem:s0+$0xAD20] =	vst.add.f32.msk $0xffff, v0;
	v0 =	vmul.f32 v8, v6  }
0x468: {  	[tilespmem:s3+$0xAD50] =	vst.add.f32.msk $0xffff, v7;
	v7 =	vmul.f32 v34, v52  }
0x469: {  	[tilespmem:s0+$0xAD40] =	vst.add.f32.msk $0xffff, v0;
	v0 =	vmul.f32 v8, v30  }
0x46a: {  	v55 =	vmov s21;
	[tilespmem:s3+$0xAD70] =	vst.add.f32.msk $0xffff, v7;
	v7 =	vmul.f32 v34, v53  }
0x46b: {  	v57 =	vand.u32 $0xFFFFFFFE, v55;
	[tilespmem:s0+$0xAD60] =	vst.add.f32.msk $0xffff, v0;
	v0 =	vmul.f32 v8, v21  }
0x46c: {  	v58 =	vbroadcast v57, $0x0;
	[tilespmem:s3+$0xB110] =	vst.add.f32.msk $0xffff, v7;
	v7 =	vmul.f32 v34, v56  }
0x46d: {  	[tilespmem:s0+$0xB100] =	vst.add.f32.msk $0xffff, v0;
	v0 =	vmul.f32 v8, v22  }
0x46e: {  	s2 =	sadd.s32 s26, s2;
	[tilespmem:s3+$0xB130] =	vst.add.f32.msk $0xffff, v7;
	v7 =	vmul.f32 v34, v60  }
0x46f: {  	p2 =	seq.s32 s28, $0x4;
	v3 =	vmov s2;
	[tilespmem:s0+$0xB120] =	vst.add.f32.msk $0xffff, v0;
	v0 =	vmul.f32 v8, v25  }
.Ltmp4:
0x470: {  	[tilespmem:s3+$0xB150] =	vst.add.f32.msk $0xffff, v7;
	(pc) =	sbr.rel @!p2 .LBB2_7-.Ltmp4, $4  }
0x471: {  	[tilespmem:s0+$0xB140] =	vst.add.f32.msk $0xffff, v0;
	v0 =	vmul.f32 v8, v29  }
0x472: {  	[tilespmem:v58+s20+$0x0] =	vst.idx.msk $0x1, v34  }
0x473: {  	[tilespmem:s0+$0xB160] =	vst.add.f32.msk $0xffff, v0  }
0x474: {  	s28 =	sadd.s32 $0x1, s28;
	[tilespmem:v3+s20+$0x0] =	vst.idx.msk $0x1, v8  }
.Ltmp5:
0x475: {  	(pc) =	sbr.rel @!p1 .LBB2_6-.Ltmp5, $4  }
.Ltmp6:
0x476: {  	(pc) =	sbr.rel @p1 .LBB2_8-.Ltmp6, $4  }
0x477: {  	_ = 	snop  }
0x478: {  	_ = 	snop  }
0x479: {  	_ = 	snop  }
0x47a: {  	_ = 	snop  }
.LBB2_9:
0x47b: {  	_ =	sfence.sel $0x180000  }
0x47c: {  	[bflag:$0x0] =	sbarrier.arrive $0xFFFF  }
0x47d: {  	_ =	strace $0x90000047  }
0x47e: {  	s0 =	stileid.u32;
	[bflag:$0x2] =	sbarrier.arrive $0xFFFF  }
0x47f: {  	p0 =	sne.s32 s0, $0x0;
	s0 =	rddreg [dreg:$0x6]  }
0x480: {  	s0 =	sadd.s32 @!p0 $0x100000, s0  }
0x481: {  	[sflag:s0] =	ssyncadd.tile.s32 @!p0 $0x1;
	_ =	shalt  }
.Lfunc_end2:
_tile_overlayer_lowered:
.L_overlay_start_2:
0x482: {  	(tag) =	ssettag $0x2  }
0x483: {  	s0 =	rddreg [dreg:$0x0];
	s2 =	stileid.u32  }
0x484: {  	s1 =	rddreg [dreg:$0x1];
	p0 =	sne.s32 s2, $0x0  }
0x485: {  	s3 =	rddreg [dreg:$0x2];
	[bflag:$0x3] =	sbarrier.arrive $0xFFFF;
	s2 =	simm.s32 @!p0 $0x1C02  }
0x486: {  	[timem:s3], [sflag:s2] =	dma.local @!p0 [hbm:s0], s1  }
0x487: {  	s0 =	simm.s32 @!p0 $0x2  }
0x488: {  	_ =	swait.ge @!p0 [sflag:s0], s1  }
0x489: {  	s1 =	ssub.s32 @!p0 $0x0, s1;
	[sflag:s0] =	ssyncset.done @!p0 $0x0  }
0x48a: {  	[sflag:s0] =	ssyncadd.s32 @!p0 s1  }
0x48b: {  	[bflag:$0x3] =	sbarrier.arrive $0xFFFF  }
0x48c: {  	_ =	shalt  }

</sc_bundles>
